<compile_context>
chip_gen: v7x
topology: tpu7x:2x2x1
jax: 0.10.2.dev20260603
libtpu: 0.0.44.dev20260713+nightly
codegen_flags: <defaults>
</compile_context>

<pallas_src>
import jax
import jax.numpy as jnp
from jax import lax
from jax.experimental import pallas as pl
from jax.experimental.pallas import tpu as pltpu
from jax.experimental.pallas import tpu_sc as plsc

N = 10000
D = 128
NP = 10112
RPS = NP // 16
CHUNK = 128
NTILES = 32
NBUF = 4
NGB = 2


def _cdiv(a, b):
    return (a + b - 1) // b


def _make_seg(cpt):
    assert cpt % NBUF == 0 and cpt % 8 == 0
    mesh = plsc.VectorSubcoreMesh(core_axis_name="c", subcore_axis_name="s")

    def body(table, src3d, dst2d, z128, out,
             sidx, didx, rows, acc, gs0, gs1, is0, is1, is2, is3):
        gsem = (gs0, gs1)
        isem = (is0, is1, is2, is3)
        c = lax.axis_index("c")
        s = lax.axis_index("s")
        wid = s * 2 + c
        r0 = s * RPS
        base = wid * cpt

        def idx_start(chunk, bi):
            pltpu.async_copy(src3d.at[base + chunk],
                             sidx.at[pl.ds(bi, 1)], isem[bi])

        def idx_wait(bi):
            pltpu.make_async_copy(src3d.at[0],
                                  sidx.at[pl.ds(bi, 1)], isem[bi]).wait()

        def gather_start(bi, bg):
            pltpu.async_copy(table.at[sidx.at[bi]], rows.at[bg], gsem[bg])

        def gather_wait(bg):
            pltpu.make_async_copy(table.at[sidx.at[0]],
                                  rows.at[bg], gsem[bg]).wait()

        for j in range(NBUF):
            idx_start(j, j)
        for j in range(NGB):
            idx_wait(j)
            gather_start(j, j)
        pltpu.sync_copy(dst2d.at[pl.ds(base, cpt)], didx)
        pltpu.sync_copy(z128.at[pl.ds(r0, RPS)], acc.at[pl.ds(r0, RPS)])
        plsc.subcore_barrier()

        def group(g, _):
            for b in range(NBUF):
                chunk = g * NBUF + b
                bg = b % NGB
                gather_wait(bg)
                pltpu.sync_copy(rows.at[bg], acc.at[didx.at[chunk]],
                                add=True)
                ni = chunk + NBUF

                @pl.when(ni < cpt)
                def _():
                    idx_start(ni, b)
                ng = chunk + NGB

                @pl.when(ng < cpt)
                def _():
                    idx_wait((b + NGB) % NBUF)
                    gather_start((b + NGB) % NBUF, bg)
            return 0
        lax.fori_loop(0, cpt // NBUF, group, 0)

        plsc.subcore_barrier()
        pltpu.sync_copy(acc.at[pl.ds(r0, RPS)], out.at[c, pl.ds(r0, RPS)])

    return pl.kernel(
        body,
        out_type=[jax.ShapeDtypeStruct((2, NP, D), jnp.float32)],
        mesh=mesh,
        scratch_types=[
            pltpu.VMEM((NBUF, CHUNK), jnp.int32),
            pltpu.VMEM((cpt, CHUNK), jnp.int32),
            pltpu.VMEM((NGB, CHUNK, D), jnp.float32),
            pltpu.VMEM_SHARED((NP, D), jnp.float32),
            pltpu.SemaphoreType.DMA,
            pltpu.SemaphoreType.DMA,
            pltpu.SemaphoreType.DMA,
            pltpu.SemaphoreType.DMA,
            pltpu.SemaphoreType.DMA,
            pltpu.SemaphoreType.DMA,
        ],
    )


def _make_counts(cpt):
    mesh = plsc.VectorSubcoreMesh(core_axis_name="c", subcore_axis_name="s")

    def body(dstE, dstK, z128, o128, ce_out, ck_out, didx, ones, acc):
        c = lax.axis_index("c")
        s = lax.axis_index("s")
        wid = s * 2 + c
        r0 = s * RPS
        pltpu.sync_copy(o128.at[pl.ds(0, CHUNK)], ones)

        for dst, out in ((dstE, ce_out), (dstK, ck_out)):
            pltpu.sync_copy(dst.at[pl.ds(wid * cpt, cpt)], didx)
            pltpu.sync_copy(z128.at[pl.ds(r0, RPS)], acc.at[pl.ds(r0, RPS)])
            plsc.subcore_barrier()

            def step(j, _):
                pltpu.sync_copy(ones, acc.at[didx.at[j]], add=True)
                return 0
            lax.fori_loop(0, cpt, step, 0)

            plsc.subcore_barrier()
            pltpu.sync_copy(acc.at[pl.ds(r0, RPS)], out.at[c, pl.ds(r0, RPS)])

    return pl.kernel(
        body,
        out_type=[jax.ShapeDtypeStruct((2, NP, D), jnp.float32),
                  jax.ShapeDtypeStruct((2, NP, D), jnp.float32)],
        mesh=mesh,
        scratch_types=[
            pltpu.VMEM((cpt, CHUNK), jnp.int32),
            pltpu.VMEM((CHUNK, D), jnp.float32),
            pltpu.VMEM_SHARED((NP, D), jnp.float32),
        ],
    )


def _pad_edges(ei, total_chunks):
    total = total_chunks * CHUNK
    pad = total - ei.shape[1]
    src = jnp.concatenate([ei[0], jnp.zeros((pad,), jnp.int32)])
    dst = jnp.concatenate([ei[1], jnp.full((pad,), N, jnp.int32)])
    return src.reshape(-1, 1, CHUNK), dst.reshape(-1, CHUNK)


_ROWS = 1000


def _mm_t(a, w):
    return lax.dot_general(a, w, (((1,), (1,)), ((), ())),
                           preferred_element_type=jnp.float32)


def _sage_body(p_ref, c_ref, x_ref, wl_ref, bl_ref, wr_ref, o_ref):
    ssum = p_ref[0] + p_ref[1]
    cnt = c_ref[0, :, 0:1] + c_ref[1, :, 0:1]
    m = ssum / jnp.maximum(cnt, 1.0)
    o = _mm_t(m, wl_ref[...]) + bl_ref[...] + _mm_t(x_ref[...], wr_ref[...])
    nrm = jnp.sqrt(jnp.sum(o * o, axis=-1, keepdims=True))
    o = o / jnp.maximum(nrm, 1e-12)
    o_ref[...] = jnp.maximum(o, 0.0)


def _head_body(p_ref, c_ref, wlin_ref, blin_ref, o_ref):
    ssum = p_ref[0] + p_ref[1]
    cnt = c_ref[0, :, 0:1] + c_ref[1, :, 0:1]
    m = ssum / jnp.maximum(cnt, 1.0)
    o_ref[...] = _mm_t(m, wlin_ref[...]) + blin_ref[...]


def _sage_tc(p, cnt, x, Wl, bl, Wr):
    grid = (N // _ROWS,)
    return pl.pallas_call(
        _sage_body,
        grid=grid,
        in_specs=[
            pl.BlockSpec((2, _ROWS, D), lambda i: (0, i, 0)),
            pl.BlockSpec((2, _ROWS, D), lambda i: (0, i, 0)),
            pl.BlockSpec((_ROWS, D), lambda i: (i, 0)),
            pl.BlockSpec((D, D), lambda i: (0, 0)),
            pl.BlockSpec((1, D), lambda i: (0, 0)),
            pl.BlockSpec((D, D), lambda i: (0, 0)),
        ],
        out_specs=pl.BlockSpec((_ROWS, D), lambda i: (i, 0)),
        out_shape=jax.ShapeDtypeStruct((N, D), jnp.float32),
    )(p, cnt, x, Wl, bl.reshape(1, D), Wr)


def _head_tc(p, cnt, Wlin, blin):
    grid = (N // _ROWS,)
    return pl.pallas_call(
        _head_body,
        grid=grid,
        in_specs=[
            pl.BlockSpec((2, _ROWS, D), lambda i: (0, i, 0)),
            pl.BlockSpec((2, _ROWS, D), lambda i: (0, i, 0)),
            pl.BlockSpec((D, D), lambda i: (0, 0)),
            pl.BlockSpec((1, D), lambda i: (0, 0)),
        ],
        out_specs=pl.BlockSpec((_ROWS, D), lambda i: (i, 0)),
        out_shape=jax.ShapeDtypeStruct((N, D), jnp.float32),
    )(p, cnt, Wlin, blin.reshape(1, D))


def kernel(x, edge_index, k_hop_edge_index, Wl1, bl1, Wr1, Wl2, bl2, Wr2,
           Wlin, blin):
    nch = max(_cdiv(edge_index.shape[1], CHUNK),
              _cdiv(k_hop_edge_index.shape[1], CHUNK))
    cpt = _cdiv(nch, NTILES * 8) * 8
    total_chunks = NTILES * cpt
    srcE, dstE = _pad_edges(edge_index, total_chunks)
    srcK, dstK = _pad_edges(k_hop_edge_index, total_chunks)
    z128 = jnp.zeros((NP, D), jnp.float32)
    o128 = jnp.ones((CHUNK, D), jnp.float32)

    seg = _make_seg(cpt)
    counts = _make_counts(cpt)

    ce, ck = counts(dstE, dstK, z128, o128)
    (p1,) = seg(x, srcE, dstE, z128)
    h1 = _sage_tc(p1, ce, x, Wl1, bl1, Wr1)
    (p2,) = seg(h1, srcE, dstE, z128)
    h2 = _sage_tc(p2, ce, h1, Wl2, bl2, Wr2)
    (p3,) = seg(h2, srcK, dstK, z128)
    return _head_tc(p3, ck, Wlin, blin)

# --- scband reference (transcript-rebuilt; emitter-appended) ---
"""Pipeline reference for scband-gnn-sp-49134425866247 (READ-ONLY COPY).

The authoritative reference and input builder live on the scoring server;
editing this copy changes nothing except your own understanding.
"""

import jax, jax.numpy as jnp
import numpy as np

N = 10000
E = 320000
EK = 320000
D = 128
H = 128
O = 128


def segment_mean(msg, dst, n):
    s = jax.ops.segment_sum(msg, dst, num_segments=n)
    c = jax.ops.segment_sum(jnp.ones((msg.shape[0],), msg.dtype), dst, num_segments=n)
    return s / jnp.clip(c, 1.0)[:, None]


def sage_conv(x, ei, Wl, bl, Wr):
    # PyG SAGEConv(aggr='mean', normalize=True, root_weight=True):
    # out = lin_l(mean_j x_j) + lin_r(x_i); lin_r has no bias; then L2-normalize rows
    m = segment_mean(x[ei[0]], ei[1], x.shape[0])
    out = m @ Wl.T + bl + x @ Wr.T
    nrm = jnp.linalg.norm(out, axis=-1, keepdims=True)
    return out / jnp.clip(nrm, 1e-12)


def setup_inputs(seed: int = 0) -> dict:
    key = jax.random.key(seed)
    ks = jax.random.split(key, 12)
    x = jax.random.normal(ks[0], (N, D), dtype=jnp.float32)
    edge_index = jax.random.randint(ks[1], (2, E), 0, N, dtype=jnp.int32)
    k_hop_edge_index = jax.random.randint(ks[2], (2, EK), 0, N, dtype=jnp.int32)
    Wl1 = jax.random.normal(ks[3], (H, D), dtype=jnp.float32) * 0.05
    bl1 = jnp.zeros((H,), dtype=jnp.float32)
    Wr1 = jax.random.normal(ks[4], (H, D), dtype=jnp.float32) * 0.05
    Wl2 = jax.random.normal(ks[5], (H, H), dtype=jnp.float32) * 0.05
    bl2 = jnp.zeros((H,), dtype=jnp.float32)
    Wr2 = jax.random.normal(ks[6], (H, H), dtype=jnp.float32) * 0.05
    Wlin = jax.random.normal(ks[7], (O, H), dtype=jnp.float32) * 0.05
    blin = jnp.zeros((O,), dtype=jnp.float32)
    return {"x": x, "edge_index": edge_index, "k_hop_edge_index": k_hop_edge_index,
            "Wl1": Wl1, "bl1": bl1, "Wr1": Wr1,
            "Wl2": Wl2, "bl2": bl2, "Wr2": Wr2,
            "Wlin": Wlin, "blin": blin}


def reference(x, edge_index, k_hop_edge_index, Wl1, bl1, Wr1, Wl2, bl2, Wr2, Wlin, blin):
    # encode: 2 SAGE layers, ReLU activation, dropout=0 (noop)
    z = jax.nn.relu(sage_conv(x, edge_index, Wl1, bl1, Wr1))
    z = jax.nn.relu(sage_conv(z, edge_index, Wl2, bl2, Wr2))
    # pooling: Aggregator('mean') over k-hop edges -> segment mean of neighbor feats
    z = segment_mean(z[k_hop_edge_index[0]], k_hop_edge_index[1], z.shape[0])
    # predict: final linear head
    return z @ Wlin.T + blin

if __name__ == "__main__":
    import jax
    _d = setup_inputs()
    print(jax.jit(kernel)(*tuple(_d.values())))

</pallas_src>

<mosaic_0001>
#map = affine_map<(d0, d1) -> (0, 0)>
#map1 = affine_map<(d0, d1) -> (0, 0, 0)>
module attributes {stable_mosaic.version = 14 : i64} {
  func.func @body(%arg0: i32, %arg1: i32, %arg2: memref<10000x128xf32, #tpu.memory_space<hbm>>, %arg3: memref<2560x1x128xi32, #tpu.memory_space<hbm>>, %arg4: memref<2560x128xi32, #tpu.memory_space<hbm>>, %arg5: memref<10112x128xf32, #tpu.memory_space<hbm>>, %arg6: memref<2x10112x128xf32, #tpu.memory_space<hbm>>, %arg7: memref<4x128xi32, #tpu.memory_space<vmem>>, %arg8: memref<80x128xi32, #tpu.memory_space<vmem>>, %arg9: memref<2x128x128xf32, #tpu.memory_space<vmem>>, %arg10: memref<10112x128xf32, #tpu.memory_space<vmem_shared>>, %arg11: memref<!tpu.dma_semaphore, #tpu.memory_space<semaphore_mem>>, %arg12: memref<!tpu.dma_semaphore, #tpu.memory_space<semaphore_mem>>, %arg13: memref<!tpu.dma_semaphore, #tpu.memory_space<semaphore_mem>>, %arg14: memref<!tpu.dma_semaphore, #tpu.memory_space<semaphore_mem>>, %arg15: memref<!tpu.dma_semaphore, #tpu.memory_space<semaphore_mem>>, %arg16: memref<!tpu.dma_semaphore, #tpu.memory_space<semaphore_mem>>) attributes {dimension_semantics = [#tpu.dimension_semantics<core_parallel>, #tpu.dimension_semantics<subcore_parallel>], iteration_bounds = array<i64: 2, 16>, scalar_prefetch = 0 : i64, scratch_operands = 10 : i64, tpu.core_type = #tpu.core_type<sc_vector_subcore>, window_params = [{transform_indices = #map}, {transform_indices = #map1}, {transform_indices = #map}, {transform_indices = #map}, {transform_indices = #map1}]} {
    %mul3A = arith.constant 2 : i32
    %mul3A_0 = arith.muli %arg1, %mul3A : i32
    %add3A = arith.addi %mul3A_0, %arg0 : i32
    %mul3A_1 = arith.constant 632 : i32
    %mul3A_2 = arith.muli %arg1, %mul3A_1 : i32
    %mul3A_3 = arith.constant 80 : i32
    %mul3A_4 = arith.muli %add3A, %mul3A_3 : i32
    %add3A_5 = arith.constant 0 : i32
    %add3A_6 = arith.addi %mul3A_4, %add3A_5 : i32
    %dma_start3A = arith.constant 0 : i32
    %dma_start3A_7 = arith.constant 0 : i32
    %dma_start3A_8 = tpu.memref_slice %arg7[%dma_start3A, %dma_start3A_7] : memref<4x128xi32, #tpu.memory_space<vmem>> -> memref<1x128xi32, #tpu.memory_space<vmem>>
    %dma_start3A_9 = arith.constant 0 : i32
    %dma_start3A_10 = arith.constant 0 : i32
    %dma_start3A_11 = tpu.memref_slice %arg3[%add3A_6, %dma_start3A_9, %dma_start3A_10] : memref<2560x1x128xi32, #tpu.memory_space<hbm>> -> memref<1x1x128xi32, #tpu.memory_space<hbm>>
    %dma_start3A_12 = tpu.memref_squeeze %dma_start3A_11 : memref<1x1x128xi32, #tpu.memory_space<hbm>> -> memref<1x128xi32, #tpu.memory_space<hbm>>
    %dma_start3A_13 = arith.constant 0 : i32
    %dma_start3A_14 = arith.constant 0 : i32
    %dma_start3A_15 = tpu.memref_slice %arg7[%dma_start3A_13, %dma_start3A_14] : memref<4x128xi32, #tpu.memory_space<vmem>> -> memref<1x128xi32, #tpu.memory_space<vmem>>
    %dma_start3A_16 = arith.constant 0 : i32
    %dma_start3A_17 = arith.constant 0 : i32
    %dma_start3A_18 = tpu.memref_slice %arg3[%add3A_6, %dma_start3A_16, %dma_start3A_17] : memref<2560x1x128xi32, #tpu.memory_space<hbm>> -> memref<1x1x128xi32, #tpu.memory_space<hbm>>
    %dma_start3A_19 = tpu.memref_squeeze %dma_start3A_18 : memref<1x1x128xi32, #tpu.memory_space<hbm>> -> memref<1x128xi32, #tpu.memory_space<hbm>>
    tpu.enqueue_dma source(%dma_start3A_19 : memref<1x128xi32, #tpu.memory_space<hbm>>) target(%dma_start3A_15 : memref<1x128xi32, #tpu.memory_space<vmem>>) target_semaphore(%arg13 : memref<!tpu.dma_semaphore, #tpu.memory_space<semaphore_mem>>)
    %add3A_20 = arith.constant 1 : i32
    %add3A_21 = arith.addi %mul3A_4, %add3A_20 : i32
    %dma_start3A_22 = arith.constant 1 : i32
    %dma_start3A_23 = arith.constant 0 : i32
    %dma_start3A_24 = tpu.memref_slice %arg7[%dma_start3A_22, %dma_start3A_23] : memref<4x128xi32, #tpu.memory_space<vmem>> -> memref<1x128xi32, #tpu.memory_space<vmem>>
    %dma_start3A_25 = arith.constant 0 : i32
    %dma_start3A_26 = arith.constant 0 : i32
    %dma_start3A_27 = tpu.memref_slice %arg3[%add3A_21, %dma_start3A_25, %dma_start3A_26] : memref<2560x1x128xi32, #tpu.memory_space<hbm>> -> memref<1x1x128xi32, #tpu.memory_space<hbm>>
    %dma_start3A_28 = tpu.memref_squeeze %dma_start3A_27 : memref<1x1x128xi32, #tpu.memory_space<hbm>> -> memref<1x128xi32, #tpu.memory_space<hbm>>
    %dma_start3A_29 = arith.constant 1 : i32
    %dma_start3A_30 = arith.constant 0 : i32
    %dma_start3A_31 = tpu.memref_slice %arg7[%dma_start3A_29, %dma_start3A_30] : memref<4x128xi32, #tpu.memory_space<vmem>> -> memref<1x128xi32, #tpu.memory_space<vmem>>
    %dma_start3A_32 = arith.constant 0 : i32
    %dma_start3A_33 = arith.constant 0 : i32
    %dma_start3A_34 = tpu.memref_slice %arg3[%add3A_21, %dma_start3A_32, %dma_start3A_33] : memref<2560x1x128xi32, #tpu.memory_space<hbm>> -> memref<1x1x128xi32, #tpu.memory_space<hbm>>
    %dma_start3A_35 = tpu.memref_squeeze %dma_start3A_34 : memref<1x1x128xi32, #tpu.memory_space<hbm>> -> memref<1x128xi32, #tpu.memory_space<hbm>>
    tpu.enqueue_dma source(%dma_start3A_35 : memref<1x128xi32, #tpu.memory_space<hbm>>) target(%dma_start3A_31 : memref<1x128xi32, #tpu.memory_space<vmem>>) target_semaphore(%arg14 : memref<!tpu.dma_semaphore, #tpu.memory_space<semaphore_mem>>)
    %add3A_36 = arith.constant 2 : i32
    %add3A_37 = arith.addi %mul3A_4, %add3A_36 : i32
    %dma_start3A_38 = arith.constant 2 : i32
    %dma_start3A_39 = arith.constant 0 : i32
    %dma_start3A_40 = tpu.memref_slice %arg7[%dma_start3A_38, %dma_start3A_39] : memref<4x128xi32, #tpu.memory_space<vmem>> -> memref<1x128xi32, #tpu.memory_space<vmem>>
    %dma_start3A_41 = arith.constant 0 : i32
    %dma_start3A_42 = arith.constant 0 : i32
    %dma_start3A_43 = tpu.memref_slice %arg3[%add3A_37, %dma_start3A_41, %dma_start3A_42] : memref<2560x1x128xi32, #tpu.memory_space<hbm>> -> memref<1x1x128xi32, #tpu.memory_space<hbm>>
    %dma_start3A_44 = tpu.memref_squeeze %dma_start3A_43 : memref<1x1x128xi32, #tpu.memory_space<hbm>> -> memref<1x128xi32, #tpu.memory_space<hbm>>
    %dma_start3A_45 = arith.constant 2 : i32
    %dma_start3A_46 = arith.constant 0 : i32
    %dma_start3A_47 = tpu.memref_slice %arg7[%dma_start3A_45, %dma_start3A_46] : memref<4x128xi32, #tpu.memory_space<vmem>> -> memref<1x128xi32, #tpu.memory_space<vmem>>
    %dma_start3A_48 = arith.constant 0 : i32
    %dma_start3A_49 = arith.constant 0 : i32
    %dma_start3A_50 = tpu.memref_slice %arg3[%add3A_37, %dma_start3A_48, %dma_start3A_49] : memref<2560x1x128xi32, #tpu.memory_space<hbm>> -> memref<1x1x128xi32, #tpu.memory_space<hbm>>
    %dma_start3A_51 = tpu.memref_squeeze %dma_start3A_50 : memref<1x1x128xi32, #tpu.memory_space<hbm>> -> memref<1x128xi32, #tpu.memory_space<hbm>>
    tpu.enqueue_dma source(%dma_start3A_51 : memref<1x128xi32, #tpu.memory_space<hbm>>) target(%dma_start3A_47 : memref<1x128xi32, #tpu.memory_space<vmem>>) target_semaphore(%arg15 : memref<!tpu.dma_semaphore, #tpu.memory_space<semaphore_mem>>)
    %add3A_52 = arith.constant 3 : i32
    %add3A_53 = arith.addi %mul3A_4, %add3A_52 : i32
    %dma_start3A_54 = arith.constant 3 : i32
    %dma_start3A_55 = arith.constant 0 : i32
    %dma_start3A_56 = tpu.memref_slice %arg7[%dma_start3A_54, %dma_start3A_55] : memref<4x128xi32, #tpu.memory_space<vmem>> -> memref<1x128xi32, #tpu.memory_space<vmem>>
    %dma_start3A_57 = arith.constant 0 : i32
    %dma_start3A_58 = arith.constant 0 : i32
    %dma_start3A_59 = tpu.memref_slice %arg3[%add3A_53, %dma_start3A_57, %dma_start3A_58] : memref<2560x1x128xi32, #tpu.memory_space<hbm>> -> memref<1x1x128xi32, #tpu.memory_space<hbm>>
    %dma_start3A_60 = tpu.memref_squeeze %dma_start3A_59 : memref<1x1x128xi32, #tpu.memory_space<hbm>> -> memref<1x128xi32, #tpu.memory_space<hbm>>
    %dma_start3A_61 = arith.constant 3 : i32
    %dma_start3A_62 = arith.constant 0 : i32
    %dma_start3A_63 = tpu.memref_slice %arg7[%dma_start3A_61, %dma_start3A_62] : memref<4x128xi32, #tpu.memory_space<vmem>> -> memref<1x128xi32, #tpu.memory_space<vmem>>
    %dma_start3A_64 = arith.constant 0 : i32
    %dma_start3A_65 = arith.constant 0 : i32
    %dma_start3A_66 = tpu.memref_slice %arg3[%add3A_53, %dma_start3A_64, %dma_start3A_65] : memref<2560x1x128xi32, #tpu.memory_space<hbm>> -> memref<1x1x128xi32, #tpu.memory_space<hbm>>
    %dma_start3A_67 = tpu.memref_squeeze %dma_start3A_66 : memref<1x1x128xi32, #tpu.memory_space<hbm>> -> memref<1x128xi32, #tpu.memory_space<hbm>>
    tpu.enqueue_dma source(%dma_start3A_67 : memref<1x128xi32, #tpu.memory_space<hbm>>) target(%dma_start3A_63 : memref<1x128xi32, #tpu.memory_space<vmem>>) target_semaphore(%arg16 : memref<!tpu.dma_semaphore, #tpu.memory_space<semaphore_mem>>)
    %dma_wait3A = arith.constant 0 : i32
    %dma_wait3A_68 = arith.constant 0 : i32
    %dma_wait3A_69 = arith.constant 0 : i32
    %dma_wait3A_70 = tpu.memref_slice %arg7[%dma_wait3A_68, %dma_wait3A_69] : memref<4x128xi32, #tpu.memory_space<vmem>> -> memref<1x128xi32, #tpu.memory_space<vmem>>
    %dma_wait3A_71 = arith.constant 0 : i32
    %dma_wait3A_72 = arith.constant 0 : i32
    %dma_wait3A_73 = tpu.memref_slice %arg3[%dma_wait3A, %dma_wait3A_71, %dma_wait3A_72] : memref<2560x1x128xi32, #tpu.memory_space<hbm>> -> memref<1x1x128xi32, #tpu.memory_space<hbm>>
    %dma_wait3A_74 = tpu.memref_squeeze %dma_wait3A_73 : memref<1x1x128xi32, #tpu.memory_space<hbm>> -> memref<1x128xi32, #tpu.memory_space<hbm>>
    %dma_wait3A_75 = arith.constant 0 : i32
    %dma_wait3A_76 = arith.constant 0 : i32
    %dma_wait3A_77 = tpu.memref_slice %arg7[%dma_wait3A_75, %dma_wait3A_76] : memref<4x128xi32, #tpu.memory_space<vmem>> -> memref<1x128xi32, #tpu.memory_space<vmem>>
    %dma_wait3A_78 = arith.constant 0 : i32
    %dma_wait3A_79 = arith.constant 0 : i32
    %dma_wait3A_80 = tpu.memref_slice %arg3[%dma_wait3A, %dma_wait3A_78, %dma_wait3A_79] : memref<2560x1x128xi32, #tpu.memory_space<hbm>> -> memref<1x1x128xi32, #tpu.memory_space<hbm>>
    %dma_wait3A_81 = tpu.memref_squeeze %dma_wait3A_80 : memref<1x1x128xi32, #tpu.memory_space<hbm>> -> memref<1x128xi32, #tpu.memory_space<hbm>>
    tpu.wait_dma2 semaphore(%arg13 : memref<!tpu.dma_semaphore, #tpu.memory_space<semaphore_mem>>) src(%dma_wait3A_81 : memref<1x128xi32, #tpu.memory_space<hbm>>) dst(%dma_wait3A_77 : memref<1x128xi32, #tpu.memory_space<vmem>>)
    %dma_start3A_82 = arith.constant 0 : i32
    %dma_start3A_83 = arith.constant 0 : i32
    %dma_start3A_84 = arith.constant 0 : i32
    %dma_start3A_85 = arith.constant 0 : i32
    %dma_start3A_86 = tpu.memref_slice %arg9[%dma_start3A_83, %dma_start3A_84, %dma_start3A_85] : memref<2x128x128xf32, #tpu.memory_space<vmem>> -> memref<1x128x128xf32, #tpu.memory_space<vmem>>
    %dma_start3A_87 = tpu.memref_squeeze %dma_start3A_86 : memref<1x128x128xf32, #tpu.memory_space<vmem>> -> memref<128x128xf32, #tpu.memory_space<vmem>>
    %dma_start3A_88 = arith.constant 0 : i32
    %dma_start3A_89 = tpu.memref_slice %arg7[%dma_start3A_82, %dma_start3A_88] : memref<4x128xi32, #tpu.memory_space<vmem>> -> memref<1x128xi32, #tpu.memory_space<vmem>>
    %dma_start3A_90 = tpu.memref_squeeze %dma_start3A_89 : memref<1x128xi32, #tpu.memory_space<vmem>> -> memref<128xi32, #tpu.memory_space<vmem>>
    %dma_start3A_91 = arith.constant 0 : i32
    %dma_start3A_92 = arith.constant 0 : i32
    %dma_start3A_93 = tpu.memref_slice %arg2[%dma_start3A_91, %dma_start3A_92] : memref<10000x128xf32, #tpu.memory_space<hbm>> -> memref<10000x128xf32, #tpu.memory_space<hbm>>
    tpu.enqueue_indirect_dma source(%dma_start3A_93 : memref<10000x128xf32, #tpu.memory_space<hbm>>) target(%dma_start3A_87 : memref<128x128xf32, #tpu.memory_space<vmem>>) offsets(%dma_start3A_90 : memref<128xi32, #tpu.memory_space<vmem>>) semaphore(%arg11 : memref<!tpu.dma_semaphore, #tpu.memory_space<semaphore_mem>>)
    %dma_wait3A_94 = arith.constant 0 : i32
    %dma_wait3A_95 = arith.constant 1 : i32
    %dma_wait3A_96 = arith.constant 0 : i32
    %dma_wait3A_97 = tpu.memref_slice %arg7[%dma_wait3A_95, %dma_wait3A_96] : memref<4x128xi32, #tpu.memory_space<vmem>> -> memref<1x128xi32, #tpu.memory_space<vmem>>
    %dma_wait3A_98 = arith.constant 0 : i32
    %dma_wait3A_99 = arith.constant 0 : i32
    %dma_wait3A_100 = tpu.memref_slice %arg3[%dma_wait3A_94, %dma_wait3A_98, %dma_wait3A_99] : memref<2560x1x128xi32, #tpu.memory_space<hbm>> -> memref<1x1x128xi32, #tpu.memory_space<hbm>>
    %dma_wait3A_101 = tpu.memref_squeeze %dma_wait3A_100 : memref<1x1x128xi32, #tpu.memory_space<hbm>> -> memref<1x128xi32, #tpu.memory_space<hbm>>
    %dma_wait3A_102 = arith.constant 1 : i32
    %dma_wait3A_103 = arith.constant 0 : i32
    %dma_wait3A_104 = tpu.memref_slice %arg7[%dma_wait3A_102, %dma_wait3A_103] : memref<4x128xi32, #tpu.memory_space<vmem>> -> memref<1x128xi32, #tpu.memory_space<vmem>>
    %dma_wait3A_105 = arith.constant 0 : i32
    %dma_wait3A_106 = arith.constant 0 : i32
    %dma_wait3A_107 = tpu.memref_slice %arg3[%dma_wait3A_94, %dma_wait3A_105, %dma_wait3A_106] : memref<2560x1x128xi32, #tpu.memory_space<hbm>> -> memref<1x1x128xi32, #tpu.memory_space<hbm>>
    %dma_wait3A_108 = tpu.memref_squeeze %dma_wait3A_107 : memref<1x1x128xi32, #tpu.memory_space<hbm>> -> memref<1x128xi32, #tpu.memory_space<hbm>>
    tpu.wait_dma2 semaphore(%arg14 : memref<!tpu.dma_semaphore, #tpu.memory_space<semaphore_mem>>) src(%dma_wait3A_108 : memref<1x128xi32, #tpu.memory_space<hbm>>) dst(%dma_wait3A_104 : memref<1x128xi32, #tpu.memory_space<vmem>>)
    %dma_start3A_109 = arith.constant 1 : i32
    %dma_start3A_110 = arith.constant 1 : i32
    %dma_start3A_111 = arith.constant 0 : i32
    %dma_start3A_112 = arith.constant 0 : i32
    %dma_start3A_113 = tpu.memref_slice %arg9[%dma_start3A_110, %dma_start3A_111, %dma_start3A_112] : memref<2x128x128xf32, #tpu.memory_space<vmem>> -> memref<1x128x128xf32, #tpu.memory_space<vmem>>
    %dma_start3A_114 = tpu.memref_squeeze %dma_start3A_113 : memref<1x128x128xf32, #tpu.memory_space<vmem>> -> memref<128x128xf32, #tpu.memory_space<vmem>>
    %dma_start3A_115 = arith.constant 0 : i32
    %dma_start3A_116 = tpu.memref_slice %arg7[%dma_start3A_109, %dma_start3A_115] : memref<4x128xi32, #tpu.memory_space<vmem>> -> memref<1x128xi32, #tpu.memory_space<vmem>>
    %dma_start3A_117 = tpu.memref_squeeze %dma_start3A_116 : memref<1x128xi32, #tpu.memory_space<vmem>> -> memref<128xi32, #tpu.memory_space<vmem>>
    %dma_start3A_118 = arith.constant 0 : i32
    %dma_start3A_119 = arith.constant 0 : i32
    %dma_start3A_120 = tpu.memref_slice %arg2[%dma_start3A_118, %dma_start3A_119] : memref<10000x128xf32, #tpu.memory_space<hbm>> -> memref<10000x128xf32, #tpu.memory_space<hbm>>
    tpu.enqueue_indirect_dma source(%dma_start3A_120 : memref<10000x128xf32, #tpu.memory_space<hbm>>) target(%dma_start3A_114 : memref<128x128xf32, #tpu.memory_space<vmem>>) offsets(%dma_start3A_117 : memref<128xi32, #tpu.memory_space<vmem>>) semaphore(%arg12 : memref<!tpu.dma_semaphore, #tpu.memory_space<semaphore_mem>>)
    "tpu.region"() ({
      %run_scoped3A = tpu.sem_alloc : memref<!tpu.dma_semaphore, #tpu.memory_space<semaphore_mem>>
      %dma_start3A_128 = arith.constant 0 : i32
      %dma_start3A_129 = tpu.memref_slice %arg4[%mul3A_4, %dma_start3A_128] : memref<2560x128xi32, #tpu.memory_space<hbm>> -> memref<80x128xi32, #tpu.memory_space<hbm>>
      %dma_start3A_130 = arith.constant 0 : i32
      %dma_start3A_131 = tpu.memref_slice %arg4[%mul3A_4, %dma_start3A_130] : memref<2560x128xi32, #tpu.memory_space<hbm>> -> memref<80x128xi32, #tpu.memory_space<hbm>>
      tpu.enqueue_dma source(%dma_start3A_131 : memref<80x128xi32, #tpu.memory_space<hbm>>) target(%arg8 : memref<80x128xi32, #tpu.memory_space<vmem>>) target_semaphore(%run_scoped3A : memref<!tpu.dma_semaphore, #tpu.memory_space<semaphore_mem>>)
      %dma_wait3A_132 = arith.constant 0 : i32
      %dma_wait3A_133 = tpu.memref_slice %arg4[%mul3A_4, %dma_wait3A_132] : memref<2560x128xi32, #tpu.memory_space<hbm>> -> memref<80x128xi32, #tpu.memory_space<hbm>>
      %dma_wait3A_134 = arith.constant 0 : i32
      %dma_wait3A_135 = tpu.memref_slice %arg4[%mul3A_4, %dma_wait3A_134] : memref<2560x128xi32, #tpu.memory_space<hbm>> -> memref<80x128xi32, #tpu.memory_space<hbm>>
      tpu.wait_dma2 semaphore(%run_scoped3A : memref<!tpu.dma_semaphore, #tpu.memory_space<semaphore_mem>>) src(%dma_wait3A_135 : memref<80x128xi32, #tpu.memory_space<hbm>>) dst(%arg8 : memref<80x128xi32, #tpu.memory_space<vmem>>)
      tpu.yield
    }) : () -> ()
    "tpu.region"() ({
      %run_scoped3A = tpu.sem_alloc : memref<!tpu.dma_semaphore, #tpu.memory_space<semaphore_mem>>
      %dma_start3A_128 = arith.constant 0 : i32
      %dma_start3A_129 = tpu.memref_slice %arg10[%mul3A_2, %dma_start3A_128] : memref<10112x128xf32, #tpu.memory_space<vmem_shared>> -> memref<632x128xf32, #tpu.memory_space<vmem_shared>>
      %dma_start3A_130 = arith.constant 0 : i32
      %dma_start3A_131 = tpu.memref_slice %arg5[%mul3A_2, %dma_start3A_130] : memref<10112x128xf32, #tpu.memory_space<hbm>> -> memref<632x128xf32, #tpu.memory_space<hbm>>
      tpu.enqueue_dma source(%dma_start3A_131 : memref<632x128xf32, #tpu.memory_space<hbm>>) target(%dma_start3A_129 : memref<632x128xf32, #tpu.memory_space<vmem_shared>>) target_semaphore(%run_scoped3A : memref<!tpu.dma_semaphore, #tpu.memory_space<semaphore_mem>>)
      %dma_wait3A_132 = arith.constant 0 : i32
      %dma_wait3A_133 = tpu.memref_slice %arg10[%mul3A_2, %dma_wait3A_132] : memref<10112x128xf32, #tpu.memory_space<vmem_shared>> -> memref<632x128xf32, #tpu.memory_space<vmem_shared>>
      %dma_wait3A_134 = arith.constant 0 : i32
      %dma_wait3A_135 = tpu.memref_slice %arg5[%mul3A_2, %dma_wait3A_134] : memref<10112x128xf32, #tpu.memory_space<hbm>> -> memref<632x128xf32, #tpu.memory_space<hbm>>
      tpu.wait_dma2 semaphore(%run_scoped3A : memref<!tpu.dma_semaphore, #tpu.memory_space<semaphore_mem>>) src(%dma_wait3A_135 : memref<632x128xf32, #tpu.memory_space<hbm>>) dst(%dma_wait3A_133 : memref<632x128xf32, #tpu.memory_space<vmem_shared>>)
      tpu.yield
    }) : () -> ()
    %barrier3A = arith.constant 0 : index
    tpu.barrier barrier_id(%barrier3A)
    %scan3A = arith.constant 0 : i32
    %scan3A_121 = arith.constant 0 : i32
    %scan3A_122 = arith.constant 20 : i32
    %scan3A_123 = arith.addi %scan3A_121, %scan3A_122 : i32
    %scan3A_124 = arith.constant 1 : i32
    %scan3A_125 = scf.for %scan3A_128 = %scan3A_121 to %scan3A_123 step %scan3A_124 iter_args(%scan3A_129 = %scan3A) -> (i32)  : i32 {
      %mul3A_130 = arith.constant 4 : i32
      %mul3A_131 = arith.muli %scan3A_128, %mul3A_130 : i32
      %add3A_132 = arith.constant 0 : i32
      %add3A_133 = arith.addi %mul3A_131, %add3A_132 : i32
      %dma_wait3A_134 = arith.constant 0 : i32
      %dma_wait3A_135 = arith.constant 0 : i32
      %dma_wait3A_136 = arith.constant 0 : i32
      %dma_wait3A_137 = arith.constant 0 : i32
      %dma_wait3A_138 = tpu.memref_slice %arg9[%dma_wait3A_135, %dma_wait3A_136, %dma_wait3A_137] : memref<2x128x128xf32, #tpu.memory_space<vmem>> -> memref<1x128x128xf32, #tpu.memory_space<vmem>>
      %dma_wait3A_139 = tpu.memref_squeeze %dma_wait3A_138 : memref<1x128x128xf32, #tpu.memory_space<vmem>> -> memref<128x128xf32, #tpu.memory_space<vmem>>
      %dma_wait3A_140 = arith.constant 0 : i32
      %dma_wait3A_141 = tpu.memref_slice %arg7[%dma_wait3A_134, %dma_wait3A_140] : memref<4x128xi32, #tpu.memory_space<vmem>> -> memref<1x128xi32, #tpu.memory_space<vmem>>
      %dma_wait3A_142 = tpu.memref_squeeze %dma_wait3A_141 : memref<1x128xi32, #tpu.memory_space<vmem>> -> memref<128xi32, #tpu.memory_space<vmem>>
      %dma_wait3A_143 = arith.constant 0 : i32
      %dma_wait3A_144 = arith.constant 0 : i32
      %dma_wait3A_145 = tpu.memref_slice %arg2[%dma_wait3A_143, %dma_wait3A_144] : memref<10000x128xf32, #tpu.memory_space<hbm>> -> memref<10000x128xf32, #tpu.memory_space<hbm>>
      tpu.wait_indirect_dma semaphore(%arg11 : memref<!tpu.dma_semaphore, #tpu.memory_space<semaphore_mem>>) src(%dma_wait3A_145 : memref<10000x128xf32, #tpu.memory_space<hbm>>) dst(%dma_wait3A_139 : memref<128x128xf32, #tpu.memory_space<vmem>>)
      %run_scoped3A = arith.constant 0 : i32
      "tpu.region"() ({
        %run_scoped3A_251 = tpu.sem_alloc : memref<!tpu.dma_semaphore, #tpu.memory_space<semaphore_mem>>
        %dma_start3A_252 = arith.constant 0 : i32
        %dma_start3A_253 = arith.constant 0 : i32
        %dma_start3A_254 = tpu.memref_slice %arg9[%run_scoped3A, %dma_start3A_252, %dma_start3A_253] : memref<2x128x128xf32, #tpu.memory_space<vmem>> -> memref<1x128x128xf32, #tpu.memory_space<vmem>>
        %dma_start3A_255 = tpu.memref_squeeze %dma_start3A_254 : memref<1x128x128xf32, #tpu.memory_space<vmem>> -> memref<128x128xf32, #tpu.memory_space<vmem>>
        %dma_start3A_256 = arith.constant 0 : i32
        %dma_start3A_257 = tpu.memref_slice %arg8[%add3A_133, %dma_start3A_256] : memref<80x128xi32, #tpu.memory_space<vmem>> -> memref<1x128xi32, #tpu.memory_space<vmem>>
        %dma_start3A_258 = tpu.memref_squeeze %dma_start3A_257 : memref<1x128xi32, #tpu.memory_space<vmem>> -> memref<128xi32, #tpu.memory_space<vmem>>
        %dma_start3A_259 = arith.constant 0 : i32
        %dma_start3A_260 = arith.constant 0 : i32
        %dma_start3A_261 = tpu.memref_slice %arg10[%dma_start3A_259, %dma_start3A_260] : memref<10112x128xf32, #tpu.memory_space<vmem_shared>> -> memref<10112x128xf32, #tpu.memory_space<vmem_shared>>
        tpu.enqueue_indirect_dma source(%dma_start3A_255 : memref<128x128xf32, #tpu.memory_space<vmem>>) target(%dma_start3A_261 : memref<10112x128xf32, #tpu.memory_space<vmem_shared>>) offsets(%dma_start3A_258 : memref<128xi32, #tpu.memory_space<vmem>>) semaphore(%run_scoped3A_251 : memref<!tpu.dma_semaphore, #tpu.memory_space<semaphore_mem>>) {add = true}
        %dma_wait3A_262 = arith.constant 0 : i32
        %dma_wait3A_263 = arith.constant 0 : i32
        %dma_wait3A_264 = tpu.memref_slice %arg9[%run_scoped3A, %dma_wait3A_262, %dma_wait3A_263] : memref<2x128x128xf32, #tpu.memory_space<vmem>> -> memref<1x128x128xf32, #tpu.memory_space<vmem>>
        %dma_wait3A_265 = tpu.memref_squeeze %dma_wait3A_264 : memref<1x128x128xf32, #tpu.memory_space<vmem>> -> memref<128x128xf32, #tpu.memory_space<vmem>>
        %dma_wait3A_266 = arith.constant 0 : i32
        %dma_wait3A_267 = tpu.memref_slice %arg8[%add3A_133, %dma_wait3A_266] : memref<80x128xi32, #tpu.memory_space<vmem>> -> memref<1x128xi32, #tpu.memory_space<vmem>>
        %dma_wait3A_268 = tpu.memref_squeeze %dma_wait3A_267 : memref<1x128xi32, #tpu.memory_space<vmem>> -> memref<128xi32, #tpu.memory_space<vmem>>
        %dma_wait3A_269 = arith.constant 0 : i32
        %dma_wait3A_270 = arith.constant 0 : i32
        %dma_wait3A_271 = tpu.memref_slice %arg10[%dma_wait3A_269, %dma_wait3A_270] : memref<10112x128xf32, #tpu.memory_space<vmem_shared>> -> memref<10112x128xf32, #tpu.memory_space<vmem_shared>>
        tpu.wait_indirect_dma semaphore(%run_scoped3A_251 : memref<!tpu.dma_semaphore, #tpu.memory_space<semaphore_mem>>) src(%dma_wait3A_265 : memref<128x128xf32, #tpu.memory_space<vmem>>) dst(%dma_wait3A_271 : memref<10112x128xf32, #tpu.memory_space<vmem_shared>>)
        tpu.yield
      }) : () -> ()
      %add3A_146 = arith.constant 4 : i32
      %add3A_147 = arith.addi %add3A_133, %add3A_146 : i32
      %lt3A = arith.constant 80 : i32
      %lt3A_148 = arith.cmpi slt, %add3A_147, %lt3A : i32
      %convert_element_type3A = arith.extui %lt3A_148 : i1 to i32
      %cond3A = arith.constant 0 : i32
      %cond3A_149 = arith.cmpi ne, %convert_element_type3A, %cond3A : i32
      scf.if %cond3A_149 {
        %add3A_251 = arith.addi %mul3A_4, %add3A_147 : i32
        %dma_start3A_252 = arith.constant 0 : i32
        %dma_start3A_253 = arith.constant 0 : i32
        %dma_start3A_254 = tpu.memref_slice %arg7[%dma_start3A_252, %dma_start3A_253] : memref<4x128xi32, #tpu.memory_space<vmem>> -> memref<1x128xi32, #tpu.memory_space<vmem>>
        %dma_start3A_255 = arith.constant 0 : i32
        %dma_start3A_256 = arith.constant 0 : i32
        %dma_start3A_257 = tpu.memref_slice %arg3[%add3A_251, %dma_start3A_255, %dma_start3A_256] : memref<2560x1x128xi32, #tpu.memory_space<hbm>> -> memref<1x1x128xi32, #tpu.memory_space<hbm>>
        %dma_start3A_258 = tpu.memref_squeeze %dma_start3A_257 : memref<1x1x128xi32, #tpu.memory_space<hbm>> -> memref<1x128xi32, #tpu.memory_space<hbm>>
        %dma_start3A_259 = arith.constant 0 : i32
        %dma_start3A_260 = arith.constant 0 : i32
        %dma_start3A_261 = tpu.memref_slice %arg7[%dma_start3A_259, %dma_start3A_260] : memref<4x128xi32, #tpu.memory_space<vmem>> -> memref<1x128xi32, #tpu.memory_space<vmem>>
        %dma_start3A_262 = arith.constant 0 : i32
        %dma_start3A_263 = arith.constant 0 : i32
        %dma_start3A_264 = tpu.memref_slice %arg3[%add3A_251, %dma_start3A_262, %dma_start3A_263] : memref<2560x1x128xi32, #tpu.memory_space<hbm>> -> memref<1x1x128xi32, #tpu.memory_space<hbm>>
        %dma_start3A_265 = tpu.memref_squeeze %dma_start3A_264 : memref<1x1x128xi32, #tpu.memory_space<hbm>> -> memref<1x128xi32, #tpu.memory_space<hbm>>
        tpu.enqueue_dma source(%dma_start3A_265 : memref<1x128xi32, #tpu.memory_space<hbm>>) target(%dma_start3A_261 : memref<1x128xi32, #tpu.memory_space<vmem>>) target_semaphore(%arg13 : memref<!tpu.dma_semaphore, #tpu.memory_space<semaphore_mem>>)
      } else {
      }
      %add3A_150 = arith.constant 2 : i32
      %add3A_151 = arith.addi %add3A_133, %add3A_150 : i32
      %lt3A_152 = arith.constant 80 : i32
      %lt3A_153 = arith.cmpi slt, %add3A_151, %lt3A_152 : i32
      %convert_element_type3A_154 = arith.extui %lt3A_153 : i1 to i32
      %cond3A_155 = arith.constant 0 : i32
      %cond3A_156 = arith.cmpi ne, %convert_element_type3A_154, %cond3A_155 : i32
      scf.if %cond3A_156 {
        %dma_wait3A_251 = arith.constant 0 : i32
        %dma_wait3A_252 = arith.constant 2 : i32
        %dma_wait3A_253 = arith.constant 0 : i32
        %dma_wait3A_254 = tpu.memref_slice %arg7[%dma_wait3A_252, %dma_wait3A_253] : memref<4x128xi32, #tpu.memory_space<vmem>> -> memref<1x128xi32, #tpu.memory_space<vmem>>
        %dma_wait3A_255 = arith.constant 0 : i32
        %dma_wait3A_256 = arith.constant 0 : i32
        %dma_wait3A_257 = tpu.memref_slice %arg3[%dma_wait3A_251, %dma_wait3A_255, %dma_wait3A_256] : memref<2560x1x128xi32, #tpu.memory_space<hbm>> -> memref<1x1x128xi32, #tpu.memory_space<hbm>>
        %dma_wait3A_258 = tpu.memref_squeeze %dma_wait3A_257 : memref<1x1x128xi32, #tpu.memory_space<hbm>> -> memref<1x128xi32, #tpu.memory_space<hbm>>
        %dma_wait3A_259 = arith.constant 2 : i32
        %dma_wait3A_260 = arith.constant 0 : i32
        %dma_wait3A_261 = tpu.memref_slice %arg7[%dma_wait3A_259, %dma_wait3A_260] : memref<4x128xi32, #tpu.memory_space<vmem>> -> memref<1x128xi32, #tpu.memory_space<vmem>>
        %dma_wait3A_262 = arith.constant 0 : i32
        %dma_wait3A_263 = arith.constant 0 : i32
        %dma_wait3A_264 = tpu.memref_slice %arg3[%dma_wait3A_251, %dma_wait3A_262, %dma_wait3A_263] : memref<2560x1x128xi32, #tpu.memory_space<hbm>> -> memref<1x1x128xi32, #tpu.memory_space<hbm>>
        %dma_wait3A_265 = tpu.memref_squeeze %dma_wait3A_264 : memref<1x1x128xi32, #tpu.memory_space<hbm>> -> memref<1x128xi32, #tpu.memory_space<hbm>>
        tpu.wait_dma2 semaphore(%arg15 : memref<!tpu.dma_semaphore, #tpu.memory_space<semaphore_mem>>) src(%dma_wait3A_265 : memref<1x128xi32, #tpu.memory_space<hbm>>) dst(%dma_wait3A_261 : memref<1x128xi32, #tpu.memory_space<vmem>>)
        %dma_start3A_266 = arith.constant 2 : i32
        %dma_start3A_267 = arith.constant 0 : i32
        %dma_start3A_268 = arith.constant 0 : i32
        %dma_start3A_269 = arith.constant 0 : i32
        %dma_start3A_270 = tpu.memref_slice %arg9[%dma_start3A_267, %dma_start3A_268, %dma_start3A_269] : memref<2x128x128xf32, #tpu.memory_space<vmem>> -> memref<1x128x128xf32, #tpu.memory_space<vmem>>
        %dma_start3A_271 = tpu.memref_squeeze %dma_start3A_270 : memref<1x128x128xf32, #tpu.memory_space<vmem>> -> memref<128x128xf32, #tpu.memory_space<vmem>>
        %dma_start3A_272 = arith.constant 0 : i32
        %dma_start3A_273 = tpu.memref_slice %arg7[%dma_start3A_266, %dma_start3A_272] : memref<4x128xi32, #tpu.memory_space<vmem>> -> memref<1x128xi32, #tpu.memory_space<vmem>>
        %dma_start3A_274 = tpu.memref_squeeze %dma_start3A_273 : memref<1x128xi32, #tpu.memory_space<vmem>> -> memref<128xi32, #tpu.memory_space<vmem>>
        %dma_start3A_275 = arith.constant 0 : i32
        %dma_start3A_276 = arith.constant 0 : i32
        %dma_start3A_277 = tpu.memref_slice %arg2[%dma_start3A_275, %dma_start3A_276] : memref<10000x128xf32, #tpu.memory_space<hbm>> -> memref<10000x128xf32, #tpu.memory_space<hbm>>
        tpu.enqueue_indirect_dma source(%dma_start3A_277 : memref<10000x128xf32, #tpu.memory_space<hbm>>) target(%dma_start3A_271 : memref<128x128xf32, #tpu.memory_space<vmem>>) offsets(%dma_start3A_274 : memref<128xi32, #tpu.memory_space<vmem>>) semaphore(%arg11 : memref<!tpu.dma_semaphore, #tpu.memory_space<semaphore_mem>>)
      } else {
      }
      %mul3A_157 = arith.constant 4 : i32
      %mul3A_158 = arith.muli %scan3A_128, %mul3A_157 : i32
      %add3A_159 = arith.constant 1 : i32
      %add3A_160 = arith.addi %mul3A_158, %add3A_159 : i32
      %dma_wait3A_161 = arith.constant 0 : i32
      %dma_wait3A_162 = arith.constant 1 : i32
      %dma_wait3A_163 = arith.constant 0 : i32
      %dma_wait3A_164 = arith.constant 0 : i32
      %dma_wait3A_165 = tpu.memref_slice %arg9[%dma_wait3A_162, %dma_wait3A_163, %dma_wait3A_164] : memref<2x128x128xf32, #tpu.memory_space<vmem>> -> memref<1x128x128xf32, #tpu.memory_space<vmem>>
      %dma_wait3A_166 = tpu.memref_squeeze %dma_wait3A_165 : memref<1x128x128xf32, #tpu.memory_space<vmem>> -> memref<128x128xf32, #tpu.memory_space<vmem>>
      %dma_wait3A_167 = arith.constant 0 : i32
      %dma_wait3A_168 = tpu.memref_slice %arg7[%dma_wait3A_161, %dma_wait3A_167] : memref<4x128xi32, #tpu.memory_space<vmem>> -> memref<1x128xi32, #tpu.memory_space<vmem>>
      %dma_wait3A_169 = tpu.memref_squeeze %dma_wait3A_168 : memref<1x128xi32, #tpu.memory_space<vmem>> -> memref<128xi32, #tpu.memory_space<vmem>>
      %dma_wait3A_170 = arith.constant 0 : i32
      %dma_wait3A_171 = arith.constant 0 : i32
      %dma_wait3A_172 = tpu.memref_slice %arg2[%dma_wait3A_170, %dma_wait3A_171] : memref<10000x128xf32, #tpu.memory_space<hbm>> -> memref<10000x128xf32, #tpu.memory_space<hbm>>
      tpu.wait_indirect_dma semaphore(%arg12 : memref<!tpu.dma_semaphore, #tpu.memory_space<semaphore_mem>>) src(%dma_wait3A_172 : memref<10000x128xf32, #tpu.memory_space<hbm>>) dst(%dma_wait3A_166 : memref<128x128xf32, #tpu.memory_space<vmem>>)
      %run_scoped3A_173 = arith.constant 1 : i32
      "tpu.region"() ({
        %run_scoped3A_251 = tpu.sem_alloc : memref<!tpu.dma_semaphore, #tpu.memory_space<semaphore_mem>>
        %dma_start3A_252 = arith.constant 0 : i32
        %dma_start3A_253 = arith.constant 0 : i32
        %dma_start3A_254 = tpu.memref_slice %arg9[%run_scoped3A_173, %dma_start3A_252, %dma_start3A_253] : memref<2x128x128xf32, #tpu.memory_space<vmem>> -> memref<1x128x128xf32, #tpu.memory_space<vmem>>
        %dma_start3A_255 = tpu.memref_squeeze %dma_start3A_254 : memref<1x128x128xf32, #tpu.memory_space<vmem>> -> memref<128x128xf32, #tpu.memory_space<vmem>>
        %dma_start3A_256 = arith.constant 0 : i32
        %dma_start3A_257 = tpu.memref_slice %arg8[%add3A_160, %dma_start3A_256] : memref<80x128xi32, #tpu.memory_space<vmem>> -> memref<1x128xi32, #tpu.memory_space<vmem>>
        %dma_start3A_258 = tpu.memref_squeeze %dma_start3A_257 : memref<1x128xi32, #tpu.memory_space<vmem>> -> memref<128xi32, #tpu.memory_space<vmem>>
        %dma_start3A_259 = arith.constant 0 : i32
        %dma_start3A_260 = arith.constant 0 : i32
        %dma_start3A_261 = tpu.memref_slice %arg10[%dma_start3A_259, %dma_start3A_260] : memref<10112x128xf32, #tpu.memory_space<vmem_shared>> -> memref<10112x128xf32, #tpu.memory_space<vmem_shared>>
        tpu.enqueue_indirect_dma source(%dma_start3A_255 : memref<128x128xf32, #tpu.memory_space<vmem>>) target(%dma_start3A_261 : memref<10112x128xf32, #tpu.memory_space<vmem_shared>>) offsets(%dma_start3A_258 : memref<128xi32, #tpu.memory_space<vmem>>) semaphore(%run_scoped3A_251 : memref<!tpu.dma_semaphore, #tpu.memory_space<semaphore_mem>>) {add = true}
        %dma_wait3A_262 = arith.constant 0 : i32
        %dma_wait3A_263 = arith.constant 0 : i32
        %dma_wait3A_264 = tpu.memref_slice %arg9[%run_scoped3A_173, %dma_wait3A_262, %dma_wait3A_263] : memref<2x128x128xf32, #tpu.memory_space<vmem>> -> memref<1x128x128xf32, #tpu.memory_space<vmem>>
        %dma_wait3A_265 = tpu.memref_squeeze %dma_wait3A_264 : memref<1x128x128xf32, #tpu.memory_space<vmem>> -> memref<128x128xf32, #tpu.memory_space<vmem>>
        %dma_wait3A_266 = arith.constant 0 : i32
        %dma_wait3A_267 = tpu.memref_slice %arg8[%add3A_160, %dma_wait3A_266] : memref<80x128xi32, #tpu.memory_space<vmem>> -> memref<1x128xi32, #tpu.memory_space<vmem>>
        %dma_wait3A_268 = tpu.memref_squeeze %dma_wait3A_267 : memref<1x128xi32, #tpu.memory_space<vmem>> -> memref<128xi32, #tpu.memory_space<vmem>>
        %dma_wait3A_269 = arith.constant 0 : i32
        %dma_wait3A_270 = arith.constant 0 : i32
        %dma_wait3A_271 = tpu.memref_slice %arg10[%dma_wait3A_269, %dma_wait3A_270] : memref<10112x128xf32, #tpu.memory_space<vmem_shared>> -> memref<10112x128xf32, #tpu.memory_space<vmem_shared>>
        tpu.wait_indirect_dma semaphore(%run_scoped3A_251 : memref<!tpu.dma_semaphore, #tpu.memory_space<semaphore_mem>>) src(%dma_wait3A_265 : memref<128x128xf32, #tpu.memory_space<vmem>>) dst(%dma_wait3A_271 : memref<10112x128xf32, #tpu.memory_space<vmem_shared>>)
        tpu.yield
      }) : () -> ()
      %add3A_174 = arith.constant 4 : i32
      %add3A_175 = arith.addi %add3A_160, %add3A_174 : i32
      %lt3A_176 = arith.constant 80 : i32
      %lt3A_177 = arith.cmpi slt, %add3A_175, %lt3A_176 : i32
      %convert_element_type3A_178 = arith.extui %lt3A_177 : i1 to i32
      %cond3A_179 = arith.constant 0 : i32
      %cond3A_180 = arith.cmpi ne, %convert_element_type3A_178, %cond3A_179 : i32
      scf.if %cond3A_180 {
        %add3A_251 = arith.addi %mul3A_4, %add3A_175 : i32
        %dma_start3A_252 = arith.constant 1 : i32
        %dma_start3A_253 = arith.constant 0 : i32
        %dma_start3A_254 = tpu.memref_slice %arg7[%dma_start3A_252, %dma_start3A_253] : memref<4x128xi32, #tpu.memory_space<vmem>> -> memref<1x128xi32, #tpu.memory_space<vmem>>
        %dma_start3A_255 = arith.constant 0 : i32
        %dma_start3A_256 = arith.constant 0 : i32
        %dma_start3A_257 = tpu.memref_slice %arg3[%add3A_251, %dma_start3A_255, %dma_start3A_256] : memref<2560x1x128xi32, #tpu.memory_space<hbm>> -> memref<1x1x128xi32, #tpu.memory_space<hbm>>
        %dma_start3A_258 = tpu.memref_squeeze %dma_start3A_257 : memref<1x1x128xi32, #tpu.memory_space<hbm>> -> memref<1x128xi32, #tpu.memory_space<hbm>>
        %dma_start3A_259 = arith.constant 1 : i32
        %dma_start3A_260 = arith.constant 0 : i32
        %dma_start3A_261 = tpu.memref_slice %arg7[%dma_start3A_259, %dma_start3A_260] : memref<4x128xi32, #tpu.memory_space<vmem>> -> memref<1x128xi32, #tpu.memory_space<vmem>>
        %dma_start3A_262 = arith.constant 0 : i32
        %dma_start3A_263 = arith.constant 0 : i32
        %dma_start3A_264 = tpu.memref_slice %arg3[%add3A_251, %dma_start3A_262, %dma_start3A_263] : memref<2560x1x128xi32, #tpu.memory_space<hbm>> -> memref<1x1x128xi32, #tpu.memory_space<hbm>>
        %dma_start3A_265 = tpu.memref_squeeze %dma_start3A_264 : memref<1x1x128xi32, #tpu.memory_space<hbm>> -> memref<1x128xi32, #tpu.memory_space<hbm>>
        tpu.enqueue_dma source(%dma_start3A_265 : memref<1x128xi32, #tpu.memory_space<hbm>>) target(%dma_start3A_261 : memref<1x128xi32, #tpu.memory_space<vmem>>) target_semaphore(%arg14 : memref<!tpu.dma_semaphore, #tpu.memory_space<semaphore_mem>>)
      } else {
      }
      %add3A_181 = arith.constant 2 : i32
      %add3A_182 = arith.addi %add3A_160, %add3A_181 : i32
      %lt3A_183 = arith.constant 80 : i32
      %lt3A_184 = arith.cmpi slt, %add3A_182, %lt3A_183 : i32
      %convert_element_type3A_185 = arith.extui %lt3A_184 : i1 to i32
      %cond3A_186 = arith.constant 0 : i32
      %cond3A_187 = arith.cmpi ne, %convert_element_type3A_185, %cond3A_186 : i32
      scf.if %cond3A_187 {
        %dma_wait3A_251 = arith.constant 0 : i32
        %dma_wait3A_252 = arith.constant 3 : i32
        %dma_wait3A_253 = arith.constant 0 : i32
        %dma_wait3A_254 = tpu.memref_slice %arg7[%dma_wait3A_252, %dma_wait3A_253] : memref<4x128xi32, #tpu.memory_space<vmem>> -> memref<1x128xi32, #tpu.memory_space<vmem>>
        %dma_wait3A_255 = arith.constant 0 : i32
        %dma_wait3A_256 = arith.constant 0 : i32
        %dma_wait3A_257 = tpu.memref_slice %arg3[%dma_wait3A_251, %dma_wait3A_255, %dma_wait3A_256] : memref<2560x1x128xi32, #tpu.memory_space<hbm>> -> memref<1x1x128xi32, #tpu.memory_space<hbm>>
        %dma_wait3A_258 = tpu.memref_squeeze %dma_wait3A_257 : memref<1x1x128xi32, #tpu.memory_space<hbm>> -> memref<1x128xi32, #tpu.memory_space<hbm>>
        %dma_wait3A_259 = arith.constant 3 : i32
        %dma_wait3A_260 = arith.constant 0 : i32
        %dma_wait3A_261 = tpu.memref_slice %arg7[%dma_wait3A_259, %dma_wait3A_260] : memref<4x128xi32, #tpu.memory_space<vmem>> -> memref<1x128xi32, #tpu.memory_space<vmem>>
        %dma_wait3A_262 = arith.constant 0 : i32
        %dma_wait3A_263 = arith.constant 0 : i32
        %dma_wait3A_264 = tpu.memref_slice %arg3[%dma_wait3A_251, %dma_wait3A_262, %dma_wait3A_263] : memref<2560x1x128xi32, #tpu.memory_space<hbm>> -> memref<1x1x128xi32, #tpu.memory_space<hbm>>
        %dma_wait3A_265 = tpu.memref_squeeze %dma_wait3A_264 : memref<1x1x128xi32, #tpu.memory_space<hbm>> -> memref<1x128xi32, #tpu.memory_space<hbm>>
        tpu.wait_dma2 semaphore(%arg16 : memref<!tpu.dma_semaphore, #tpu.memory_space<semaphore_mem>>) src(%dma_wait3A_265 : memref<1x128xi32, #tpu.memory_space<hbm>>) dst(%dma_wait3A_261 : memref<1x128xi32, #tpu.memory_space<vmem>>)
        %dma_start3A_266 = arith.constant 3 : i32
        %dma_start3A_267 = arith.constant 1 : i32
        %dma_start3A_268 = arith.constant 0 : i32
        %dma_start3A_269 = arith.constant 0 : i32
        %dma_start3A_270 = tpu.memref_slice %arg9[%dma_start3A_267, %dma_start3A_268, %dma_start3A_269] : memref<2x128x128xf32, #tpu.memory_space<vmem>> -> memref<1x128x128xf32, #tpu.memory_space<vmem>>
        %dma_start3A_271 = tpu.memref_squeeze %dma_start3A_270 : memref<1x128x128xf32, #tpu.memory_space<vmem>> -> memref<128x128xf32, #tpu.memory_space<vmem>>
        %dma_start3A_272 = arith.constant 0 : i32
        %dma_start3A_273 = tpu.memref_slice %arg7[%dma_start3A_266, %dma_start3A_272] : memref<4x128xi32, #tpu.memory_space<vmem>> -> memref<1x128xi32, #tpu.memory_space<vmem>>
        %dma_start3A_274 = tpu.memref_squeeze %dma_start3A_273 : memref<1x128xi32, #tpu.memory_space<vmem>> -> memref<128xi32, #tpu.memory_space<vmem>>
        %dma_start3A_275 = arith.constant 0 : i32
        %dma_start3A_276 = arith.constant 0 : i32
        %dma_start3A_277 = tpu.memref_slice %arg2[%dma_start3A_275, %dma_start3A_276] : memref<10000x128xf32, #tpu.memory_space<hbm>> -> memref<10000x128xf32, #tpu.memory_space<hbm>>
        tpu.enqueue_indirect_dma source(%dma_start3A_277 : memref<10000x128xf32, #tpu.memory_space<hbm>>) target(%dma_start3A_271 : memref<128x128xf32, #tpu.memory_space<vmem>>) offsets(%dma_start3A_274 : memref<128xi32, #tpu.memory_space<vmem>>) semaphore(%arg12 : memref<!tpu.dma_semaphore, #tpu.memory_space<semaphore_mem>>)
      } else {
      }
      %mul3A_188 = arith.constant 4 : i32
      %mul3A_189 = arith.muli %scan3A_128, %mul3A_188 : i32
      %add3A_190 = arith.constant 2 : i32
      %add3A_191 = arith.addi %mul3A_189, %add3A_190 : i32
      %dma_wait3A_192 = arith.constant 0 : i32
      %dma_wait3A_193 = arith.constant 0 : i32
      %dma_wait3A_194 = arith.constant 0 : i32
      %dma_wait3A_195 = arith.constant 0 : i32
      %dma_wait3A_196 = tpu.memref_slice %arg9[%dma_wait3A_193, %dma_wait3A_194, %dma_wait3A_195] : memref<2x128x128xf32, #tpu.memory_space<vmem>> -> memref<1x128x128xf32, #tpu.memory_space<vmem>>
      %dma_wait3A_197 = tpu.memref_squeeze %dma_wait3A_196 : memref<1x128x128xf32, #tpu.memory_space<vmem>> -> memref<128x128xf32, #tpu.memory_space<vmem>>
      %dma_wait3A_198 = arith.constant 0 : i32
      %dma_wait3A_199 = tpu.memref_slice %arg7[%dma_wait3A_192, %dma_wait3A_198] : memref<4x128xi32, #tpu.memory_space<vmem>> -> memref<1x128xi32, #tpu.memory_space<vmem>>
      %dma_wait3A_200 = tpu.memref_squeeze %dma_wait3A_199 : memref<1x128xi32, #tpu.memory_space<vmem>> -> memref<128xi32, #tpu.memory_space<vmem>>
      %dma_wait3A_201 = arith.constant 0 : i32
      %dma_wait3A_202 = arith.constant 0 : i32
      %dma_wait3A_203 = tpu.memref_slice %arg2[%dma_wait3A_201, %dma_wait3A_202] : memref<10000x128xf32, #tpu.memory_space<hbm>> -> memref<10000x128xf32, #tpu.memory_space<hbm>>
      tpu.wait_indirect_dma semaphore(%arg11 : memref<!tpu.dma_semaphore, #tpu.memory_space<semaphore_mem>>) src(%dma_wait3A_203 : memref<10000x128xf32, #tpu.memory_space<hbm>>) dst(%dma_wait3A_197 : memref<128x128xf32, #tpu.memory_space<vmem>>)
      %run_scoped3A_204 = arith.constant 0 : i32
      "tpu.region"() ({
        %run_scoped3A_251 = tpu.sem_alloc : memref<!tpu.dma_semaphore, #tpu.memory_space<semaphore_mem>>
        %dma_start3A_252 = arith.constant 0 : i32
        %dma_start3A_253 = arith.constant 0 : i32
        %dma_start3A_254 = tpu.memref_slice %arg9[%run_scoped3A_204, %dma_start3A_252, %dma_start3A_253] : memref<2x128x128xf32, #tpu.memory_space<vmem>> -> memref<1x128x128xf32, #tpu.memory_space<vmem>>
        %dma_start3A_255 = tpu.memref_squeeze %dma_start3A_254 : memref<1x128x128xf32, #tpu.memory_space<vmem>> -> memref<128x128xf32, #tpu.memory_space<vmem>>
        %dma_start3A_256 = arith.constant 0 : i32
        %dma_start3A_257 = tpu.memref_slice %arg8[%add3A_191, %dma_start3A_256] : memref<80x128xi32, #tpu.memory_space<vmem>> -> memref<1x128xi32, #tpu.memory_space<vmem>>
        %dma_start3A_258 = tpu.memref_squeeze %dma_start3A_257 : memref<1x128xi32, #tpu.memory_space<vmem>> -> memref<128xi32, #tpu.memory_space<vmem>>
        %dma_start3A_259 = arith.constant 0 : i32
        %dma_start3A_260 = arith.constant 0 : i32
        %dma_start3A_261 = tpu.memref_slice %arg10[%dma_start3A_259, %dma_start3A_260] : memref<10112x128xf32, #tpu.memory_space<vmem_shared>> -> memref<10112x128xf32, #tpu.memory_space<vmem_shared>>
        tpu.enqueue_indirect_dma source(%dma_start3A_255 : memref<128x128xf32, #tpu.memory_space<vmem>>) target(%dma_start3A_261 : memref<10112x128xf32, #tpu.memory_space<vmem_shared>>) offsets(%dma_start3A_258 : memref<128xi32, #tpu.memory_space<vmem>>) semaphore(%run_scoped3A_251 : memref<!tpu.dma_semaphore, #tpu.memory_space<semaphore_mem>>) {add = true}
        %dma_wait3A_262 = arith.constant 0 : i32
        %dma_wait3A_263 = arith.constant 0 : i32
        %dma_wait3A_264 = tpu.memref_slice %arg9[%run_scoped3A_204, %dma_wait3A_262, %dma_wait3A_263] : memref<2x128x128xf32, #tpu.memory_space<vmem>> -> memref<1x128x128xf32, #tpu.memory_space<vmem>>
        %dma_wait3A_265 = tpu.memref_squeeze %dma_wait3A_264 : memref<1x128x128xf32, #tpu.memory_space<vmem>> -> memref<128x128xf32, #tpu.memory_space<vmem>>
        %dma_wait3A_266 = arith.constant 0 : i32
        %dma_wait3A_267 = tpu.memref_slice %arg8[%add3A_191, %dma_wait3A_266] : memref<80x128xi32, #tpu.memory_space<vmem>> -> memref<1x128xi32, #tpu.memory_space<vmem>>
        %dma_wait3A_268 = tpu.memref_squeeze %dma_wait3A_267 : memref<1x128xi32, #tpu.memory_space<vmem>> -> memref<128xi32, #tpu.memory_space<vmem>>
        %dma_wait3A_269 = arith.constant 0 : i32
        %dma_wait3A_270 = arith.constant 0 : i32
        %dma_wait3A_271 = tpu.memref_slice %arg10[%dma_wait3A_269, %dma_wait3A_270] : memref<10112x128xf32, #tpu.memory_space<vmem_shared>> -> memref<10112x128xf32, #tpu.memory_space<vmem_shared>>
        tpu.wait_indirect_dma semaphore(%run_scoped3A_251 : memref<!tpu.dma_semaphore, #tpu.memory_space<semaphore_mem>>) src(%dma_wait3A_265 : memref<128x128xf32, #tpu.memory_space<vmem>>) dst(%dma_wait3A_271 : memref<10112x128xf32, #tpu.memory_space<vmem_shared>>)
        tpu.yield
      }) : () -> ()
      %add3A_205 = arith.constant 4 : i32
      %add3A_206 = arith.addi %add3A_191, %add3A_205 : i32
      %lt3A_207 = arith.constant 80 : i32
      %lt3A_208 = arith.cmpi slt, %add3A_206, %lt3A_207 : i32
      %convert_element_type3A_209 = arith.extui %lt3A_208 : i1 to i32
      %cond3A_210 = arith.constant 0 : i32
      %cond3A_211 = arith.cmpi ne, %convert_element_type3A_209, %cond3A_210 : i32
      scf.if %cond3A_211 {
        %add3A_251 = arith.addi %mul3A_4, %add3A_206 : i32
        %dma_start3A_252 = arith.constant 2 : i32
        %dma_start3A_253 = arith.constant 0 : i32
        %dma_start3A_254 = tpu.memref_slice %arg7[%dma_start3A_252, %dma_start3A_253] : memref<4x128xi32, #tpu.memory_space<vmem>> -> memref<1x128xi32, #tpu.memory_space<vmem>>
        %dma_start3A_255 = arith.constant 0 : i32
        %dma_start3A_256 = arith.constant 0 : i32
        %dma_start3A_257 = tpu.memref_slice %arg3[%add3A_251, %dma_start3A_255, %dma_start3A_256] : memref<2560x1x128xi32, #tpu.memory_space<hbm>> -> memref<1x1x128xi32, #tpu.memory_space<hbm>>
        %dma_start3A_258 = tpu.memref_squeeze %dma_start3A_257 : memref<1x1x128xi32, #tpu.memory_space<hbm>> -> memref<1x128xi32, #tpu.memory_space<hbm>>
        %dma_start3A_259 = arith.constant 2 : i32
        %dma_start3A_260 = arith.constant 0 : i32
        %dma_start3A_261 = tpu.memref_slice %arg7[%dma_start3A_259, %dma_start3A_260] : memref<4x128xi32, #tpu.memory_space<vmem>> -> memref<1x128xi32, #tpu.memory_space<vmem>>
        %dma_start3A_262 = arith.constant 0 : i32
        %dma_start3A_263 = arith.constant 0 : i32
        %dma_start3A_264 = tpu.memref_slice %arg3[%add3A_251, %dma_start3A_262, %dma_start3A_263] : memref<2560x1x128xi32, #tpu.memory_space<hbm>> -> memref<1x1x128xi32, #tpu.memory_space<hbm>>
        %dma_start3A_265 = tpu.memref_squeeze %dma_start3A_264 : memref<1x1x128xi32, #tpu.memory_space<hbm>> -> memref<1x128xi32, #tpu.memory_space<hbm>>
        tpu.enqueue_dma source(%dma_start3A_265 : memref<1x128xi32, #tpu.memory_space<hbm>>) target(%dma_start3A_261 : memref<1x128xi32, #tpu.memory_space<vmem>>) target_semaphore(%arg15 : memref<!tpu.dma_semaphore, #tpu.memory_space<semaphore_mem>>)
      } else {
      }
      %add3A_212 = arith.constant 2 : i32
      %add3A_213 = arith.addi %add3A_191, %add3A_212 : i32
      %lt3A_214 = arith.constant 80 : i32
      %lt3A_215 = arith.cmpi slt, %add3A_213, %lt3A_214 : i32
      %convert_element_type3A_216 = arith.extui %lt3A_215 : i1 to i32
      %cond3A_217 = arith.constant 0 : i32
      %cond3A_218 = arith.cmpi ne, %convert_element_type3A_216, %cond3A_217 : i32
      scf.if %cond3A_218 {
        %dma_wait3A_251 = arith.constant 0 : i32
        %dma_wait3A_252 = arith.constant 0 : i32
        %dma_wait3A_253 = arith.constant 0 : i32
        %dma_wait3A_254 = tpu.memref_slice %arg7[%dma_wait3A_252, %dma_wait3A_253] : memref<4x128xi32, #tpu.memory_space<vmem>> -> memref<1x128xi32, #tpu.memory_space<vmem>>
        %dma_wait3A_255 = arith.constant 0 : i32
        %dma_wait3A_256 = arith.constant 0 : i32
        %dma_wait3A_257 = tpu.memref_slice %arg3[%dma_wait3A_251, %dma_wait3A_255, %dma_wait3A_256] : memref<2560x1x128xi32, #tpu.memory_space<hbm>> -> memref<1x1x128xi32, #tpu.memory_space<hbm>>
        %dma_wait3A_258 = tpu.memref_squeeze %dma_wait3A_257 : memref<1x1x128xi32, #tpu.memory_space<hbm>> -> memref<1x128xi32, #tpu.memory_space<hbm>>
        %dma_wait3A_259 = arith.constant 0 : i32
        %dma_wait3A_260 = arith.constant 0 : i32
        %dma_wait3A_261 = tpu.memref_slice %arg7[%dma_wait3A_259, %dma_wait3A_260] : memref<4x128xi32, #tpu.memory_space<vmem>> -> memref<1x128xi32, #tpu.memory_space<vmem>>
        %dma_wait3A_262 = arith.constant 0 : i32
        %dma_wait3A_263 = arith.constant 0 : i32
        %dma_wait3A_264 = tpu.memref_slice %arg3[%dma_wait3A_251, %dma_wait3A_262, %dma_wait3A_263] : memref<2560x1x128xi32, #tpu.memory_space<hbm>> -> memref<1x1x128xi32, #tpu.memory_space<hbm>>
        %dma_wait3A_265 = tpu.memref_squeeze %dma_wait3A_264 : memref<1x1x128xi32, #tpu.memory_space<hbm>> -> memref<1x128xi32, #tpu.memory_space<hbm>>
        tpu.wait_dma2 semaphore(%arg13 : memref<!tpu.dma_semaphore, #tpu.memory_space<semaphore_mem>>) src(%dma_wait3A_265 : memref<1x128xi32, #tpu.memory_space<hbm>>) dst(%dma_wait3A_261 : memref<1x128xi32, #tpu.memory_space<vmem>>)
        %dma_start3A_266 = arith.constant 0 : i32
        %dma_start3A_267 = arith.constant 0 : i32
        %dma_start3A_268 = arith.constant 0 : i32
        %dma_start3A_269 = arith.constant 0 : i32
        %dma_start3A_270 = tpu.memref_slice %arg9[%dma_start3A_267, %dma_start3A_268, %dma_start3A_269] : memref<2x128x128xf32, #tpu.memory_space<vmem>> -> memref<1x128x128xf32, #tpu.memory_space<vmem>>
        %dma_start3A_271 = tpu.memref_squeeze %dma_start3A_270 : memref<1x128x128xf32, #tpu.memory_space<vmem>> -> memref<128x128xf32, #tpu.memory_space<vmem>>
        %dma_start3A_272 = arith.constant 0 : i32
        %dma_start3A_273 = tpu.memref_slice %arg7[%dma_start3A_266, %dma_start3A_272] : memref<4x128xi32, #tpu.memory_space<vmem>> -> memref<1x128xi32, #tpu.memory_space<vmem>>
        %dma_start3A_274 = tpu.memref_squeeze %dma_start3A_273 : memref<1x128xi32, #tpu.memory_space<vmem>> -> memref<128xi32, #tpu.memory_space<vmem>>
        %dma_start3A_275 = arith.constant 0 : i32
        %dma_start3A_276 = arith.constant 0 : i32
        %dma_start3A_277 = tpu.memref_slice %arg2[%dma_start3A_275, %dma_start3A_276] : memref<10000x128xf32, #tpu.memory_space<hbm>> -> memref<10000x128xf32, #tpu.memory_space<hbm>>
        tpu.enqueue_indirect_dma source(%dma_start3A_277 : memref<10000x128xf32, #tpu.memory_space<hbm>>) target(%dma_start3A_271 : memref<128x128xf32, #tpu.memory_space<vmem>>) offsets(%dma_start3A_274 : memref<128xi32, #tpu.memory_space<vmem>>) semaphore(%arg11 : memref<!tpu.dma_semaphore, #tpu.memory_space<semaphore_mem>>)
      } else {
      }
      %mul3A_219 = arith.constant 4 : i32
      %mul3A_220 = arith.muli %scan3A_128, %mul3A_219 : i32
      %add3A_221 = arith.constant 3 : i32
      %add3A_222 = arith.addi %mul3A_220, %add3A_221 : i32
      %dma_wait3A_223 = arith.constant 0 : i32
      %dma_wait3A_224 = arith.constant 1 : i32
      %dma_wait3A_225 = arith.constant 0 : i32
      %dma_wait3A_226 = arith.constant 0 : i32
      %dma_wait3A_227 = tpu.memref_slice %arg9[%dma_wait3A_224, %dma_wait3A_225, %dma_wait3A_226] : memref<2x128x128xf32, #tpu.memory_space<vmem>> -> memref<1x128x128xf32, #tpu.memory_space<vmem>>
      %dma_wait3A_228 = tpu.memref_squeeze %dma_wait3A_227 : memref<1x128x128xf32, #tpu.memory_space<vmem>> -> memref<128x128xf32, #tpu.memory_space<vmem>>
      %dma_wait3A_229 = arith.constant 0 : i32
      %dma_wait3A_230 = tpu.memref_slice %arg7[%dma_wait3A_223, %dma_wait3A_229] : memref<4x128xi32, #tpu.memory_space<vmem>> -> memref<1x128xi32, #tpu.memory_space<vmem>>
      %dma_wait3A_231 = tpu.memref_squeeze %dma_wait3A_230 : memref<1x128xi32, #tpu.memory_space<vmem>> -> memref<128xi32, #tpu.memory_space<vmem>>
      %dma_wait3A_232 = arith.constant 0 : i32
      %dma_wait3A_233 = arith.constant 0 : i32
      %dma_wait3A_234 = tpu.memref_slice %arg2[%dma_wait3A_232, %dma_wait3A_233] : memref<10000x128xf32, #tpu.memory_space<hbm>> -> memref<10000x128xf32, #tpu.memory_space<hbm>>
      tpu.wait_indirect_dma semaphore(%arg12 : memref<!tpu.dma_semaphore, #tpu.memory_space<semaphore_mem>>) src(%dma_wait3A_234 : memref<10000x128xf32, #tpu.memory_space<hbm>>) dst(%dma_wait3A_228 : memref<128x128xf32, #tpu.memory_space<vmem>>)
      %run_scoped3A_235 = arith.constant 1 : i32
      "tpu.region"() ({
        %run_scoped3A_251 = tpu.sem_alloc : memref<!tpu.dma_semaphore, #tpu.memory_space<semaphore_mem>>
        %dma_start3A_252 = arith.constant 0 : i32
        %dma_start3A_253 = arith.constant 0 : i32
        %dma_start3A_254 = tpu.memref_slice %arg9[%run_scoped3A_235, %dma_start3A_252, %dma_start3A_253] : memref<2x128x128xf32, #tpu.memory_space<vmem>> -> memref<1x128x128xf32, #tpu.memory_space<vmem>>
        %dma_start3A_255 = tpu.memref_squeeze %dma_start3A_254 : memref<1x128x128xf32, #tpu.memory_space<vmem>> -> memref<128x128xf32, #tpu.memory_space<vmem>>
        %dma_start3A_256 = arith.constant 0 : i32
        %dma_start3A_257 = tpu.memref_slice %arg8[%add3A_222, %dma_start3A_256] : memref<80x128xi32, #tpu.memory_space<vmem>> -> memref<1x128xi32, #tpu.memory_space<vmem>>
        %dma_start3A_258 = tpu.memref_squeeze %dma_start3A_257 : memref<1x128xi32, #tpu.memory_space<vmem>> -> memref<128xi32, #tpu.memory_space<vmem>>
        %dma_start3A_259 = arith.constant 0 : i32
        %dma_start3A_260 = arith.constant 0 : i32
        %dma_start3A_261 = tpu.memref_slice %arg10[%dma_start3A_259, %dma_start3A_260] : memref<10112x128xf32, #tpu.memory_space<vmem_shared>> -> memref<10112x128xf32, #tpu.memory_space<vmem_shared>>
        tpu.enqueue_indirect_dma source(%dma_start3A_255 : memref<128x128xf32, #tpu.memory_space<vmem>>) target(%dma_start3A_261 : memref<10112x128xf32, #tpu.memory_space<vmem_shared>>) offsets(%dma_start3A_258 : memref<128xi32, #tpu.memory_space<vmem>>) semaphore(%run_scoped3A_251 : memref<!tpu.dma_semaphore, #tpu.memory_space<semaphore_mem>>) {add = true}
        %dma_wait3A_262 = arith.constant 0 : i32
        %dma_wait3A_263 = arith.constant 0 : i32
        %dma_wait3A_264 = tpu.memref_slice %arg9[%run_scoped3A_235, %dma_wait3A_262, %dma_wait3A_263] : memref<2x128x128xf32, #tpu.memory_space<vmem>> -> memref<1x128x128xf32, #tpu.memory_space<vmem>>
        %dma_wait3A_265 = tpu.memref_squeeze %dma_wait3A_264 : memref<1x128x128xf32, #tpu.memory_space<vmem>> -> memref<128x128xf32, #tpu.memory_space<vmem>>
        %dma_wait3A_266 = arith.constant 0 : i32
        %dma_wait3A_267 = tpu.memref_slice %arg8[%add3A_222, %dma_wait3A_266] : memref<80x128xi32, #tpu.memory_space<vmem>> -> memref<1x128xi32, #tpu.memory_space<vmem>>
        %dma_wait3A_268 = tpu.memref_squeeze %dma_wait3A_267 : memref<1x128xi32, #tpu.memory_space<vmem>> -> memref<128xi32, #tpu.memory_space<vmem>>
        %dma_wait3A_269 = arith.constant 0 : i32
        %dma_wait3A_270 = arith.constant 0 : i32
        %dma_wait3A_271 = tpu.memref_slice %arg10[%dma_wait3A_269, %dma_wait3A_270] : memref<10112x128xf32, #tpu.memory_space<vmem_shared>> -> memref<10112x128xf32, #tpu.memory_space<vmem_shared>>
        tpu.wait_indirect_dma semaphore(%run_scoped3A_251 : memref<!tpu.dma_semaphore, #tpu.memory_space<semaphore_mem>>) src(%dma_wait3A_265 : memref<128x128xf32, #tpu.memory_space<vmem>>) dst(%dma_wait3A_271 : memref<10112x128xf32, #tpu.memory_space<vmem_shared>>)
        tpu.yield
      }) : () -> ()
      %add3A_236 = arith.constant 4 : i32
      %add3A_237 = arith.addi %add3A_222, %add3A_236 : i32
      %lt3A_238 = arith.constant 80 : i32
      %lt3A_239 = arith.cmpi slt, %add3A_237, %lt3A_238 : i32
      %convert_element_type3A_240 = arith.extui %lt3A_239 : i1 to i32
      %cond3A_241 = arith.constant 0 : i32
      %cond3A_242 = arith.cmpi ne, %convert_element_type3A_240, %cond3A_241 : i32
      scf.if %cond3A_242 {
        %add3A_251 = arith.addi %mul3A_4, %add3A_237 : i32
        %dma_start3A_252 = arith.constant 3 : i32
        %dma_start3A_253 = arith.constant 0 : i32
        %dma_start3A_254 = tpu.memref_slice %arg7[%dma_start3A_252, %dma_start3A_253] : memref<4x128xi32, #tpu.memory_space<vmem>> -> memref<1x128xi32, #tpu.memory_space<vmem>>
        %dma_start3A_255 = arith.constant 0 : i32
        %dma_start3A_256 = arith.constant 0 : i32
        %dma_start3A_257 = tpu.memref_slice %arg3[%add3A_251, %dma_start3A_255, %dma_start3A_256] : memref<2560x1x128xi32, #tpu.memory_space<hbm>> -> memref<1x1x128xi32, #tpu.memory_space<hbm>>
        %dma_start3A_258 = tpu.memref_squeeze %dma_start3A_257 : memref<1x1x128xi32, #tpu.memory_space<hbm>> -> memref<1x128xi32, #tpu.memory_space<hbm>>
        %dma_start3A_259 = arith.constant 3 : i32
        %dma_start3A_260 = arith.constant 0 : i32
        %dma_start3A_261 = tpu.memref_slice %arg7[%dma_start3A_259, %dma_start3A_260] : memref<4x128xi32, #tpu.memory_space<vmem>> -> memref<1x128xi32, #tpu.memory_space<vmem>>
        %dma_start3A_262 = arith.constant 0 : i32
        %dma_start3A_263 = arith.constant 0 : i32
        %dma_start3A_264 = tpu.memref_slice %arg3[%add3A_251, %dma_start3A_262, %dma_start3A_263] : memref<2560x1x128xi32, #tpu.memory_space<hbm>> -> memref<1x1x128xi32, #tpu.memory_space<hbm>>
        %dma_start3A_265 = tpu.memref_squeeze %dma_start3A_264 : memref<1x1x128xi32, #tpu.memory_space<hbm>> -> memref<1x128xi32, #tpu.memory_space<hbm>>
        tpu.enqueue_dma source(%dma_start3A_265 : memref<1x128xi32, #tpu.memory_space<hbm>>) target(%dma_start3A_261 : memref<1x128xi32, #tpu.memory_space<vmem>>) target_semaphore(%arg16 : memref<!tpu.dma_semaphore, #tpu.memory_space<semaphore_mem>>)
      } else {
      }
      %add3A_243 = arith.constant 2 : i32
      %add3A_244 = arith.addi %add3A_222, %add3A_243 : i32
      %lt3A_245 = arith.constant 80 : i32
      %lt3A_246 = arith.cmpi slt, %add3A_244, %lt3A_245 : i32
      %convert_element_type3A_247 = arith.extui %lt3A_246 : i1 to i32
      %cond3A_248 = arith.constant 0 : i32
      %cond3A_249 = arith.cmpi ne, %convert_element_type3A_247, %cond3A_248 : i32
      scf.if %cond3A_249 {
        %dma_wait3A_251 = arith.constant 0 : i32
        %dma_wait3A_252 = arith.constant 1 : i32
        %dma_wait3A_253 = arith.constant 0 : i32
        %dma_wait3A_254 = tpu.memref_slice %arg7[%dma_wait3A_252, %dma_wait3A_253] : memref<4x128xi32, #tpu.memory_space<vmem>> -> memref<1x128xi32, #tpu.memory_space<vmem>>
        %dma_wait3A_255 = arith.constant 0 : i32
        %dma_wait3A_256 = arith.constant 0 : i32
        %dma_wait3A_257 = tpu.memref_slice %arg3[%dma_wait3A_251, %dma_wait3A_255, %dma_wait3A_256] : memref<2560x1x128xi32, #tpu.memory_space<hbm>> -> memref<1x1x128xi32, #tpu.memory_space<hbm>>
        %dma_wait3A_258 = tpu.memref_squeeze %dma_wait3A_257 : memref<1x1x128xi32, #tpu.memory_space<hbm>> -> memref<1x128xi32, #tpu.memory_space<hbm>>
        %dma_wait3A_259 = arith.constant 1 : i32
        %dma_wait3A_260 = arith.constant 0 : i32
        %dma_wait3A_261 = tpu.memref_slice %arg7[%dma_wait3A_259, %dma_wait3A_260] : memref<4x128xi32, #tpu.memory_space<vmem>> -> memref<1x128xi32, #tpu.memory_space<vmem>>
        %dma_wait3A_262 = arith.constant 0 : i32
        %dma_wait3A_263 = arith.constant 0 : i32
        %dma_wait3A_264 = tpu.memref_slice %arg3[%dma_wait3A_251, %dma_wait3A_262, %dma_wait3A_263] : memref<2560x1x128xi32, #tpu.memory_space<hbm>> -> memref<1x1x128xi32, #tpu.memory_space<hbm>>
        %dma_wait3A_265 = tpu.memref_squeeze %dma_wait3A_264 : memref<1x1x128xi32, #tpu.memory_space<hbm>> -> memref<1x128xi32, #tpu.memory_space<hbm>>
        tpu.wait_dma2 semaphore(%arg14 : memref<!tpu.dma_semaphore, #tpu.memory_space<semaphore_mem>>) src(%dma_wait3A_265 : memref<1x128xi32, #tpu.memory_space<hbm>>) dst(%dma_wait3A_261 : memref<1x128xi32, #tpu.memory_space<vmem>>)
        %dma_start3A_266 = arith.constant 1 : i32
        %dma_start3A_267 = arith.constant 1 : i32
        %dma_start3A_268 = arith.constant 0 : i32
        %dma_start3A_269 = arith.constant 0 : i32
        %dma_start3A_270 = tpu.memref_slice %arg9[%dma_start3A_267, %dma_start3A_268, %dma_start3A_269] : memref<2x128x128xf32, #tpu.memory_space<vmem>> -> memref<1x128x128xf32, #tpu.memory_space<vmem>>
        %dma_start3A_271 = tpu.memref_squeeze %dma_start3A_270 : memref<1x128x128xf32, #tpu.memory_space<vmem>> -> memref<128x128xf32, #tpu.memory_space<vmem>>
        %dma_start3A_272 = arith.constant 0 : i32
        %dma_start3A_273 = tpu.memref_slice %arg7[%dma_start3A_266, %dma_start3A_272] : memref<4x128xi32, #tpu.memory_space<vmem>> -> memref<1x128xi32, #tpu.memory_space<vmem>>
        %dma_start3A_274 = tpu.memref_squeeze %dma_start3A_273 : memref<1x128xi32, #tpu.memory_space<vmem>> -> memref<128xi32, #tpu.memory_space<vmem>>
        %dma_start3A_275 = arith.constant 0 : i32
        %dma_start3A_276 = arith.constant 0 : i32
        %dma_start3A_277 = tpu.memref_slice %arg2[%dma_start3A_275, %dma_start3A_276] : memref<10000x128xf32, #tpu.memory_space<hbm>> -> memref<10000x128xf32, #tpu.memory_space<hbm>>
        tpu.enqueue_indirect_dma source(%dma_start3A_277 : memref<10000x128xf32, #tpu.memory_space<hbm>>) target(%dma_start3A_271 : memref<128x128xf32, #tpu.memory_space<vmem>>) offsets(%dma_start3A_274 : memref<128xi32, #tpu.memory_space<vmem>>) semaphore(%arg12 : memref<!tpu.dma_semaphore, #tpu.memory_space<semaphore_mem>>)
      } else {
      }
      %scan3A_250 = arith.constant 0 : i32
      scf.yield %scan3A_250 : i32
    }
    %scan3A_126 = arith.constant 20 : i32
    %barrier3A_127 = arith.constant 0 : index
    tpu.barrier barrier_id(%barrier3A_127)
    "tpu.region"() ({
      %run_scoped3A = tpu.sem_alloc : memref<!tpu.dma_semaphore, #tpu.memory_space<semaphore_mem>>
      %dma_start3A_128 = arith.constant 0 : i32
      %dma_start3A_129 = tpu.memref_slice %arg6[%arg0, %mul3A_2, %dma_start3A_128] : memref<2x10112x128xf32, #tpu.memory_space<hbm>> -> memref<1x632x128xf32, #tpu.memory_space<hbm>>
      %dma_start3A_130 = tpu.memref_squeeze %dma_start3A_129 : memref<1x632x128xf32, #tpu.memory_space<hbm>> -> memref<632x128xf32, #tpu.memory_space<hbm>>
      %dma_start3A_131 = arith.constant 0 : i32
      %dma_start3A_132 = tpu.memref_slice %arg10[%mul3A_2, %dma_start3A_131] : memref<10112x128xf32, #tpu.memory_space<vmem_shared>> -> memref<632x128xf32, #tpu.memory_space<vmem_shared>>
      tpu.enqueue_dma source(%dma_start3A_132 : memref<632x128xf32, #tpu.memory_space<vmem_shared>>) target(%dma_start3A_130 : memref<632x128xf32, #tpu.memory_space<hbm>>) target_semaphore(%run_scoped3A : memref<!tpu.dma_semaphore, #tpu.memory_space<semaphore_mem>>)
      %dma_wait3A_133 = arith.constant 0 : i32
      %dma_wait3A_134 = tpu.memref_slice %arg6[%arg0, %mul3A_2, %dma_wait3A_133] : memref<2x10112x128xf32, #tpu.memory_space<hbm>> -> memref<1x632x128xf32, #tpu.memory_space<hbm>>
      %dma_wait3A_135 = tpu.memref_squeeze %dma_wait3A_134 : memref<1x632x128xf32, #tpu.memory_space<hbm>> -> memref<632x128xf32, #tpu.memory_space<hbm>>
      %dma_wait3A_136 = arith.constant 0 : i32
      %dma_wait3A_137 = tpu.memref_slice %arg10[%mul3A_2, %dma_wait3A_136] : memref<10112x128xf32, #tpu.memory_space<vmem_shared>> -> memref<632x128xf32, #tpu.memory_space<vmem_shared>>
      tpu.wait_dma2 semaphore(%run_scoped3A : memref<!tpu.dma_semaphore, #tpu.memory_space<semaphore_mem>>) src(%dma_wait3A_137 : memref<632x128xf32, #tpu.memory_space<vmem_shared>>) dst(%dma_wait3A_135 : memref<632x128xf32, #tpu.memory_space<hbm>>)
      tpu.yield
    }) : () -> ()
    return
  }
}

#map = affine_map<(d0, d1) -> (0, 0)>
#map1 = affine_map<(d0, d1) -> (0, 0, 0)>
module attributes {stable_mosaic.version = 14 : i64} {
  func.func @body(%arg0: i32, %arg1: i32, %arg2: memref<2560x128xi32, #tpu.memory_space<hbm>>, %arg3: memref<2560x128xi32, #tpu.memory_space<hbm>>, %arg4: memref<10112x128xf32, #tpu.memory_space<hbm>>, %arg5: memref<128x128xf32, #tpu.memory_space<hbm>>, %arg6: memref<2x10112x128xf32, #tpu.memory_space<hbm>>, %arg7: memref<2x10112x128xf32, #tpu.memory_space<hbm>>, %arg8: memref<80x128xi32, #tpu.memory_space<vmem>>, %arg9: memref<128x128xf32, #tpu.memory_space<vmem>>, %arg10: memref<10112x128xf32, #tpu.memory_space<vmem_shared>>) attributes {dimension_semantics = [#tpu.dimension_semantics<core_parallel>, #tpu.dimension_semantics<subcore_parallel>], iteration_bounds = array<i64: 2, 16>, scalar_prefetch = 0 : i64, scratch_operands = 3 : i64, tpu.core_type = #tpu.core_type<sc_vector_subcore>, window_params = [{transform_indices = #map}, {transform_indices = #map}, {transform_indices = #map}, {transform_indices = #map}, {transform_indices = #map1}, {transform_indices = #map1}]} {
    %mul3A = arith.constant 2 : i32
    %mul3A_0 = arith.muli %arg1, %mul3A : i32
    %add3A = arith.addi %mul3A_0, %arg0 : i32
    %mul3A_1 = arith.constant 632 : i32
    %mul3A_2 = arith.muli %arg1, %mul3A_1 : i32
    "tpu.region"() ({
      %run_scoped3A = tpu.sem_alloc : memref<!tpu.dma_semaphore, #tpu.memory_space<semaphore_mem>>
      %dma_start3A = arith.constant 0 : i32
      %dma_start3A_23 = arith.constant 0 : i32
      %dma_start3A_24 = tpu.memref_slice %arg5[%dma_start3A, %dma_start3A_23] : memref<128x128xf32, #tpu.memory_space<hbm>> -> memref<128x128xf32, #tpu.memory_space<hbm>>
      %dma_start3A_25 = arith.constant 0 : i32
      %dma_start3A_26 = arith.constant 0 : i32
      %dma_start3A_27 = tpu.memref_slice %arg5[%dma_start3A_25, %dma_start3A_26] : memref<128x128xf32, #tpu.memory_space<hbm>> -> memref<128x128xf32, #tpu.memory_space<hbm>>
      tpu.enqueue_dma source(%dma_start3A_27 : memref<128x128xf32, #tpu.memory_space<hbm>>) target(%arg9 : memref<128x128xf32, #tpu.memory_space<vmem>>) target_semaphore(%run_scoped3A : memref<!tpu.dma_semaphore, #tpu.memory_space<semaphore_mem>>)
      %dma_wait3A = arith.constant 0 : i32
      %dma_wait3A_28 = arith.constant 0 : i32
      %dma_wait3A_29 = tpu.memref_slice %arg5[%dma_wait3A, %dma_wait3A_28] : memref<128x128xf32, #tpu.memory_space<hbm>> -> memref<128x128xf32, #tpu.memory_space<hbm>>
      %dma_wait3A_30 = arith.constant 0 : i32
      %dma_wait3A_31 = arith.constant 0 : i32
      %dma_wait3A_32 = tpu.memref_slice %arg5[%dma_wait3A_30, %dma_wait3A_31] : memref<128x128xf32, #tpu.memory_space<hbm>> -> memref<128x128xf32, #tpu.memory_space<hbm>>
      tpu.wait_dma2 semaphore(%run_scoped3A : memref<!tpu.dma_semaphore, #tpu.memory_space<semaphore_mem>>) src(%dma_wait3A_32 : memref<128x128xf32, #tpu.memory_space<hbm>>) dst(%arg9 : memref<128x128xf32, #tpu.memory_space<vmem>>)
      tpu.yield
    }) : () -> ()
    %mul3A_3 = arith.constant 80 : i32
    %mul3A_4 = arith.muli %add3A, %mul3A_3 : i32
    "tpu.region"() ({
      %run_scoped3A = tpu.sem_alloc : memref<!tpu.dma_semaphore, #tpu.memory_space<semaphore_mem>>
      %dma_start3A = arith.constant 0 : i32
      %dma_start3A_23 = tpu.memref_slice %arg2[%mul3A_4, %dma_start3A] : memref<2560x128xi32, #tpu.memory_space<hbm>> -> memref<80x128xi32, #tpu.memory_space<hbm>>
      %dma_start3A_24 = arith.constant 0 : i32
      %dma_start3A_25 = tpu.memref_slice %arg2[%mul3A_4, %dma_start3A_24] : memref<2560x128xi32, #tpu.memory_space<hbm>> -> memref<80x128xi32, #tpu.memory_space<hbm>>
      tpu.enqueue_dma source(%dma_start3A_25 : memref<80x128xi32, #tpu.memory_space<hbm>>) target(%arg8 : memref<80x128xi32, #tpu.memory_space<vmem>>) target_semaphore(%run_scoped3A : memref<!tpu.dma_semaphore, #tpu.memory_space<semaphore_mem>>)
      %dma_wait3A = arith.constant 0 : i32
      %dma_wait3A_26 = tpu.memref_slice %arg2[%mul3A_4, %dma_wait3A] : memref<2560x128xi32, #tpu.memory_space<hbm>> -> memref<80x128xi32, #tpu.memory_space<hbm>>
      %dma_wait3A_27 = arith.constant 0 : i32
      %dma_wait3A_28 = tpu.memref_slice %arg2[%mul3A_4, %dma_wait3A_27] : memref<2560x128xi32, #tpu.memory_space<hbm>> -> memref<80x128xi32, #tpu.memory_space<hbm>>
      tpu.wait_dma2 semaphore(%run_scoped3A : memref<!tpu.dma_semaphore, #tpu.memory_space<semaphore_mem>>) src(%dma_wait3A_28 : memref<80x128xi32, #tpu.memory_space<hbm>>) dst(%arg8 : memref<80x128xi32, #tpu.memory_space<vmem>>)
      tpu.yield
    }) : () -> ()
    "tpu.region"() ({
      %run_scoped3A = tpu.sem_alloc : memref<!tpu.dma_semaphore, #tpu.memory_space<semaphore_mem>>
      %dma_start3A = arith.constant 0 : i32
      %dma_start3A_23 = tpu.memref_slice %arg10[%mul3A_2, %dma_start3A] : memref<10112x128xf32, #tpu.memory_space<vmem_shared>> -> memref<632x128xf32, #tpu.memory_space<vmem_shared>>
      %dma_start3A_24 = arith.constant 0 : i32
      %dma_start3A_25 = tpu.memref_slice %arg4[%mul3A_2, %dma_start3A_24] : memref<10112x128xf32, #tpu.memory_space<hbm>> -> memref<632x128xf32, #tpu.memory_space<hbm>>
      tpu.enqueue_dma source(%dma_start3A_25 : memref<632x128xf32, #tpu.memory_space<hbm>>) target(%dma_start3A_23 : memref<632x128xf32, #tpu.memory_space<vmem_shared>>) target_semaphore(%run_scoped3A : memref<!tpu.dma_semaphore, #tpu.memory_space<semaphore_mem>>)
      %dma_wait3A = arith.constant 0 : i32
      %dma_wait3A_26 = tpu.memref_slice %arg10[%mul3A_2, %dma_wait3A] : memref<10112x128xf32, #tpu.memory_space<vmem_shared>> -> memref<632x128xf32, #tpu.memory_space<vmem_shared>>
      %dma_wait3A_27 = arith.constant 0 : i32
      %dma_wait3A_28 = tpu.memref_slice %arg4[%mul3A_2, %dma_wait3A_27] : memref<10112x128xf32, #tpu.memory_space<hbm>> -> memref<632x128xf32, #tpu.memory_space<hbm>>
      tpu.wait_dma2 semaphore(%run_scoped3A : memref<!tpu.dma_semaphore, #tpu.memory_space<semaphore_mem>>) src(%dma_wait3A_28 : memref<632x128xf32, #tpu.memory_space<hbm>>) dst(%dma_wait3A_26 : memref<632x128xf32, #tpu.memory_space<vmem_shared>>)
      tpu.yield
    }) : () -> ()
    %barrier3A = arith.constant 0 : index
    tpu.barrier barrier_id(%barrier3A)
    %scan3A = arith.constant 0 : i32
    %scan3A_5 = arith.constant 0 : i32
    %scan3A_6 = arith.constant 80 : i32
    %scan3A_7 = arith.addi %scan3A_5, %scan3A_6 : i32
    %scan3A_8 = arith.constant 1 : i32
    %scan3A_9 = scf.for %scan3A_23 = %scan3A_5 to %scan3A_7 step %scan3A_8 iter_args(%scan3A_24 = %scan3A) -> (i32)  : i32 {
      "tpu.region"() ({
        %run_scoped3A = tpu.sem_alloc : memref<!tpu.dma_semaphore, #tpu.memory_space<semaphore_mem>>
        %dma_start3A = arith.constant 0 : i32
        %dma_start3A_26 = tpu.memref_slice %arg8[%scan3A_23, %dma_start3A] : memref<80x128xi32, #tpu.memory_space<vmem>> -> memref<1x128xi32, #tpu.memory_space<vmem>>
        %dma_start3A_27 = tpu.memref_squeeze %dma_start3A_26 : memref<1x128xi32, #tpu.memory_space<vmem>> -> memref<128xi32, #tpu.memory_space<vmem>>
        %dma_start3A_28 = arith.constant 0 : i32
        %dma_start3A_29 = arith.constant 0 : i32
        %dma_start3A_30 = tpu.memref_slice %arg10[%dma_start3A_28, %dma_start3A_29] : memref<10112x128xf32, #tpu.memory_space<vmem_shared>> -> memref<10112x128xf32, #tpu.memory_space<vmem_shared>>
        tpu.enqueue_indirect_dma source(%arg9 : memref<128x128xf32, #tpu.memory_space<vmem>>) target(%dma_start3A_30 : memref<10112x128xf32, #tpu.memory_space<vmem_shared>>) offsets(%dma_start3A_27 : memref<128xi32, #tpu.memory_space<vmem>>) semaphore(%run_scoped3A : memref<!tpu.dma_semaphore, #tpu.memory_space<semaphore_mem>>) {add = true}
        %dma_wait3A = arith.constant 0 : i32
        %dma_wait3A_31 = tpu.memref_slice %arg8[%scan3A_23, %dma_wait3A] : memref<80x128xi32, #tpu.memory_space<vmem>> -> memref<1x128xi32, #tpu.memory_space<vmem>>
        %dma_wait3A_32 = tpu.memref_squeeze %dma_wait3A_31 : memref<1x128xi32, #tpu.memory_space<vmem>> -> memref<128xi32, #tpu.memory_space<vmem>>
        %dma_wait3A_33 = arith.constant 0 : i32
        %dma_wait3A_34 = arith.constant 0 : i32
        %dma_wait3A_35 = tpu.memref_slice %arg10[%dma_wait3A_33, %dma_wait3A_34] : memref<10112x128xf32, #tpu.memory_space<vmem_shared>> -> memref<10112x128xf32, #tpu.memory_space<vmem_shared>>
        tpu.wait_indirect_dma semaphore(%run_scoped3A : memref<!tpu.dma_semaphore, #tpu.memory_space<semaphore_mem>>) src(%arg9 : memref<128x128xf32, #tpu.memory_space<vmem>>) dst(%dma_wait3A_35 : memref<10112x128xf32, #tpu.memory_space<vmem_shared>>)
        tpu.yield
      }) : () -> ()
      %scan3A_25 = arith.constant 0 : i32
      scf.yield %scan3A_25 : i32
    }
    %scan3A_10 = arith.constant 80 : i32
    %barrier3A_11 = arith.constant 0 : index
    tpu.barrier barrier_id(%barrier3A_11)
    "tpu.region"() ({
      %run_scoped3A = tpu.sem_alloc : memref<!tpu.dma_semaphore, #tpu.memory_space<semaphore_mem>>
      %dma_start3A = arith.constant 0 : i32
      %dma_start3A_23 = tpu.memref_slice %arg6[%arg0, %mul3A_2, %dma_start3A] : memref<2x10112x128xf32, #tpu.memory_space<hbm>> -> memref<1x632x128xf32, #tpu.memory_space<hbm>>
      %dma_start3A_24 = tpu.memref_squeeze %dma_start3A_23 : memref<1x632x128xf32, #tpu.memory_space<hbm>> -> memref<632x128xf32, #tpu.memory_space<hbm>>
      %dma_start3A_25 = arith.constant 0 : i32
      %dma_start3A_26 = tpu.memref_slice %arg10[%mul3A_2, %dma_start3A_25] : memref<10112x128xf32, #tpu.memory_space<vmem_shared>> -> memref<632x128xf32, #tpu.memory_space<vmem_shared>>
      tpu.enqueue_dma source(%dma_start3A_26 : memref<632x128xf32, #tpu.memory_space<vmem_shared>>) target(%dma_start3A_24 : memref<632x128xf32, #tpu.memory_space<hbm>>) target_semaphore(%run_scoped3A : memref<!tpu.dma_semaphore, #tpu.memory_space<semaphore_mem>>)
      %dma_wait3A = arith.constant 0 : i32
      %dma_wait3A_27 = tpu.memref_slice %arg6[%arg0, %mul3A_2, %dma_wait3A] : memref<2x10112x128xf32, #tpu.memory_space<hbm>> -> memref<1x632x128xf32, #tpu.memory_space<hbm>>
      %dma_wait3A_28 = tpu.memref_squeeze %dma_wait3A_27 : memref<1x632x128xf32, #tpu.memory_space<hbm>> -> memref<632x128xf32, #tpu.memory_space<hbm>>
      %dma_wait3A_29 = arith.constant 0 : i32
      %dma_wait3A_30 = tpu.memref_slice %arg10[%mul3A_2, %dma_wait3A_29] : memref<10112x128xf32, #tpu.memory_space<vmem_shared>> -> memref<632x128xf32, #tpu.memory_space<vmem_shared>>
      tpu.wait_dma2 semaphore(%run_scoped3A : memref<!tpu.dma_semaphore, #tpu.memory_space<semaphore_mem>>) src(%dma_wait3A_30 : memref<632x128xf32, #tpu.memory_space<vmem_shared>>) dst(%dma_wait3A_28 : memref<632x128xf32, #tpu.memory_space<hbm>>)
      tpu.yield
    }) : () -> ()
    %mul3A_12 = arith.constant 80 : i32
    %mul3A_13 = arith.muli %add3A, %mul3A_12 : i32
    "tpu.region"() ({
      %run_scoped3A = tpu.sem_alloc : memref<!tpu.dma_semaphore, #tpu.memory_space<semaphore_mem>>
      %dma_start3A = arith.constant 0 : i32
      %dma_start3A_23 = tpu.memref_slice %arg3[%mul3A_13, %dma_start3A] : memref<2560x128xi32, #tpu.memory_space<hbm>> -> memref<80x128xi32, #tpu.memory_space<hbm>>
      %dma_start3A_24 = arith.constant 0 : i32
      %dma_start3A_25 = tpu.memref_slice %arg3[%mul3A_13, %dma_start3A_24] : memref<2560x128xi32, #tpu.memory_space<hbm>> -> memref<80x128xi32, #tpu.memory_space<hbm>>
      tpu.enqueue_dma source(%dma_start3A_25 : memref<80x128xi32, #tpu.memory_space<hbm>>) target(%arg8 : memref<80x128xi32, #tpu.memory_space<vmem>>) target_semaphore(%run_scoped3A : memref<!tpu.dma_semaphore, #tpu.memory_space<semaphore_mem>>)
      %dma_wait3A = arith.constant 0 : i32
      %dma_wait3A_26 = tpu.memref_slice %arg3[%mul3A_13, %dma_wait3A] : memref<2560x128xi32, #tpu.memory_space<hbm>> -> memref<80x128xi32, #tpu.memory_space<hbm>>
      %dma_wait3A_27 = arith.constant 0 : i32
      %dma_wait3A_28 = tpu.memref_slice %arg3[%mul3A_13, %dma_wait3A_27] : memref<2560x128xi32, #tpu.memory_space<hbm>> -> memref<80x128xi32, #tpu.memory_space<hbm>>
      tpu.wait_dma2 semaphore(%run_scoped3A : memref<!tpu.dma_semaphore, #tpu.memory_space<semaphore_mem>>) src(%dma_wait3A_28 : memref<80x128xi32, #tpu.memory_space<hbm>>) dst(%arg8 : memref<80x128xi32, #tpu.memory_space<vmem>>)
      tpu.yield
    }) : () -> ()
    "tpu.region"() ({
      %run_scoped3A = tpu.sem_alloc : memref<!tpu.dma_semaphore, #tpu.memory_space<semaphore_mem>>
      %dma_start3A = arith.constant 0 : i32
      %dma_start3A_23 = tpu.memref_slice %arg10[%mul3A_2, %dma_start3A] : memref<10112x128xf32, #tpu.memory_space<vmem_shared>> -> memref<632x128xf32, #tpu.memory_space<vmem_shared>>
      %dma_start3A_24 = arith.constant 0 : i32
      %dma_start3A_25 = tpu.memref_slice %arg4[%mul3A_2, %dma_start3A_24] : memref<10112x128xf32, #tpu.memory_space<hbm>> -> memref<632x128xf32, #tpu.memory_space<hbm>>
      tpu.enqueue_dma source(%dma_start3A_25 : memref<632x128xf32, #tpu.memory_space<hbm>>) target(%dma_start3A_23 : memref<632x128xf32, #tpu.memory_space<vmem_shared>>) target_semaphore(%run_scoped3A : memref<!tpu.dma_semaphore, #tpu.memory_space<semaphore_mem>>)
      %dma_wait3A = arith.constant 0 : i32
      %dma_wait3A_26 = tpu.memref_slice %arg10[%mul3A_2, %dma_wait3A] : memref<10112x128xf32, #tpu.memory_space<vmem_shared>> -> memref<632x128xf32, #tpu.memory_space<vmem_shared>>
      %dma_wait3A_27 = arith.constant 0 : i32
      %dma_wait3A_28 = tpu.memref_slice %arg4[%mul3A_2, %dma_wait3A_27] : memref<10112x128xf32, #tpu.memory_space<hbm>> -> memref<632x128xf32, #tpu.memory_space<hbm>>
      tpu.wait_dma2 semaphore(%run_scoped3A : memref<!tpu.dma_semaphore, #tpu.memory_space<semaphore_mem>>) src(%dma_wait3A_28 : memref<632x128xf32, #tpu.memory_space<hbm>>) dst(%dma_wait3A_26 : memref<632x128xf32, #tpu.memory_space<vmem_shared>>)
      tpu.yield
    }) : () -> ()
    %barrier3A_14 = arith.constant 0 : index
    tpu.barrier barrier_id(%barrier3A_14)
    %scan3A_15 = arith.constant 0 : i32
    %scan3A_16 = arith.constant 0 : i32
    %scan3A_17 = arith.constant 80 : i32
    %scan3A_18 = arith.addi %scan3A_16, %scan3A_17 : i32
    %scan3A_19 = arith.constant 1 : i32
    %scan3A_20 = scf.for %scan3A_23 = %scan3A_16 to %scan3A_18 step %scan3A_19 iter_args(%scan3A_24 = %scan3A_15) -> (i32)  : i32 {
      "tpu.region"() ({
        %run_scoped3A = tpu.sem_alloc : memref<!tpu.dma_semaphore, #tpu.memory_space<semaphore_mem>>
        %dma_start3A = arith.constant 0 : i32
        %dma_start3A_26 = tpu.memref_slice %arg8[%scan3A_23, %dma_start3A] : memref<80x128xi32, #tpu.memory_space<vmem>> -> memref<1x128xi32, #tpu.memory_space<vmem>>
        %dma_start3A_27 = tpu.memref_squeeze %dma_start3A_26 : memref<1x128xi32, #tpu.memory_space<vmem>> -> memref<128xi32, #tpu.memory_space<vmem>>
        %dma_start3A_28 = arith.constant 0 : i32
        %dma_start3A_29 = arith.constant 0 : i32
        %dma_start3A_30 = tpu.memref_slice %arg10[%dma_start3A_28, %dma_start3A_29] : memref<10112x128xf32, #tpu.memory_space<vmem_shared>> -> memref<10112x128xf32, #tpu.memory_space<vmem_shared>>
        tpu.enqueue_indirect_dma source(%arg9 : memref<128x128xf32, #tpu.memory_space<vmem>>) target(%dma_start3A_30 : memref<10112x128xf32, #tpu.memory_space<vmem_shared>>) offsets(%dma_start3A_27 : memref<128xi32, #tpu.memory_space<vmem>>) semaphore(%run_scoped3A : memref<!tpu.dma_semaphore, #tpu.memory_space<semaphore_mem>>) {add = true}
        %dma_wait3A = arith.constant 0 : i32
        %dma_wait3A_31 = tpu.memref_slice %arg8[%scan3A_23, %dma_wait3A] : memref<80x128xi32, #tpu.memory_space<vmem>> -> memref<1x128xi32, #tpu.memory_space<vmem>>
        %dma_wait3A_32 = tpu.memref_squeeze %dma_wait3A_31 : memref<1x128xi32, #tpu.memory_space<vmem>> -> memref<128xi32, #tpu.memory_space<vmem>>
        %dma_wait3A_33 = arith.constant 0 : i32
        %dma_wait3A_34 = arith.constant 0 : i32
        %dma_wait3A_35 = tpu.memref_slice %arg10[%dma_wait3A_33, %dma_wait3A_34] : memref<10112x128xf32, #tpu.memory_space<vmem_shared>> -> memref<10112x128xf32, #tpu.memory_space<vmem_shared>>
        tpu.wait_indirect_dma semaphore(%run_scoped3A : memref<!tpu.dma_semaphore, #tpu.memory_space<semaphore_mem>>) src(%arg9 : memref<128x128xf32, #tpu.memory_space<vmem>>) dst(%dma_wait3A_35 : memref<10112x128xf32, #tpu.memory_space<vmem_shared>>)
        tpu.yield
      }) : () -> ()
      %scan3A_25 = arith.constant 0 : i32
      scf.yield %scan3A_25 : i32
    }
    %scan3A_21 = arith.constant 80 : i32
    %barrier3A_22 = arith.constant 0 : index
    tpu.barrier barrier_id(%barrier3A_22)
    "tpu.region"() ({
      %run_scoped3A = tpu.sem_alloc : memref<!tpu.dma_semaphore, #tpu.memory_space<semaphore_mem>>
      %dma_start3A = arith.constant 0 : i32
      %dma_start3A_23 = tpu.memref_slice %arg7[%arg0, %mul3A_2, %dma_start3A] : memref<2x10112x128xf32, #tpu.memory_space<hbm>> -> memref<1x632x128xf32, #tpu.memory_space<hbm>>
      %dma_start3A_24 = tpu.memref_squeeze %dma_start3A_23 : memref<1x632x128xf32, #tpu.memory_space<hbm>> -> memref<632x128xf32, #tpu.memory_space<hbm>>
      %dma_start3A_25 = arith.constant 0 : i32
      %dma_start3A_26 = tpu.memref_slice %arg10[%mul3A_2, %dma_start3A_25] : memref<10112x128xf32, #tpu.memory_space<vmem_shared>> -> memref<632x128xf32, #tpu.memory_space<vmem_shared>>
      tpu.enqueue_dma source(%dma_start3A_26 : memref<632x128xf32, #tpu.memory_space<vmem_shared>>) target(%dma_start3A_24 : memref<632x128xf32, #tpu.memory_space<hbm>>) target_semaphore(%run_scoped3A : memref<!tpu.dma_semaphore, #tpu.memory_space<semaphore_mem>>)
      %dma_wait3A = arith.constant 0 : i32
      %dma_wait3A_27 = tpu.memref_slice %arg7[%arg0, %mul3A_2, %dma_wait3A] : memref<2x10112x128xf32, #tpu.memory_space<hbm>> -> memref<1x632x128xf32, #tpu.memory_space<hbm>>
      %dma_wait3A_28 = tpu.memref_squeeze %dma_wait3A_27 : memref<1x632x128xf32, #tpu.memory_space<hbm>> -> memref<632x128xf32, #tpu.memory_space<hbm>>
      %dma_wait3A_29 = arith.constant 0 : i32
      %dma_wait3A_30 = tpu.memref_slice %arg10[%mul3A_2, %dma_wait3A_29] : memref<10112x128xf32, #tpu.memory_space<vmem_shared>> -> memref<632x128xf32, #tpu.memory_space<vmem_shared>>
      tpu.wait_dma2 semaphore(%run_scoped3A : memref<!tpu.dma_semaphore, #tpu.memory_space<semaphore_mem>>) src(%dma_wait3A_30 : memref<632x128xf32, #tpu.memory_space<vmem_shared>>) dst(%dma_wait3A_28 : memref<632x128xf32, #tpu.memory_space<hbm>>)
      tpu.yield
    }) : () -> ()
    return
  }
}

#map = affine_map<(d0, d1) -> (0, 0)>
#map1 = affine_map<(d0, d1) -> (0, 0, 0)>
module attributes {stable_mosaic.version = 14 : i64} {
  func.func @body(%arg0: i32, %arg1: i32, %arg2: memref<10000x128xf32, #tpu.memory_space<hbm>>, %arg3: memref<2560x1x128xi32, #tpu.memory_space<hbm>>, %arg4: memref<2560x128xi32, #tpu.memory_space<hbm>>, %arg5: memref<10112x128xf32, #tpu.memory_space<hbm>>, %arg6: memref<2x10112x128xf32, #tpu.memory_space<hbm>>, %arg7: memref<4x128xi32, #tpu.memory_space<vmem>>, %arg8: memref<80x128xi32, #tpu.memory_space<vmem>>, %arg9: memref<2x128x128xf32, #tpu.memory_space<vmem>>, %arg10: memref<10112x128xf32, #tpu.memory_space<vmem_shared>>, %arg11: memref<!tpu.dma_semaphore, #tpu.memory_space<semaphore_mem>>, %arg12: memref<!tpu.dma_semaphore, #tpu.memory_space<semaphore_mem>>, %arg13: memref<!tpu.dma_semaphore, #tpu.memory_space<semaphore_mem>>, %arg14: memref<!tpu.dma_semaphore, #tpu.memory_space<semaphore_mem>>, %arg15: memref<!tpu.dma_semaphore, #tpu.memory_space<semaphore_mem>>, %arg16: memref<!tpu.dma_semaphore, #tpu.memory_space<semaphore_mem>>) attributes {dimension_semantics = [#tpu.dimension_semantics<core_parallel>, #tpu.dimension_semantics<subcore_parallel>], iteration_bounds = array<i64: 2, 16>, scalar_prefetch = 0 : i64, scratch_operands = 10 : i64, tpu.core_type = #tpu.core_type<sc_vector_subcore>, window_params = [{transform_indices = #map}, {transform_indices = #map1}, {transform_indices = #map}, {transform_indices = #map}, {transform_indices = #map1}]} {
    %mul3A = arith.constant 2 : i32
    %mul3A_0 = arith.muli %arg1, %mul3A : i32
    %add3A = arith.addi %mul3A_0, %arg0 : i32
    %mul3A_1 = arith.constant 632 : i32
    %mul3A_2 = arith.muli %arg1, %mul3A_1 : i32
    %mul3A_3 = arith.constant 80 : i32
    %mul3A_4 = arith.muli %add3A, %mul3A_3 : i32
    %add3A_5 = arith.constant 0 : i32
    %add3A_6 = arith.addi %mul3A_4, %add3A_5 : i32
    %dma_start3A = arith.constant 0 : i32
    %dma_start3A_7 = arith.constant 0 : i32
    %dma_start3A_8 = tpu.memref_slice %arg7[%dma_start3A, %dma_start3A_7] : memref<4x128xi32, #tpu.memory_space<vmem>> -> memref<1x128xi32, #tpu.memory_space<vmem>>
    %dma_start3A_9 = arith.constant 0 : i32
    %dma_start3A_10 = arith.constant 0 : i32
    %dma_start3A_11 = tpu.memref_slice %arg3[%add3A_6, %dma_start3A_9, %dma_start3A_10] : memref<2560x1x128xi32, #tpu.memory_space<hbm>> -> memref<1x1x128xi32, #tpu.memory_space<hbm>>
    %dma_start3A_12 = tpu.memref_squeeze %dma_start3A_11 : memref<1x1x128xi32, #tpu.memory_space<hbm>> -> memref<1x128xi32, #tpu.memory_space<hbm>>
    %dma_start3A_13 = arith.constant 0 : i32
    %dma_start3A_14 = arith.constant 0 : i32
    %dma_start3A_15 = tpu.memref_slice %arg7[%dma_start3A_13, %dma_start3A_14] : memref<4x128xi32, #tpu.memory_space<vmem>> -> memref<1x128xi32, #tpu.memory_space<vmem>>
    %dma_start3A_16 = arith.constant 0 : i32
    %dma_start3A_17 = arith.constant 0 : i32
    %dma_start3A_18 = tpu.memref_slice %arg3[%add3A_6, %dma_start3A_16, %dma_start3A_17] : memref<2560x1x128xi32, #tpu.memory_space<hbm>> -> memref<1x1x128xi32, #tpu.memory_space<hbm>>
    %dma_start3A_19 = tpu.memref_squeeze %dma_start3A_18 : memref<1x1x128xi32, #tpu.memory_space<hbm>> -> memref<1x128xi32, #tpu.memory_space<hbm>>
    tpu.enqueue_dma source(%dma_start3A_19 : memref<1x128xi32, #tpu.memory_space<hbm>>) target(%dma_start3A_15 : memref<1x128xi32, #tpu.memory_space<vmem>>) target_semaphore(%arg13 : memref<!tpu.dma_semaphore, #tpu.memory_space<semaphore_mem>>)
    %add3A_20 = arith.constant 1 : i32
    %add3A_21 = arith.addi %mul3A_4, %add3A_20 : i32
    %dma_start3A_22 = arith.constant 1 : i32
    %dma_start3A_23 = arith.constant 0 : i32
    %dma_start3A_24 = tpu.memref_slice %arg7[%dma_start3A_22, %dma_start3A_23] : memref<4x128xi32, #tpu.memory_space<vmem>> -> memref<1x128xi32, #tpu.memory_space<vmem>>
    %dma_start3A_25 = arith.constant 0 : i32
    %dma_start3A_26 = arith.constant 0 : i32
    %dma_start3A_27 = tpu.memref_slice %arg3[%add3A_21, %dma_start3A_25, %dma_start3A_26] : memref<2560x1x128xi32, #tpu.memory_space<hbm>> -> memref<1x1x128xi32, #tpu.memory_space<hbm>>
    %dma_start3A_28 = tpu.memref_squeeze %dma_start3A_27 : memref<1x1x128xi32, #tpu.memory_space<hbm>> -> memref<1x128xi32, #tpu.memory_space<hbm>>
    %dma_start3A_29 = arith.constant 1 : i32
    %dma_start3A_30 = arith.constant 0 : i32
    %dma_start3A_31 = tpu.memref_slice %arg7[%dma_start3A_29, %dma_start3A_30] : memref<4x128xi32, #tpu.memory_space<vmem>> -> memref<1x128xi32, #tpu.memory_space<vmem>>
    %dma_start3A_32 = arith.constant 0 : i32
    %dma_start3A_33 = arith.constant 0 : i32
    %dma_start3A_34 = tpu.memref_slice %arg3[%add3A_21, %dma_start3A_32, %dma_start3A_33] : memref<2560x1x128xi32, #tpu.memory_space<hbm>> -> memref<1x1x128xi32, #tpu.memory_space<hbm>>
    %dma_start3A_35 = tpu.memref_squeeze %dma_start3A_34 : memref<1x1x128xi32, #tpu.memory_space<hbm>> -> memref<1x128xi32, #tpu.memory_space<hbm>>
    tpu.enqueue_dma source(%dma_start3A_35 : memref<1x128xi32, #tpu.memory_space<hbm>>) target(%dma_start3A_31 : memref<1x128xi32, #tpu.memory_space<vmem>>) target_semaphore(%arg14 : memref<!tpu.dma_semaphore, #tpu.memory_space<semaphore_mem>>)
    %add3A_36 = arith.constant 2 : i32
    %add3A_37 = arith.addi %mul3A_4, %add3A_36 : i32
    %dma_start3A_38 = arith.constant 2 : i32
    %dma_start3A_39 = arith.constant 0 : i32
    %dma_start3A_40 = tpu.memref_slice %arg7[%dma_start3A_38, %dma_start3A_39] : memref<4x128xi32, #tpu.memory_space<vmem>> -> memref<1x128xi32, #tpu.memory_space<vmem>>
    %dma_start3A_41 = arith.constant 0 : i32
    %dma_start3A_42 = arith.constant 0 : i32
    %dma_start3A_43 = tpu.memref_slice %arg3[%add3A_37, %dma_start3A_41, %dma_start3A_42] : memref<2560x1x128xi32, #tpu.memory_space<hbm>> -> memref<1x1x128xi32, #tpu.memory_space<hbm>>
    %dma_start3A_44 = tpu.memref_squeeze %dma_start3A_43 : memref<1x1x128xi32, #tpu.memory_space<hbm>> -> memref<1x128xi32, #tpu.memory_space<hbm>>
    %dma_start3A_45 = arith.constant 2 : i32
    %dma_start3A_46 = arith.constant 0 : i32
    %dma_start3A_47 = tpu.memref_slice %arg7[%dma_start3A_45, %dma_start3A_46] : memref<4x128xi32, #tpu.memory_space<vmem>> -> memref<1x128xi32, #tpu.memory_space<vmem>>
    %dma_start3A_48 = arith.constant 0 : i32
    %dma_start3A_49 = arith.constant 0 : i32
    %dma_start3A_50 = tpu.memref_slice %arg3[%add3A_37, %dma_start3A_48, %dma_start3A_49] : memref<2560x1x128xi32, #tpu.memory_space<hbm>> -> memref<1x1x128xi32, #tpu.memory_space<hbm>>
    %dma_start3A_51 = tpu.memref_squeeze %dma_start3A_50 : memref<1x1x128xi32, #tpu.memory_space<hbm>> -> memref<1x128xi32, #tpu.memory_space<hbm>>
    tpu.enqueue_dma source(%dma_start3A_51 : memref<1x128xi32, #tpu.memory_space<hbm>>) target(%dma_start3A_47 : memref<1x128xi32, #tpu.memory_space<vmem>>) target_semaphore(%arg15 : memref<!tpu.dma_semaphore, #tpu.memory_space<semaphore_mem>>)
    %add3A_52 = arith.constant 3 : i32
    %add3A_53 = arith.addi %mul3A_4, %add3A_52 : i32
    %dma_start3A_54 = arith.constant 3 : i32
    %dma_start3A_55 = arith.constant 0 : i32
    %dma_start3A_56 = tpu.memref_slice %arg7[%dma_start3A_54, %dma_start3A_55] : memref<4x128xi32, #tpu.memory_space<vmem>> -> memref<1x128xi32, #tpu.memory_space<vmem>>
    %dma_start3A_57 = arith.constant 0 : i32
    %dma_start3A_58 = arith.constant 0 : i32
    %dma_start3A_59 = tpu.memref_slice %arg3[%add3A_53, %dma_start3A_57, %dma_start3A_58] : memref<2560x1x128xi32, #tpu.memory_space<hbm>> -> memref<1x1x128xi32, #tpu.memory_space<hbm>>
    %dma_start3A_60 = tpu.memref_squeeze %dma_start3A_59 : memref<1x1x128xi32, #tpu.memory_space<hbm>> -> memref<1x128xi32, #tpu.memory_space<hbm>>
    %dma_start3A_61 = arith.constant 3 : i32
    %dma_start3A_62 = arith.constant 0 : i32
    %dma_start3A_63 = tpu.memref_slice %arg7[%dma_start3A_61, %dma_start3A_62] : memref<4x128xi32, #tpu.memory_space<vmem>> -> memref<1x128xi32, #tpu.memory_space<vmem>>
    %dma_start3A_64 = arith.constant 0 : i32
    %dma_start3A_65 = arith.constant 0 : i32
    %dma_start3A_66 = tpu.memref_slice %arg3[%add3A_53, %dma_start3A_64, %dma_start3A_65] : memref<2560x1x128xi32, #tpu.memory_space<hbm>> -> memref<1x1x128xi32, #tpu.memory_space<hbm>>
    %dma_start3A_67 = tpu.memref_squeeze %dma_start3A_66 : memref<1x1x128xi32, #tpu.memory_space<hbm>> -> memref<1x128xi32, #tpu.memory_space<hbm>>
    tpu.enqueue_dma source(%dma_start3A_67 : memref<1x128xi32, #tpu.memory_space<hbm>>) target(%dma_start3A_63 : memref<1x128xi32, #tpu.memory_space<vmem>>) target_semaphore(%arg16 : memref<!tpu.dma_semaphore, #tpu.memory_space<semaphore_mem>>)
    %dma_wait3A = arith.constant 0 : i32
    %dma_wait3A_68 = arith.constant 0 : i32
    %dma_wait3A_69 = arith.constant 0 : i32
    %dma_wait3A_70 = tpu.memref_slice %arg7[%dma_wait3A_68, %dma_wait3A_69] : memref<4x128xi32, #tpu.memory_space<vmem>> -> memref<1x128xi32, #tpu.memory_space<vmem>>
    %dma_wait3A_71 = arith.constant 0 : i32
    %dma_wait3A_72 = arith.constant 0 : i32
    %dma_wait3A_73 = tpu.memref_slice %arg3[%dma_wait3A, %dma_wait3A_71, %dma_wait3A_72] : memref<2560x1x128xi32, #tpu.memory_space<hbm>> -> memref<1x1x128xi32, #tpu.memory_space<hbm>>
    %dma_wait3A_74 = tpu.memref_squeeze %dma_wait3A_73 : memref<1x1x128xi32, #tpu.memory_space<hbm>> -> memref<1x128xi32, #tpu.memory_space<hbm>>
    %dma_wait3A_75 = arith.constant 0 : i32
    %dma_wait3A_76 = arith.constant 0 : i32
    %dma_wait3A_77 = tpu.memref_slice %arg7[%dma_wait3A_75, %dma_wait3A_76] : memref<4x128xi32, #tpu.memory_space<vmem>> -> memref<1x128xi32, #tpu.memory_space<vmem>>
    %dma_wait3A_78 = arith.constant 0 : i32
    %dma_wait3A_79 = arith.constant 0 : i32
    %dma_wait3A_80 = tpu.memref_slice %arg3[%dma_wait3A, %dma_wait3A_78, %dma_wait3A_79] : memref<2560x1x128xi32, #tpu.memory_space<hbm>> -> memref<1x1x128xi32, #tpu.memory_space<hbm>>
    %dma_wait3A_81 = tpu.memref_squeeze %dma_wait3A_80 : memref<1x1x128xi32, #tpu.memory_space<hbm>> -> memref<1x128xi32, #tpu.memory_space<hbm>>
    tpu.wait_dma2 semaphore(%arg13 : memref<!tpu.dma_semaphore, #tpu.memory_space<semaphore_mem>>) src(%dma_wait3A_81 : memref<1x128xi32, #tpu.memory_space<hbm>>) dst(%dma_wait3A_77 : memref<1x128xi32, #tpu.memory_space<vmem>>)
    %dma_start3A_82 = arith.constant 0 : i32
    %dma_start3A_83 = arith.constant 0 : i32
    %dma_start3A_84 = arith.constant 0 : i32
    %dma_start3A_85 = arith.constant 0 : i32
    %dma_start3A_86 = tpu.memref_slice %arg9[%dma_start3A_83, %dma_start3A_84, %dma_start3A_85] : memref<2x128x128xf32, #tpu.memory_space<vmem>> -> memref<1x128x128xf32, #tpu.memory_space<vmem>>
    %dma_start3A_87 = tpu.memref_squeeze %dma_start3A_86 : memref<1x128x128xf32, #tpu.memory_space<vmem>> -> memref<128x128xf32, #tpu.memory_space<vmem>>
    %dma_start3A_88 = arith.constant 0 : i32
    %dma_start3A_89 = tpu.memref_slice %arg7[%dma_start3A_82, %dma_start3A_88] : memref<4x128xi32, #tpu.memory_space<vmem>> -> memref<1x128xi32, #tpu.memory_space<vmem>>
    %dma_start3A_90 = tpu.memref_squeeze %dma_start3A_89 : memref<1x128xi32, #tpu.memory_space<vmem>> -> memref<128xi32, #tpu.memory_space<vmem>>
    %dma_start3A_91 = arith.constant 0 : i32
    %dma_start3A_92 = arith.constant 0 : i32
    %dma_start3A_93 = tpu.memref_slice %arg2[%dma_start3A_91, %dma_start3A_92] : memref<10000x128xf32, #tpu.memory_space<hbm>> -> memref<10000x128xf32, #tpu.memory_space<hbm>>
    tpu.enqueue_indirect_dma source(%dma_start3A_93 : memref<10000x128xf32, #tpu.memory_space<hbm>>) target(%dma_start3A_87 : memref<128x128xf32, #tpu.memory_space<vmem>>) offsets(%dma_start3A_90 : memref<128xi32, #tpu.memory_space<vmem>>) semaphore(%arg11 : memref<!tpu.dma_semaphore, #tpu.memory_space<semaphore_mem>>)
    %dma_wait3A_94 = arith.constant 0 : i32
    %dma_wait3A_95 = arith.constant 1 : i32
    %dma_wait3A_96 = arith.constant 0 : i32
    %dma_wait3A_97 = tpu.memref_slice %arg7[%dma_wait3A_95, %dma_wait3A_96] : memref<4x128xi32, #tpu.memory_space<vmem>> -> memref<1x128xi32, #tpu.memory_space<vmem>>
    %dma_wait3A_98 = arith.constant 0 : i32
    %dma_wait3A_99 = arith.constant 0 : i32
    %dma_wait3A_100 = tpu.memref_slice %arg3[%dma_wait3A_94, %dma_wait3A_98, %dma_wait3A_99] : memref<2560x1x128xi32, #tpu.memory_space<hbm>> -> memref<1x1x128xi32, #tpu.memory_space<hbm>>
    %dma_wait3A_101 = tpu.memref_squeeze %dma_wait3A_100 : memref<1x1x128xi32, #tpu.memory_space<hbm>> -> memref<1x128xi32, #tpu.memory_space<hbm>>
    %dma_wait3A_102 = arith.constant 1 : i32
    %dma_wait3A_103 = arith.constant 0 : i32
    %dma_wait3A_104 = tpu.memref_slice %arg7[%dma_wait3A_102, %dma_wait3A_103] : memref<4x128xi32, #tpu.memory_space<vmem>> -> memref<1x128xi32, #tpu.memory_space<vmem>>
    %dma_wait3A_105 = arith.constant 0 : i32
    %dma_wait3A_106 = arith.constant 0 : i32
    %dma_wait3A_107 = tpu.memref_slice %arg3[%dma_wait3A_94, %dma_wait3A_105, %dma_wait3A_106] : memref<2560x1x128xi32, #tpu.memory_space<hbm>> -> memref<1x1x128xi32, #tpu.memory_space<hbm>>
    %dma_wait3A_108 = tpu.memref_squeeze %dma_wait3A_107 : memref<1x1x128xi32, #tpu.memory_space<hbm>> -> memref<1x128xi32, #tpu.memory_space<hbm>>
    tpu.wait_dma2 semaphore(%arg14 : memref<!tpu.dma_semaphore, #tpu.memory_space<semaphore_mem>>) src(%dma_wait3A_108 : memref<1x128xi32, #tpu.memory_space<hbm>>) dst(%dma_wait3A_104 : memref<1x128xi32, #tpu.memory_space<vmem>>)
    %dma_start3A_109 = arith.constant 1 : i32
    %dma_start3A_110 = arith.constant 1 : i32
    %dma_start3A_111 = arith.constant 0 : i32
    %dma_start3A_112 = arith.constant 0 : i32
    %dma_start3A_113 = tpu.memref_slice %arg9[%dma_start3A_110, %dma_start3A_111, %dma_start3A_112] : memref<2x128x128xf32, #tpu.memory_space<vmem>> -> memref<1x128x128xf32, #tpu.memory_space<vmem>>
    %dma_start3A_114 = tpu.memref_squeeze %dma_start3A_113 : memref<1x128x128xf32, #tpu.memory_space<vmem>> -> memref<128x128xf32, #tpu.memory_space<vmem>>
    %dma_start3A_115 = arith.constant 0 : i32
    %dma_start3A_116 = tpu.memref_slice %arg7[%dma_start3A_109, %dma_start3A_115] : memref<4x128xi32, #tpu.memory_space<vmem>> -> memref<1x128xi32, #tpu.memory_space<vmem>>
    %dma_start3A_117 = tpu.memref_squeeze %dma_start3A_116 : memref<1x128xi32, #tpu.memory_space<vmem>> -> memref<128xi32, #tpu.memory_space<vmem>>
    %dma_start3A_118 = arith.constant 0 : i32
    %dma_start3A_119 = arith.constant 0 : i32
    %dma_start3A_120 = tpu.memref_slice %arg2[%dma_start3A_118, %dma_start3A_119] : memref<10000x128xf32, #tpu.memory_space<hbm>> -> memref<10000x128xf32, #tpu.memory_space<hbm>>
    tpu.enqueue_indirect_dma source(%dma_start3A_120 : memref<10000x128xf32, #tpu.memory_space<hbm>>) target(%dma_start3A_114 : memref<128x128xf32, #tpu.memory_space<vmem>>) offsets(%dma_start3A_117 : memref<128xi32, #tpu.memory_space<vmem>>) semaphore(%arg12 : memref<!tpu.dma_semaphore, #tpu.memory_space<semaphore_mem>>)
    "tpu.region"() ({
      %run_scoped3A = tpu.sem_alloc : memref<!tpu.dma_semaphore, #tpu.memory_space<semaphore_mem>>
      %dma_start3A_128 = arith.constant 0 : i32
      %dma_start3A_129 = tpu.memref_slice %arg4[%mul3A_4, %dma_start3A_128] : memref<2560x128xi32, #tpu.memory_space<hbm>> -> memref<80x128xi32, #tpu.memory_space<hbm>>
      %dma_start3A_130 = arith.constant 0 : i32
      %dma_start3A_131 = tpu.memref_slice %arg4[%mul3A_4, %dma_start3A_130] : memref<2560x128xi32, #tpu.memory_space<hbm>> -> memref<80x128xi32, #tpu.memory_space<hbm>>
      tpu.enqueue_dma source(%dma_start3A_131 : memref<80x128xi32, #tpu.memory_space<hbm>>) target(%arg8 : memref<80x128xi32, #tpu.memory_space<vmem>>) target_semaphore(%run_scoped3A : memref<!tpu.dma_semaphore, #tpu.memory_space<semaphore_mem>>)
      %dma_wait3A_132 = arith.constant 0 : i32
      %dma_wait3A_133 = tpu.memref_slice %arg4[%mul3A_4, %dma_wait3A_132] : memref<2560x128xi32, #tpu.memory_space<hbm>> -> memref<80x128xi32, #tpu.memory_space<hbm>>
      %dma_wait3A_134 = arith.constant 0 : i32
      %dma_wait3A_135 = tpu.memref_slice %arg4[%mul3A_4, %dma_wait3A_134] : memref<2560x128xi32, #tpu.memory_space<hbm>> -> memref<80x128xi32, #tpu.memory_space<hbm>>
      tpu.wait_dma2 semaphore(%run_scoped3A : memref<!tpu.dma_semaphore, #tpu.memory_space<semaphore_mem>>) src(%dma_wait3A_135 : memref<80x128xi32, #tpu.memory_space<hbm>>) dst(%arg8 : memref<80x128xi32, #tpu.memory_space<vmem>>)
      tpu.yield
    }) : () -> ()
    "tpu.region"() ({
      %run_scoped3A = tpu.sem_alloc : memref<!tpu.dma_semaphore, #tpu.memory_space<semaphore_mem>>
      %dma_start3A_128 = arith.constant 0 : i32
      %dma_start3A_129 = tpu.memref_slice %arg10[%mul3A_2, %dma_start3A_128] : memref<10112x128xf32, #tpu.memory_space<vmem_shared>> -> memref<632x128xf32, #tpu.memory_space<vmem_shared>>
      %dma_start3A_130 = arith.constant 0 : i32
      %dma_start3A_131 = tpu.memref_slice %arg5[%mul3A_2, %dma_start3A_130] : memref<10112x128xf32, #tpu.memory_space<hbm>> -> memref<632x128xf32, #tpu.memory_space<hbm>>
      tpu.enqueue_dma source(%dma_start3A_131 : memref<632x128xf32, #tpu.memory_space<hbm>>) target(%dma_start3A_129 : memref<632x128xf32, #tpu.memory_space<vmem_shared>>) target_semaphore(%run_scoped3A : memref<!tpu.dma_semaphore, #tpu.memory_space<semaphore_mem>>)
      %dma_wait3A_132 = arith.constant 0 : i32
      %dma_wait3A_133 = tpu.memref_slice %arg10[%mul3A_2, %dma_wait3A_132] : memref<10112x128xf32, #tpu.memory_space<vmem_shared>> -> memref<632x128xf32, #tpu.memory_space<vmem_shared>>
      %dma_wait3A_134 = arith.constant 0 : i32
      %dma_wait3A_135 = tpu.memref_slice %arg5[%mul3A_2, %dma_wait3A_134] : memref<10112x128xf32, #tpu.memory_space<hbm>> -> memref<632x128xf32, #tpu.memory_space<hbm>>
      tpu.wait_dma2 semaphore(%run_scoped3A : memref<!tpu.dma_semaphore, #tpu.memory_space<semaphore_mem>>) src(%dma_wait3A_135 : memref<632x128xf32, #tpu.memory_space<hbm>>) dst(%dma_wait3A_133 : memref<632x128xf32, #tpu.memory_space<vmem_shared>>)
      tpu.yield
    }) : () -> ()
    %barrier3A = arith.constant 0 : index
    tpu.barrier barrier_id(%barrier3A)
    %scan3A = arith.constant 0 : i32
    %scan3A_121 = arith.constant 0 : i32
    %scan3A_122 = arith.constant 20 : i32
    %scan3A_123 = arith.addi %scan3A_121, %scan3A_122 : i32
    %scan3A_124 = arith.constant 1 : i32
    %scan3A_125 = scf.for %scan3A_128 = %scan3A_121 to %scan3A_123 step %scan3A_124 iter_args(%scan3A_129 = %scan3A) -> (i32)  : i32 {
      %mul3A_130 = arith.constant 4 : i32
      %mul3A_131 = arith.muli %scan3A_128, %mul3A_130 : i32
      %add3A_132 = arith.constant 0 : i32
      %add3A_133 = arith.addi %mul3A_131, %add3A_132 : i32
      %dma_wait3A_134 = arith.constant 0 : i32
      %dma_wait3A_135 = arith.constant 0 : i32
      %dma_wait3A_136 = arith.constant 0 : i32
      %dma_wait3A_137 = arith.constant 0 : i32
      %dma_wait3A_138 = tpu.memref_slice %arg9[%dma_wait3A_135, %dma_wait3A_136, %dma_wait3A_137] : memref<2x128x128xf32, #tpu.memory_space<vmem>> -> memref<1x128x128xf32, #tpu.memory_space<vmem>>
      %dma_wait3A_139 = tpu.memref_squeeze %dma_wait3A_138 : memref<1x128x128xf32, #tpu.memory_space<vmem>> -> memref<128x128xf32, #tpu.memory_space<vmem>>
      %dma_wait3A_140 = arith.constant 0 : i32
      %dma_wait3A_141 = tpu.memref_slice %arg7[%dma_wait3A_134, %dma_wait3A_140] : memref<4x128xi32, #tpu.memory_space<vmem>> -> memref<1x128xi32, #tpu.memory_space<vmem>>
      %dma_wait3A_142 = tpu.memref_squeeze %dma_wait3A_141 : memref<1x128xi32, #tpu.memory_space<vmem>> -> memref<128xi32, #tpu.memory_space<vmem>>
      %dma_wait3A_143 = arith.constant 0 : i32
      %dma_wait3A_144 = arith.constant 0 : i32
      %dma_wait3A_145 = tpu.memref_slice %arg2[%dma_wait3A_143, %dma_wait3A_144] : memref<10000x128xf32, #tpu.memory_space<hbm>> -> memref<10000x128xf32, #tpu.memory_space<hbm>>
      tpu.wait_indirect_dma semaphore(%arg11 : memref<!tpu.dma_semaphore, #tpu.memory_space<semaphore_mem>>) src(%dma_wait3A_145 : memref<10000x128xf32, #tpu.memory_space<hbm>>) dst(%dma_wait3A_139 : memref<128x128xf32, #tpu.memory_space<vmem>>)
      %run_scoped3A = arith.constant 0 : i32
      "tpu.region"() ({
        %run_scoped3A_251 = tpu.sem_alloc : memref<!tpu.dma_semaphore, #tpu.memory_space<semaphore_mem>>
        %dma_start3A_252 = arith.constant 0 : i32
        %dma_start3A_253 = arith.constant 0 : i32
        %dma_start3A_254 = tpu.memref_slice %arg9[%run_scoped3A, %dma_start3A_252, %dma_start3A_253] : memref<2x128x128xf32, #tpu.memory_space<vmem>> -> memref<1x128x128xf32, #tpu.memory_space<vmem>>
        %dma_start3A_255 = tpu.memref_squeeze %dma_start3A_254 : memref<1x128x128xf32, #tpu.memory_space<vmem>> -> memref<128x128xf32, #tpu.memory_space<vmem>>
        %dma_start3A_256 = arith.constant 0 : i32
        %dma_start3A_257 = tpu.memref_slice %arg8[%add3A_133, %dma_start3A_256] : memref<80x128xi32, #tpu.memory_space<vmem>> -> memref<1x128xi32, #tpu.memory_space<vmem>>
        %dma_start3A_258 = tpu.memref_squeeze %dma_start3A_257 : memref<1x128xi32, #tpu.memory_space<vmem>> -> memref<128xi32, #tpu.memory_space<vmem>>
        %dma_start3A_259 = arith.constant 0 : i32
        %dma_start3A_260 = arith.constant 0 : i32
        %dma_start3A_261 = tpu.memref_slice %arg10[%dma_start3A_259, %dma_start3A_260] : memref<10112x128xf32, #tpu.memory_space<vmem_shared>> -> memref<10112x128xf32, #tpu.memory_space<vmem_shared>>
        tpu.enqueue_indirect_dma source(%dma_start3A_255 : memref<128x128xf32, #tpu.memory_space<vmem>>) target(%dma_start3A_261 : memref<10112x128xf32, #tpu.memory_space<vmem_shared>>) offsets(%dma_start3A_258 : memref<128xi32, #tpu.memory_space<vmem>>) semaphore(%run_scoped3A_251 : memref<!tpu.dma_semaphore, #tpu.memory_space<semaphore_mem>>) {add = true}
        %dma_wait3A_262 = arith.constant 0 : i32
        %dma_wait3A_263 = arith.constant 0 : i32
        %dma_wait3A_264 = tpu.memref_slice %arg9[%run_scoped3A, %dma_wait3A_262, %dma_wait3A_263] : memref<2x128x128xf32, #tpu.memory_space<vmem>> -> memref<1x128x128xf32, #tpu.memory_space<vmem>>
        %dma_wait3A_265 = tpu.memref_squeeze %dma_wait3A_264 : memref<1x128x128xf32, #tpu.memory_space<vmem>> -> memref<128x128xf32, #tpu.memory_space<vmem>>
        %dma_wait3A_266 = arith.constant 0 : i32
        %dma_wait3A_267 = tpu.memref_slice %arg8[%add3A_133, %dma_wait3A_266] : memref<80x128xi32, #tpu.memory_space<vmem>> -> memref<1x128xi32, #tpu.memory_space<vmem>>
        %dma_wait3A_268 = tpu.memref_squeeze %dma_wait3A_267 : memref<1x128xi32, #tpu.memory_space<vmem>> -> memref<128xi32, #tpu.memory_space<vmem>>
        %dma_wait3A_269 = arith.constant 0 : i32
        %dma_wait3A_270 = arith.constant 0 : i32
        %dma_wait3A_271 = tpu.memref_slice %arg10[%dma_wait3A_269, %dma_wait3A_270] : memref<10112x128xf32, #tpu.memory_space<vmem_shared>> -> memref<10112x128xf32, #tpu.memory_space<vmem_shared>>
        tpu.wait_indirect_dma semaphore(%run_scoped3A_251 : memref<!tpu.dma_semaphore, #tpu.memory_space<semaphore_mem>>) src(%dma_wait3A_265 : memref<128x128xf32, #tpu.memory_space<vmem>>) dst(%dma_wait3A_271 : memref<10112x128xf32, #tpu.memory_space<vmem_shared>>)
        tpu.yield
      }) : () -> ()
      %add3A_146 = arith.constant 4 : i32
      %add3A_147 = arith.addi %add3A_133, %add3A_146 : i32
      %lt3A = arith.constant 80 : i32
      %lt3A_148 = arith.cmpi slt, %add3A_147, %lt3A : i32
      %convert_element_type3A = arith.extui %lt3A_148 : i1 to i32
      %cond3A = arith.constant 0 : i32
      %cond3A_149 = arith.cmpi ne, %convert_element_type3A, %cond3A : i32
      scf.if %cond3A_149 {
        %add3A_251 = arith.addi %mul3A_4, %add3A_147 : i32
        %dma_start3A_252 = arith.constant 0 : i32
        %dma_start3A_253 = arith.constant 0 : i32
        %dma_start3A_254 = tpu.memref_slice %arg7[%dma_start3A_252, %dma_start3A_253] : memref<4x128xi32, #tpu.memory_space<vmem>> -> memref<1x128xi32, #tpu.memory_space<vmem>>
        %dma_start3A_255 = arith.constant 0 : i32
        %dma_start3A_256 = arith.constant 0 : i32
        %dma_start3A_257 = tpu.memref_slice %arg3[%add3A_251, %dma_start3A_255, %dma_start3A_256] : memref<2560x1x128xi32, #tpu.memory_space<hbm>> -> memref<1x1x128xi32, #tpu.memory_space<hbm>>
        %dma_start3A_258 = tpu.memref_squeeze %dma_start3A_257 : memref<1x1x128xi32, #tpu.memory_space<hbm>> -> memref<1x128xi32, #tpu.memory_space<hbm>>
        %dma_start3A_259 = arith.constant 0 : i32
        %dma_start3A_260 = arith.constant 0 : i32
        %dma_start3A_261 = tpu.memref_slice %arg7[%dma_start3A_259, %dma_start3A_260] : memref<4x128xi32, #tpu.memory_space<vmem>> -> memref<1x128xi32, #tpu.memory_space<vmem>>
        %dma_start3A_262 = arith.constant 0 : i32
        %dma_start3A_263 = arith.constant 0 : i32
        %dma_start3A_264 = tpu.memref_slice %arg3[%add3A_251, %dma_start3A_262, %dma_start3A_263] : memref<2560x1x128xi32, #tpu.memory_space<hbm>> -> memref<1x1x128xi32, #tpu.memory_space<hbm>>
        %dma_start3A_265 = tpu.memref_squeeze %dma_start3A_264 : memref<1x1x128xi32, #tpu.memory_space<hbm>> -> memref<1x128xi32, #tpu.memory_space<hbm>>
        tpu.enqueue_dma source(%dma_start3A_265 : memref<1x128xi32, #tpu.memory_space<hbm>>) target(%dma_start3A_261 : memref<1x128xi32, #tpu.memory_space<vmem>>) target_semaphore(%arg13 : memref<!tpu.dma_semaphore, #tpu.memory_space<semaphore_mem>>)
      } else {
      }
      %add3A_150 = arith.constant 2 : i32
      %add3A_151 = arith.addi %add3A_133, %add3A_150 : i32
      %lt3A_152 = arith.constant 80 : i32
      %lt3A_153 = arith.cmpi slt, %add3A_151, %lt3A_152 : i32
      %convert_element_type3A_154 = arith.extui %lt3A_153 : i1 to i32
      %cond3A_155 = arith.constant 0 : i32
      %cond3A_156 = arith.cmpi ne, %convert_element_type3A_154, %cond3A_155 : i32
      scf.if %cond3A_156 {
        %dma_wait3A_251 = arith.constant 0 : i32
        %dma_wait3A_252 = arith.constant 2 : i32
        %dma_wait3A_253 = arith.constant 0 : i32
        %dma_wait3A_254 = tpu.memref_slice %arg7[%dma_wait3A_252, %dma_wait3A_253] : memref<4x128xi32, #tpu.memory_space<vmem>> -> memref<1x128xi32, #tpu.memory_space<vmem>>
        %dma_wait3A_255 = arith.constant 0 : i32
        %dma_wait3A_256 = arith.constant 0 : i32
        %dma_wait3A_257 = tpu.memref_slice %arg3[%dma_wait3A_251, %dma_wait3A_255, %dma_wait3A_256] : memref<2560x1x128xi32, #tpu.memory_space<hbm>> -> memref<1x1x128xi32, #tpu.memory_space<hbm>>
        %dma_wait3A_258 = tpu.memref_squeeze %dma_wait3A_257 : memref<1x1x128xi32, #tpu.memory_space<hbm>> -> memref<1x128xi32, #tpu.memory_space<hbm>>
        %dma_wait3A_259 = arith.constant 2 : i32
        %dma_wait3A_260 = arith.constant 0 : i32
        %dma_wait3A_261 = tpu.memref_slice %arg7[%dma_wait3A_259, %dma_wait3A_260] : memref<4x128xi32, #tpu.memory_space<vmem>> -> memref<1x128xi32, #tpu.memory_space<vmem>>
        %dma_wait3A_262 = arith.constant 0 : i32
        %dma_wait3A_263 = arith.constant 0 : i32
        %dma_wait3A_264 = tpu.memref_slice %arg3[%dma_wait3A_251, %dma_wait3A_262, %dma_wait3A_263] : memref<2560x1x128xi32, #tpu.memory_space<hbm>> -> memref<1x1x128xi32, #tpu.memory_space<hbm>>
        %dma_wait3A_265 = tpu.memref_squeeze %dma_wait3A_264 : memref<1x1x128xi32, #tpu.memory_space<hbm>> -> memref<1x128xi32, #tpu.memory_space<hbm>>
        tpu.wait_dma2 semaphore(%arg15 : memref<!tpu.dma_semaphore, #tpu.memory_space<semaphore_mem>>) src(%dma_wait3A_265 : memref<1x128xi32, #tpu.memory_space<hbm>>) dst(%dma_wait3A_261 : memref<1x128xi32, #tpu.memory_space<vmem>>)
        %dma_start3A_266 = arith.constant 2 : i32
        %dma_start3A_267 = arith.constant 0 : i32
        %dma_start3A_268 = arith.constant 0 : i32
        %dma_start3A_269 = arith.constant 0 : i32
        %dma_start3A_270 = tpu.memref_slice %arg9[%dma_start3A_267, %dma_start3A_268, %dma_start3A_269] : memref<2x128x128xf32, #tpu.memory_space<vmem>> -> memref<1x128x128xf32, #tpu.memory_space<vmem>>
        %dma_start3A_271 = tpu.memref_squeeze %dma_start3A_270 : memref<1x128x128xf32, #tpu.memory_space<vmem>> -> memref<128x128xf32, #tpu.memory_space<vmem>>
        %dma_start3A_272 = arith.constant 0 : i32
        %dma_start3A_273 = tpu.memref_slice %arg7[%dma_start3A_266, %dma_start3A_272] : memref<4x128xi32, #tpu.memory_space<vmem>> -> memref<1x128xi32, #tpu.memory_space<vmem>>
        %dma_start3A_274 = tpu.memref_squeeze %dma_start3A_273 : memref<1x128xi32, #tpu.memory_space<vmem>> -> memref<128xi32, #tpu.memory_space<vmem>>
        %dma_start3A_275 = arith.constant 0 : i32
        %dma_start3A_276 = arith.constant 0 : i32
        %dma_start3A_277 = tpu.memref_slice %arg2[%dma_start3A_275, %dma_start3A_276] : memref<10000x128xf32, #tpu.memory_space<hbm>> -> memref<10000x128xf32, #tpu.memory_space<hbm>>
        tpu.enqueue_indirect_dma source(%dma_start3A_277 : memref<10000x128xf32, #tpu.memory_space<hbm>>) target(%dma_start3A_271 : memref<128x128xf32, #tpu.memory_space<vmem>>) offsets(%dma_start3A_274 : memref<128xi32, #tpu.memory_space<vmem>>) semaphore(%arg11 : memref<!tpu.dma_semaphore, #tpu.memory_space<semaphore_mem>>)
      } else {
      }
      %mul3A_157 = arith.constant 4 : i32
      %mul3A_158 = arith.muli %scan3A_128, %mul3A_157 : i32
      %add3A_159 = arith.constant 1 : i32
      %add3A_160 = arith.addi %mul3A_158, %add3A_159 : i32
      %dma_wait3A_161 = arith.constant 0 : i32
      %dma_wait3A_162 = arith.constant 1 : i32
      %dma_wait3A_163 = arith.constant 0 : i32
      %dma_wait3A_164 = arith.constant 0 : i32
      %dma_wait3A_165 = tpu.memref_slice %arg9[%dma_wait3A_162, %dma_wait3A_163, %dma_wait3A_164] : memref<2x128x128xf32, #tpu.memory_space<vmem>> -> memref<1x128x128xf32, #tpu.memory_space<vmem>>
      %dma_wait3A_166 = tpu.memref_squeeze %dma_wait3A_165 : memref<1x128x128xf32, #tpu.memory_space<vmem>> -> memref<128x128xf32, #tpu.memory_space<vmem>>
      %dma_wait3A_167 = arith.constant 0 : i32
      %dma_wait3A_168 = tpu.memref_slice %arg7[%dma_wait3A_161, %dma_wait3A_167] : memref<4x128xi32, #tpu.memory_space<vmem>> -> memref<1x128xi32, #tpu.memory_space<vmem>>
      %dma_wait3A_169 = tpu.memref_squeeze %dma_wait3A_168 : memref<1x128xi32, #tpu.memory_space<vmem>> -> memref<128xi32, #tpu.memory_space<vmem>>
      %dma_wait3A_170 = arith.constant 0 : i32
      %dma_wait3A_171 = arith.constant 0 : i32
      %dma_wait3A_172 = tpu.memref_slice %arg2[%dma_wait3A_170, %dma_wait3A_171] : memref<10000x128xf32, #tpu.memory_space<hbm>> -> memref<10000x128xf32, #tpu.memory_space<hbm>>
      tpu.wait_indirect_dma semaphore(%arg12 : memref<!tpu.dma_semaphore, #tpu.memory_space<semaphore_mem>>) src(%dma_wait3A_172 : memref<10000x128xf32, #tpu.memory_space<hbm>>) dst(%dma_wait3A_166 : memref<128x128xf32, #tpu.memory_space<vmem>>)
      %run_scoped3A_173 = arith.constant 1 : i32
      "tpu.region"() ({
        %run_scoped3A_251 = tpu.sem_alloc : memref<!tpu.dma_semaphore, #tpu.memory_space<semaphore_mem>>
        %dma_start3A_252 = arith.constant 0 : i32
        %dma_start3A_253 = arith.constant 0 : i32
        %dma_start3A_254 = tpu.memref_slice %arg9[%run_scoped3A_173, %dma_start3A_252, %dma_start3A_253] : memref<2x128x128xf32, #tpu.memory_space<vmem>> -> memref<1x128x128xf32, #tpu.memory_space<vmem>>
        %dma_start3A_255 = tpu.memref_squeeze %dma_start3A_254 : memref<1x128x128xf32, #tpu.memory_space<vmem>> -> memref<128x128xf32, #tpu.memory_space<vmem>>
        %dma_start3A_256 = arith.constant 0 : i32
        %dma_start3A_257 = tpu.memref_slice %arg8[%add3A_160, %dma_start3A_256] : memref<80x128xi32, #tpu.memory_space<vmem>> -> memref<1x128xi32, #tpu.memory_space<vmem>>
        %dma_start3A_258 = tpu.memref_squeeze %dma_start3A_257 : memref<1x128xi32, #tpu.memory_space<vmem>> -> memref<128xi32, #tpu.memory_space<vmem>>
        %dma_start3A_259 = arith.constant 0 : i32
        %dma_start3A_260 = arith.constant 0 : i32
        %dma_start3A_261 = tpu.memref_slice %arg10[%dma_start3A_259, %dma_start3A_260] : memref<10112x128xf32, #tpu.memory_space<vmem_shared>> -> memref<10112x128xf32, #tpu.memory_space<vmem_shared>>
        tpu.enqueue_indirect_dma source(%dma_start3A_255 : memref<128x128xf32, #tpu.memory_space<vmem>>) target(%dma_start3A_261 : memref<10112x128xf32, #tpu.memory_space<vmem_shared>>) offsets(%dma_start3A_258 : memref<128xi32, #tpu.memory_space<vmem>>) semaphore(%run_scoped3A_251 : memref<!tpu.dma_semaphore, #tpu.memory_space<semaphore_mem>>) {add = true}
        %dma_wait3A_262 = arith.constant 0 : i32
        %dma_wait3A_263 = arith.constant 0 : i32
        %dma_wait3A_264 = tpu.memref_slice %arg9[%run_scoped3A_173, %dma_wait3A_262, %dma_wait3A_263] : memref<2x128x128xf32, #tpu.memory_space<vmem>> -> memref<1x128x128xf32, #tpu.memory_space<vmem>>
        %dma_wait3A_265 = tpu.memref_squeeze %dma_wait3A_264 : memref<1x128x128xf32, #tpu.memory_space<vmem>> -> memref<128x128xf32, #tpu.memory_space<vmem>>
        %dma_wait3A_266 = arith.constant 0 : i32
        %dma_wait3A_267 = tpu.memref_slice %arg8[%add3A_160, %dma_wait3A_266] : memref<80x128xi32, #tpu.memory_space<vmem>> -> memref<1x128xi32, #tpu.memory_space<vmem>>
        %dma_wait3A_268 = tpu.memref_squeeze %dma_wait3A_267 : memref<1x128xi32, #tpu.memory_space<vmem>> -> memref<128xi32, #tpu.memory_space<vmem>>
        %dma_wait3A_269 = arith.constant 0 : i32
        %dma_wait3A_270 = arith.constant 0 : i32
        %dma_wait3A_271 = tpu.memref_slice %arg10[%dma_wait3A_269, %dma_wait3A_270] : memref<10112x128xf32, #tpu.memory_space<vmem_shared>> -> memref<10112x128xf32, #tpu.memory_space<vmem_shared>>
        tpu.wait_indirect_dma semaphore(%run_scoped3A_251 : memref<!tpu.dma_semaphore, #tpu.memory_space<semaphore_mem>>) src(%dma_wait3A_265 : memref<128x128xf32, #tpu.memory_space<vmem>>) dst(%dma_wait3A_271 : memref<10112x128xf32, #tpu.memory_space<vmem_shared>>)
        tpu.yield
      }) : () -> ()
      %add3A_174 = arith.constant 4 : i32
      %add3A_175 = arith.addi %add3A_160, %add3A_174 : i32
      %lt3A_176 = arith.constant 80 : i32
      %lt3A_177 = arith.cmpi slt, %add3A_175, %lt3A_176 : i32
      %convert_element_type3A_178 = arith.extui %lt3A_177 : i1 to i32
      %cond3A_179 = arith.constant 0 : i32
      %cond3A_180 = arith.cmpi ne, %convert_element_type3A_178, %cond3A_179 : i32
      scf.if %cond3A_180 {
        %add3A_251 = arith.addi %mul3A_4, %add3A_175 : i32
        %dma_start3A_252 = arith.constant 1 : i32
        %dma_start3A_253 = arith.constant 0 : i32
        %dma_start3A_254 = tpu.memref_slice %arg7[%dma_start3A_252, %dma_start3A_253] : memref<4x128xi32, #tpu.memory_space<vmem>> -> memref<1x128xi32, #tpu.memory_space<vmem>>
        %dma_start3A_255 = arith.constant 0 : i32
        %dma_start3A_256 = arith.constant 0 : i32
        %dma_start3A_257 = tpu.memref_slice %arg3[%add3A_251, %dma_start3A_255, %dma_start3A_256] : memref<2560x1x128xi32, #tpu.memory_space<hbm>> -> memref<1x1x128xi32, #tpu.memory_space<hbm>>
        %dma_start3A_258 = tpu.memref_squeeze %dma_start3A_257 : memref<1x1x128xi32, #tpu.memory_space<hbm>> -> memref<1x128xi32, #tpu.memory_space<hbm>>
        %dma_start3A_259 = arith.constant 1 : i32
        %dma_start3A_260 = arith.constant 0 : i32
        %dma_start3A_261 = tpu.memref_slice %arg7[%dma_start3A_259, %dma_start3A_260] : memref<4x128xi32, #tpu.memory_space<vmem>> -> memref<1x128xi32, #tpu.memory_space<vmem>>
        %dma_start3A_262 = arith.constant 0 : i32
        %dma_start3A_263 = arith.constant 0 : i32
        %dma_start3A_264 = tpu.memref_slice %arg3[%add3A_251, %dma_start3A_262, %dma_start3A_263] : memref<2560x1x128xi32, #tpu.memory_space<hbm>> -> memref<1x1x128xi32, #tpu.memory_space<hbm>>
        %dma_start3A_265 = tpu.memref_squeeze %dma_start3A_264 : memref<1x1x128xi32, #tpu.memory_space<hbm>> -> memref<1x128xi32, #tpu.memory_space<hbm>>
        tpu.enqueue_dma source(%dma_start3A_265 : memref<1x128xi32, #tpu.memory_space<hbm>>) target(%dma_start3A_261 : memref<1x128xi32, #tpu.memory_space<vmem>>) target_semaphore(%arg14 : memref<!tpu.dma_semaphore, #tpu.memory_space<semaphore_mem>>)
      } else {
      }
      %add3A_181 = arith.constant 2 : i32
      %add3A_182 = arith.addi %add3A_160, %add3A_181 : i32
      %lt3A_183 = arith.constant 80 : i32
      %lt3A_184 = arith.cmpi slt, %add3A_182, %lt3A_183 : i32
      %convert_element_type3A_185 = arith.extui %lt3A_184 : i1 to i32
      %cond3A_186 = arith.constant 0 : i32
      %cond3A_187 = arith.cmpi ne, %convert_element_type3A_185, %cond3A_186 : i32
      scf.if %cond3A_187 {
        %dma_wait3A_251 = arith.constant 0 : i32
        %dma_wait3A_252 = arith.constant 3 : i32
        %dma_wait3A_253 = arith.constant 0 : i32
        %dma_wait3A_254 = tpu.memref_slice %arg7[%dma_wait3A_252, %dma_wait3A_253] : memref<4x128xi32, #tpu.memory_space<vmem>> -> memref<1x128xi32, #tpu.memory_space<vmem>>
        %dma_wait3A_255 = arith.constant 0 : i32
        %dma_wait3A_256 = arith.constant 0 : i32
        %dma_wait3A_257 = tpu.memref_slice %arg3[%dma_wait3A_251, %dma_wait3A_255, %dma_wait3A_256] : memref<2560x1x128xi32, #tpu.memory_space<hbm>> -> memref<1x1x128xi32, #tpu.memory_space<hbm>>
        %dma_wait3A_258 = tpu.memref_squeeze %dma_wait3A_257 : memref<1x1x128xi32, #tpu.memory_space<hbm>> -> memref<1x128xi32, #tpu.memory_space<hbm>>
        %dma_wait3A_259 = arith.constant 3 : i32
        %dma_wait3A_260 = arith.constant 0 : i32
        %dma_wait3A_261 = tpu.memref_slice %arg7[%dma_wait3A_259, %dma_wait3A_260] : memref<4x128xi32, #tpu.memory_space<vmem>> -> memref<1x128xi32, #tpu.memory_space<vmem>>
        %dma_wait3A_262 = arith.constant 0 : i32
        %dma_wait3A_263 = arith.constant 0 : i32
        %dma_wait3A_264 = tpu.memref_slice %arg3[%dma_wait3A_251, %dma_wait3A_262, %dma_wait3A_263] : memref<2560x1x128xi32, #tpu.memory_space<hbm>> -> memref<1x1x128xi32, #tpu.memory_space<hbm>>
        %dma_wait3A_265 = tpu.memref_squeeze %dma_wait3A_264 : memref<1x1x128xi32, #tpu.memory_space<hbm>> -> memref<1x128xi32, #tpu.memory_space<hbm>>
        tpu.wait_dma2 semaphore(%arg16 : memref<!tpu.dma_semaphore, #tpu.memory_space<semaphore_mem>>) src(%dma_wait3A_265 : memref<1x128xi32, #tpu.memory_space<hbm>>) dst(%dma_wait3A_261 : memref<1x128xi32, #tpu.memory_space<vmem>>)
        %dma_start3A_266 = arith.constant 3 : i32
        %dma_start3A_267 = arith.constant 1 : i32
        %dma_start3A_268 = arith.constant 0 : i32
        %dma_start3A_269 = arith.constant 0 : i32
        %dma_start3A_270 = tpu.memref_slice %arg9[%dma_start3A_267, %dma_start3A_268, %dma_start3A_269] : memref<2x128x128xf32, #tpu.memory_space<vmem>> -> memref<1x128x128xf32, #tpu.memory_space<vmem>>
        %dma_start3A_271 = tpu.memref_squeeze %dma_start3A_270 : memref<1x128x128xf32, #tpu.memory_space<vmem>> -> memref<128x128xf32, #tpu.memory_space<vmem>>
        %dma_start3A_272 = arith.constant 0 : i32
        %dma_start3A_273 = tpu.memref_slice %arg7[%dma_start3A_266, %dma_start3A_272] : memref<4x128xi32, #tpu.memory_space<vmem>> -> memref<1x128xi32, #tpu.memory_space<vmem>>
        %dma_start3A_274 = tpu.memref_squeeze %dma_start3A_273 : memref<1x128xi32, #tpu.memory_space<vmem>> -> memref<128xi32, #tpu.memory_space<vmem>>
        %dma_start3A_275 = arith.constant 0 : i32
        %dma_start3A_276 = arith.constant 0 : i32
        %dma_start3A_277 = tpu.memref_slice %arg2[%dma_start3A_275, %dma_start3A_276] : memref<10000x128xf32, #tpu.memory_space<hbm>> -> memref<10000x128xf32, #tpu.memory_space<hbm>>
        tpu.enqueue_indirect_dma source(%dma_start3A_277 : memref<10000x128xf32, #tpu.memory_space<hbm>>) target(%dma_start3A_271 : memref<128x128xf32, #tpu.memory_space<vmem>>) offsets(%dma_start3A_274 : memref<128xi32, #tpu.memory_space<vmem>>) semaphore(%arg12 : memref<!tpu.dma_semaphore, #tpu.memory_space<semaphore_mem>>)
      } else {
      }
      %mul3A_188 = arith.constant 4 : i32
      %mul3A_189 = arith.muli %scan3A_128, %mul3A_188 : i32
      %add3A_190 = arith.constant 2 : i32
      %add3A_191 = arith.addi %mul3A_189, %add3A_190 : i32
      %dma_wait3A_192 = arith.constant 0 : i32
      %dma_wait3A_193 = arith.constant 0 : i32
      %dma_wait3A_194 = arith.constant 0 : i32
      %dma_wait3A_195 = arith.constant 0 : i32
      %dma_wait3A_196 = tpu.memref_slice %arg9[%dma_wait3A_193, %dma_wait3A_194, %dma_wait3A_195] : memref<2x128x128xf32, #tpu.memory_space<vmem>> -> memref<1x128x128xf32, #tpu.memory_space<vmem>>
      %dma_wait3A_197 = tpu.memref_squeeze %dma_wait3A_196 : memref<1x128x128xf32, #tpu.memory_space<vmem>> -> memref<128x128xf32, #tpu.memory_space<vmem>>
      %dma_wait3A_198 = arith.constant 0 : i32
      %dma_wait3A_199 = tpu.memref_slice %arg7[%dma_wait3A_192, %dma_wait3A_198] : memref<4x128xi32, #tpu.memory_space<vmem>> -> memref<1x128xi32, #tpu.memory_space<vmem>>
      %dma_wait3A_200 = tpu.memref_squeeze %dma_wait3A_199 : memref<1x128xi32, #tpu.memory_space<vmem>> -> memref<128xi32, #tpu.memory_space<vmem>>
      %dma_wait3A_201 = arith.constant 0 : i32
      %dma_wait3A_202 = arith.constant 0 : i32
      %dma_wait3A_203 = tpu.memref_slice %arg2[%dma_wait3A_201, %dma_wait3A_202] : memref<10000x128xf32, #tpu.memory_space<hbm>> -> memref<10000x128xf32, #tpu.memory_space<hbm>>
      tpu.wait_indirect_dma semaphore(%arg11 : memref<!tpu.dma_semaphore, #tpu.memory_space<semaphore_mem>>) src(%dma_wait3A_203 : memref<10000x128xf32, #tpu.memory_space<hbm>>) dst(%dma_wait3A_197 : memref<128x128xf32, #tpu.memory_space<vmem>>)
      %run_scoped3A_204 = arith.constant 0 : i32
      "tpu.region"() ({
        %run_scoped3A_251 = tpu.sem_alloc : memref<!tpu.dma_semaphore, #tpu.memory_space<semaphore_mem>>
        %dma_start3A_252 = arith.constant 0 : i32
        %dma_start3A_253 = arith.constant 0 : i32
        %dma_start3A_254 = tpu.memref_slice %arg9[%run_scoped3A_204, %dma_start3A_252, %dma_start3A_253] : memref<2x128x128xf32, #tpu.memory_space<vmem>> -> memref<1x128x128xf32, #tpu.memory_space<vmem>>
        %dma_start3A_255 = tpu.memref_squeeze %dma_start3A_254 : memref<1x128x128xf32, #tpu.memory_space<vmem>> -> memref<128x128xf32, #tpu.memory_space<vmem>>
        %dma_start3A_256 = arith.constant 0 : i32
        %dma_start3A_257 = tpu.memref_slice %arg8[%add3A_191, %dma_start3A_256] : memref<80x128xi32, #tpu.memory_space<vmem>> -> memref<1x128xi32, #tpu.memory_space<vmem>>
        %dma_start3A_258 = tpu.memref_squeeze %dma_start3A_257 : memref<1x128xi32, #tpu.memory_space<vmem>> -> memref<128xi32, #tpu.memory_space<vmem>>
        %dma_start3A_259 = arith.constant 0 : i32
        %dma_start3A_260 = arith.constant 0 : i32
        %dma_start3A_261 = tpu.memref_slice %arg10[%dma_start3A_259, %dma_start3A_260] : memref<10112x128xf32, #tpu.memory_space<vmem_shared>> -> memref<10112x128xf32, #tpu.memory_space<vmem_shared>>
        tpu.enqueue_indirect_dma source(%dma_start3A_255 : memref<128x128xf32, #tpu.memory_space<vmem>>) target(%dma_start3A_261 : memref<10112x128xf32, #tpu.memory_space<vmem_shared>>) offsets(%dma_start3A_258 : memref<128xi32, #tpu.memory_space<vmem>>) semaphore(%run_scoped3A_251 : memref<!tpu.dma_semaphore, #tpu.memory_space<semaphore_mem>>) {add = true}
        %dma_wait3A_262 = arith.constant 0 : i32
        %dma_wait3A_263 = arith.constant 0 : i32
        %dma_wait3A_264 = tpu.memref_slice %arg9[%run_scoped3A_204, %dma_wait3A_262, %dma_wait3A_263] : memref<2x128x128xf32, #tpu.memory_space<vmem>> -> memref<1x128x128xf32, #tpu.memory_space<vmem>>
        %dma_wait3A_265 = tpu.memref_squeeze %dma_wait3A_264 : memref<1x128x128xf32, #tpu.memory_space<vmem>> -> memref<128x128xf32, #tpu.memory_space<vmem>>
        %dma_wait3A_266 = arith.constant 0 : i32
        %dma_wait3A_267 = tpu.memref_slice %arg8[%add3A_191, %dma_wait3A_266] : memref<80x128xi32, #tpu.memory_space<vmem>> -> memref<1x128xi32, #tpu.memory_space<vmem>>
        %dma_wait3A_268 = tpu.memref_squeeze %dma_wait3A_267 : memref<1x128xi32, #tpu.memory_space<vmem>> -> memref<128xi32, #tpu.memory_space<vmem>>
        %dma_wait3A_269 = arith.constant 0 : i32
        %dma_wait3A_270 = arith.constant 0 : i32
        %dma_wait3A_271 = tpu.memref_slice %arg10[%dma_wait3A_269, %dma_wait3A_270] : memref<10112x128xf32, #tpu.memory_space<vmem_shared>> -> memref<10112x128xf32, #tpu.memory_space<vmem_shared>>
        tpu.wait_indirect_dma semaphore(%run_scoped3A_251 : memref<!tpu.dma_semaphore, #tpu.memory_space<semaphore_mem>>) src(%dma_wait3A_265 : memref<128x128xf32, #tpu.memory_space<vmem>>) dst(%dma_wait3A_271 : memref<10112x128xf32, #tpu.memory_space<vmem_shared>>)
        tpu.yield
      }) : () -> ()
      %add3A_205 = arith.constant 4 : i32
      %add3A_206 = arith.addi %add3A_191, %add3A_205 : i32
      %lt3A_207 = arith.constant 80 : i32
      %lt3A_208 = arith.cmpi slt, %add3A_206, %lt3A_207 : i32
      %convert_element_type3A_209 = arith.extui %lt3A_208 : i1 to i32
      %cond3A_210 = arith.constant 0 : i32
      %cond3A_211 = arith.cmpi ne, %convert_element_type3A_209, %cond3A_210 : i32
      scf.if %cond3A_211 {
        %add3A_251 = arith.addi %mul3A_4, %add3A_206 : i32
        %dma_start3A_252 = arith.constant 2 : i32
        %dma_start3A_253 = arith.constant 0 : i32
        %dma_start3A_254 = tpu.memref_slice %arg7[%dma_start3A_252, %dma_start3A_253] : memref<4x128xi32, #tpu.memory_space<vmem>> -> memref<1x128xi32, #tpu.memory_space<vmem>>
        %dma_start3A_255 = arith.constant 0 : i32
        %dma_start3A_256 = arith.constant 0 : i32
        %dma_start3A_257 = tpu.memref_slice %arg3[%add3A_251, %dma_start3A_255, %dma_start3A_256] : memref<2560x1x128xi32, #tpu.memory_space<hbm>> -> memref<1x1x128xi32, #tpu.memory_space<hbm>>
        %dma_start3A_258 = tpu.memref_squeeze %dma_start3A_257 : memref<1x1x128xi32, #tpu.memory_space<hbm>> -> memref<1x128xi32, #tpu.memory_space<hbm>>
        %dma_start3A_259 = arith.constant 2 : i32
        %dma_start3A_260 = arith.constant 0 : i32
        %dma_start3A_261 = tpu.memref_slice %arg7[%dma_start3A_259, %dma_start3A_260] : memref<4x128xi32, #tpu.memory_space<vmem>> -> memref<1x128xi32, #tpu.memory_space<vmem>>
        %dma_start3A_262 = arith.constant 0 : i32
        %dma_start3A_263 = arith.constant 0 : i32
        %dma_start3A_264 = tpu.memref_slice %arg3[%add3A_251, %dma_start3A_262, %dma_start3A_263] : memref<2560x1x128xi32, #tpu.memory_space<hbm>> -> memref<1x1x128xi32, #tpu.memory_space<hbm>>
        %dma_start3A_265 = tpu.memref_squeeze %dma_start3A_264 : memref<1x1x128xi32, #tpu.memory_space<hbm>> -> memref<1x128xi32, #tpu.memory_space<hbm>>
        tpu.enqueue_dma source(%dma_start3A_265 : memref<1x128xi32, #tpu.memory_space<hbm>>) target(%dma_start3A_261 : memref<1x128xi32, #tpu.memory_space<vmem>>) target_semaphore(%arg15 : memref<!tpu.dma_semaphore, #tpu.memory_space<semaphore_mem>>)
      } else {
      }
      %add3A_212 = arith.constant 2 : i32
      %add3A_213 = arith.addi %add3A_191, %add3A_212 : i32
      %lt3A_214 = arith.constant 80 : i32
      %lt3A_215 = arith.cmpi slt, %add3A_213, %lt3A_214 : i32
      %convert_element_type3A_216 = arith.extui %lt3A_215 : i1 to i32
      %cond3A_217 = arith.constant 0 : i32
      %cond3A_218 = arith.cmpi ne, %convert_element_type3A_216, %cond3A_217 : i32
      scf.if %cond3A_218 {
        %dma_wait3A_251 = arith.constant 0 : i32
        %dma_wait3A_252 = arith.constant 0 : i32
        %dma_wait3A_253 = arith.constant 0 : i32
        %dma_wait3A_254 = tpu.memref_slice %arg7[%dma_wait3A_252, %dma_wait3A_253] : memref<4x128xi32, #tpu.memory_space<vmem>> -> memref<1x128xi32, #tpu.memory_space<vmem>>
        %dma_wait3A_255 = arith.constant 0 : i32
        %dma_wait3A_256 = arith.constant 0 : i32
        %dma_wait3A_257 = tpu.memref_slice %arg3[%dma_wait3A_251, %dma_wait3A_255, %dma_wait3A_256] : memref<2560x1x128xi32, #tpu.memory_space<hbm>> -> memref<1x1x128xi32, #tpu.memory_space<hbm>>
        %dma_wait3A_258 = tpu.memref_squeeze %dma_wait3A_257 : memref<1x1x128xi32, #tpu.memory_space<hbm>> -> memref<1x128xi32, #tpu.memory_space<hbm>>
        %dma_wait3A_259 = arith.constant 0 : i32
        %dma_wait3A_260 = arith.constant 0 : i32
        %dma_wait3A_261 = tpu.memref_slice %arg7[%dma_wait3A_259, %dma_wait3A_260] : memref<4x128xi32, #tpu.memory_space<vmem>> -> memref<1x128xi32, #tpu.memory_space<vmem>>
        %dma_wait3A_262 = arith.constant 0 : i32
        %dma_wait3A_263 = arith.constant 0 : i32
        %dma_wait3A_264 = tpu.memref_slice %arg3[%dma_wait3A_251, %dma_wait3A_262, %dma_wait3A_263] : memref<2560x1x128xi32, #tpu.memory_space<hbm>> -> memref<1x1x128xi32, #tpu.memory_space<hbm>>
        %dma_wait3A_265 = tpu.memref_squeeze %dma_wait3A_264 : memref<1x1x128xi32, #tpu.memory_space<hbm>> -> memref<1x128xi32, #tpu.memory_space<hbm>>
        tpu.wait_dma2 semaphore(%arg13 : memref<!tpu.dma_semaphore, #tpu.memory_space<semaphore_mem>>) src(%dma_wait3A_265 : memref<1x128xi32, #tpu.memory_space<hbm>>) dst(%dma_wait3A_261 : memref<1x128xi32, #tpu.memory_space<vmem>>)
        %dma_start3A_266 = arith.constant 0 : i32
        %dma_start3A_267 = arith.constant 0 : i32
        %dma_start3A_268 = arith.constant 0 : i32
        %dma_start3A_269 = arith.constant 0 : i32
        %dma_start3A_270 = tpu.memref_slice %arg9[%dma_start3A_267, %dma_start3A_268, %dma_start3A_269] : memref<2x128x128xf32, #tpu.memory_space<vmem>> -> memref<1x128x128xf32, #tpu.memory_space<vmem>>
        %dma_start3A_271 = tpu.memref_squeeze %dma_start3A_270 : memref<1x128x128xf32, #tpu.memory_space<vmem>> -> memref<128x128xf32, #tpu.memory_space<vmem>>
        %dma_start3A_272 = arith.constant 0 : i32
        %dma_start3A_273 = tpu.memref_slice %arg7[%dma_start3A_266, %dma_start3A_272] : memref<4x128xi32, #tpu.memory_space<vmem>> -> memref<1x128xi32, #tpu.memory_space<vmem>>
        %dma_start3A_274 = tpu.memref_squeeze %dma_start3A_273 : memref<1x128xi32, #tpu.memory_space<vmem>> -> memref<128xi32, #tpu.memory_space<vmem>>
        %dma_start3A_275 = arith.constant 0 : i32
        %dma_start3A_276 = arith.constant 0 : i32
        %dma_start3A_277 = tpu.memref_slice %arg2[%dma_start3A_275, %dma_start3A_276] : memref<10000x128xf32, #tpu.memory_space<hbm>> -> memref<10000x128xf32, #tpu.memory_space<hbm>>
        tpu.enqueue_indirect_dma source(%dma_start3A_277 : memref<10000x128xf32, #tpu.memory_space<hbm>>) target(%dma_start3A_271 : memref<128x128xf32, #tpu.memory_space<vmem>>) offsets(%dma_start3A_274 : memref<128xi32, #tpu.memory_space<vmem>>) semaphore(%arg11 : memref<!tpu.dma_semaphore, #tpu.memory_space<semaphore_mem>>)
      } else {
      }
      %mul3A_219 = arith.constant 4 : i32
      %mul3A_220 = arith.muli %scan3A_128, %mul3A_219 : i32
      %add3A_221 = arith.constant 3 : i32
      %add3A_222 = arith.addi %mul3A_220, %add3A_221 : i32
      %dma_wait3A_223 = arith.constant 0 : i32
      %dma_wait3A_224 = arith.constant 1 : i32
      %dma_wait3A_225 = arith.constant 0 : i32
      %dma_wait3A_226 = arith.constant 0 : i32
      %dma_wait3A_227 = tpu.memref_slice %arg9[%dma_wait3A_224, %dma_wait3A_225, %dma_wait3A_226] : memref<2x128x128xf32, #tpu.memory_space<vmem>> -> memref<1x128x128xf32, #tpu.memory_space<vmem>>
      %dma_wait3A_228 = tpu.memref_squeeze %dma_wait3A_227 : memref<1x128x128xf32, #tpu.memory_space<vmem>> -> memref<128x128xf32, #tpu.memory_space<vmem>>
      %dma_wait3A_229 = arith.constant 0 : i32
      %dma_wait3A_230 = tpu.memref_slice %arg7[%dma_wait3A_223, %dma_wait3A_229] : memref<4x128xi32, #tpu.memory_space<vmem>> -> memref<1x128xi32, #tpu.memory_space<vmem>>
      %dma_wait3A_231 = tpu.memref_squeeze %dma_wait3A_230 : memref<1x128xi32, #tpu.memory_space<vmem>> -> memref<128xi32, #tpu.memory_space<vmem>>
      %dma_wait3A_232 = arith.constant 0 : i32
      %dma_wait3A_233 = arith.constant 0 : i32
      %dma_wait3A_234 = tpu.memref_slice %arg2[%dma_wait3A_232, %dma_wait3A_233] : memref<10000x128xf32, #tpu.memory_space<hbm>> -> memref<10000x128xf32, #tpu.memory_space<hbm>>
      tpu.wait_indirect_dma semaphore(%arg12 : memref<!tpu.dma_semaphore, #tpu.memory_space<semaphore_mem>>) src(%dma_wait3A_234 : memref<10000x128xf32, #tpu.memory_space<hbm>>) dst(%dma_wait3A_228 : memref<128x128xf32, #tpu.memory_space<vmem>>)
      %run_scoped3A_235 = arith.constant 1 : i32
      "tpu.region"() ({
        %run_scoped3A_251 = tpu.sem_alloc : memref<!tpu.dma_semaphore, #tpu.memory_space<semaphore_mem>>
        %dma_start3A_252 = arith.constant 0 : i32
        %dma_start3A_253 = arith.constant 0 : i32
        %dma_start3A_254 = tpu.memref_slice %arg9[%run_scoped3A_235, %dma_start3A_252, %dma_start3A_253] : memref<2x128x128xf32, #tpu.memory_space<vmem>> -> memref<1x128x128xf32, #tpu.memory_space<vmem>>
        %dma_start3A_255 = tpu.memref_squeeze %dma_start3A_254 : memref<1x128x128xf32, #tpu.memory_space<vmem>> -> memref<128x128xf32, #tpu.memory_space<vmem>>
        %dma_start3A_256 = arith.constant 0 : i32
        %dma_start3A_257 = tpu.memref_slice %arg8[%add3A_222, %dma_start3A_256] : memref<80x128xi32, #tpu.memory_space<vmem>> -> memref<1x128xi32, #tpu.memory_space<vmem>>
        %dma_start3A_258 = tpu.memref_squeeze %dma_start3A_257 : memref<1x128xi32, #tpu.memory_space<vmem>> -> memref<128xi32, #tpu.memory_space<vmem>>
        %dma_start3A_259 = arith.constant 0 : i32
        %dma_start3A_260 = arith.constant 0 : i32
        %dma_start3A_261 = tpu.memref_slice %arg10[%dma_start3A_259, %dma_start3A_260] : memref<10112x128xf32, #tpu.memory_space<vmem_shared>> -> memref<10112x128xf32, #tpu.memory_space<vmem_shared>>
        tpu.enqueue_indirect_dma source(%dma_start3A_255 : memref<128x128xf32, #tpu.memory_space<vmem>>) target(%dma_start3A_261 : memref<10112x128xf32, #tpu.memory_space<vmem_shared>>) offsets(%dma_start3A_258 : memref<128xi32, #tpu.memory_space<vmem>>) semaphore(%run_scoped3A_251 : memref<!tpu.dma_semaphore, #tpu.memory_space<semaphore_mem>>) {add = true}
        %dma_wait3A_262 = arith.constant 0 : i32
        %dma_wait3A_263 = arith.constant 0 : i32
        %dma_wait3A_264 = tpu.memref_slice %arg9[%run_scoped3A_235, %dma_wait3A_262, %dma_wait3A_263] : memref<2x128x128xf32, #tpu.memory_space<vmem>> -> memref<1x128x128xf32, #tpu.memory_space<vmem>>
        %dma_wait3A_265 = tpu.memref_squeeze %dma_wait3A_264 : memref<1x128x128xf32, #tpu.memory_space<vmem>> -> memref<128x128xf32, #tpu.memory_space<vmem>>
        %dma_wait3A_266 = arith.constant 0 : i32
        %dma_wait3A_267 = tpu.memref_slice %arg8[%add3A_222, %dma_wait3A_266] : memref<80x128xi32, #tpu.memory_space<vmem>> -> memref<1x128xi32, #tpu.memory_space<vmem>>
        %dma_wait3A_268 = tpu.memref_squeeze %dma_wait3A_267 : memref<1x128xi32, #tpu.memory_space<vmem>> -> memref<128xi32, #tpu.memory_space<vmem>>
        %dma_wait3A_269 = arith.constant 0 : i32
        %dma_wait3A_270 = arith.constant 0 : i32
        %dma_wait3A_271 = tpu.memref_slice %arg10[%dma_wait3A_269, %dma_wait3A_270] : memref<10112x128xf32, #tpu.memory_space<vmem_shared>> -> memref<10112x128xf32, #tpu.memory_space<vmem_shared>>
        tpu.wait_indirect_dma semaphore(%run_scoped3A_251 : memref<!tpu.dma_semaphore, #tpu.memory_space<semaphore_mem>>) src(%dma_wait3A_265 : memref<128x128xf32, #tpu.memory_space<vmem>>) dst(%dma_wait3A_271 : memref<10112x128xf32, #tpu.memory_space<vmem_shared>>)
        tpu.yield
      }) : () -> ()
      %add3A_236 = arith.constant 4 : i32
      %add3A_237 = arith.addi %add3A_222, %add3A_236 : i32
      %lt3A_238 = arith.constant 80 : i32
      %lt3A_239 = arith.cmpi slt, %add3A_237, %lt3A_238 : i32
      %convert_element_type3A_240 = arith.extui %lt3A_239 : i1 to i32
      %cond3A_241 = arith.constant 0 : i32
      %cond3A_242 = arith.cmpi ne, %convert_element_type3A_240, %cond3A_241 : i32
      scf.if %cond3A_242 {
        %add3A_251 = arith.addi %mul3A_4, %add3A_237 : i32
        %dma_start3A_252 = arith.constant 3 : i32
        %dma_start3A_253 = arith.constant 0 : i32
        %dma_start3A_254 = tpu.memref_slice %arg7[%dma_start3A_252, %dma_start3A_253] : memref<4x128xi32, #tpu.memory_space<vmem>> -> memref<1x128xi32, #tpu.memory_space<vmem>>
        %dma_start3A_255 = arith.constant 0 : i32
        %dma_start3A_256 = arith.constant 0 : i32
        %dma_start3A_257 = tpu.memref_slice %arg3[%add3A_251, %dma_start3A_255, %dma_start3A_256] : memref<2560x1x128xi32, #tpu.memory_space<hbm>> -> memref<1x1x128xi32, #tpu.memory_space<hbm>>
        %dma_start3A_258 = tpu.memref_squeeze %dma_start3A_257 : memref<1x1x128xi32, #tpu.memory_space<hbm>> -> memref<1x128xi32, #tpu.memory_space<hbm>>
        %dma_start3A_259 = arith.constant 3 : i32
        %dma_start3A_260 = arith.constant 0 : i32
        %dma_start3A_261 = tpu.memref_slice %arg7[%dma_start3A_259, %dma_start3A_260] : memref<4x128xi32, #tpu.memory_space<vmem>> -> memref<1x128xi32, #tpu.memory_space<vmem>>
        %dma_start3A_262 = arith.constant 0 : i32
        %dma_start3A_263 = arith.constant 0 : i32
        %dma_start3A_264 = tpu.memref_slice %arg3[%add3A_251, %dma_start3A_262, %dma_start3A_263] : memref<2560x1x128xi32, #tpu.memory_space<hbm>> -> memref<1x1x128xi32, #tpu.memory_space<hbm>>
        %dma_start3A_265 = tpu.memref_squeeze %dma_start3A_264 : memref<1x1x128xi32, #tpu.memory_space<hbm>> -> memref<1x128xi32, #tpu.memory_space<hbm>>
        tpu.enqueue_dma source(%dma_start3A_265 : memref<1x128xi32, #tpu.memory_space<hbm>>) target(%dma_start3A_261 : memref<1x128xi32, #tpu.memory_space<vmem>>) target_semaphore(%arg16 : memref<!tpu.dma_semaphore, #tpu.memory_space<semaphore_mem>>)
      } else {
      }
      %add3A_243 = arith.constant 2 : i32
      %add3A_244 = arith.addi %add3A_222, %add3A_243 : i32
      %lt3A_245 = arith.constant 80 : i32
      %lt3A_246 = arith.cmpi slt, %add3A_244, %lt3A_245 : i32
      %convert_element_type3A_247 = arith.extui %lt3A_246 : i1 to i32
      %cond3A_248 = arith.constant 0 : i32
      %cond3A_249 = arith.cmpi ne, %convert_element_type3A_247, %cond3A_248 : i32
      scf.if %cond3A_249 {
        %dma_wait3A_251 = arith.constant 0 : i32
        %dma_wait3A_252 = arith.constant 1 : i32
        %dma_wait3A_253 = arith.constant 0 : i32
        %dma_wait3A_254 = tpu.memref_slice %arg7[%dma_wait3A_252, %dma_wait3A_253] : memref<4x128xi32, #tpu.memory_space<vmem>> -> memref<1x128xi32, #tpu.memory_space<vmem>>
        %dma_wait3A_255 = arith.constant 0 : i32
        %dma_wait3A_256 = arith.constant 0 : i32
        %dma_wait3A_257 = tpu.memref_slice %arg3[%dma_wait3A_251, %dma_wait3A_255, %dma_wait3A_256] : memref<2560x1x128xi32, #tpu.memory_space<hbm>> -> memref<1x1x128xi32, #tpu.memory_space<hbm>>
        %dma_wait3A_258 = tpu.memref_squeeze %dma_wait3A_257 : memref<1x1x128xi32, #tpu.memory_space<hbm>> -> memref<1x128xi32, #tpu.memory_space<hbm>>
        %dma_wait3A_259 = arith.constant 1 : i32
        %dma_wait3A_260 = arith.constant 0 : i32
        %dma_wait3A_261 = tpu.memref_slice %arg7[%dma_wait3A_259, %dma_wait3A_260] : memref<4x128xi32, #tpu.memory_space<vmem>> -> memref<1x128xi32, #tpu.memory_space<vmem>>
        %dma_wait3A_262 = arith.constant 0 : i32
        %dma_wait3A_263 = arith.constant 0 : i32
        %dma_wait3A_264 = tpu.memref_slice %arg3[%dma_wait3A_251, %dma_wait3A_262, %dma_wait3A_263] : memref<2560x1x128xi32, #tpu.memory_space<hbm>> -> memref<1x1x128xi32, #tpu.memory_space<hbm>>
        %dma_wait3A_265 = tpu.memref_squeeze %dma_wait3A_264 : memref<1x1x128xi32, #tpu.memory_space<hbm>> -> memref<1x128xi32, #tpu.memory_space<hbm>>
        tpu.wait_dma2 semaphore(%arg14 : memref<!tpu.dma_semaphore, #tpu.memory_space<semaphore_mem>>) src(%dma_wait3A_265 : memref<1x128xi32, #tpu.memory_space<hbm>>) dst(%dma_wait3A_261 : memref<1x128xi32, #tpu.memory_space<vmem>>)
        %dma_start3A_266 = arith.constant 1 : i32
        %dma_start3A_267 = arith.constant 1 : i32
        %dma_start3A_268 = arith.constant 0 : i32
        %dma_start3A_269 = arith.constant 0 : i32
        %dma_start3A_270 = tpu.memref_slice %arg9[%dma_start3A_267, %dma_start3A_268, %dma_start3A_269] : memref<2x128x128xf32, #tpu.memory_space<vmem>> -> memref<1x128x128xf32, #tpu.memory_space<vmem>>
        %dma_start3A_271 = tpu.memref_squeeze %dma_start3A_270 : memref<1x128x128xf32, #tpu.memory_space<vmem>> -> memref<128x128xf32, #tpu.memory_space<vmem>>
        %dma_start3A_272 = arith.constant 0 : i32
        %dma_start3A_273 = tpu.memref_slice %arg7[%dma_start3A_266, %dma_start3A_272] : memref<4x128xi32, #tpu.memory_space<vmem>> -> memref<1x128xi32, #tpu.memory_space<vmem>>
        %dma_start3A_274 = tpu.memref_squeeze %dma_start3A_273 : memref<1x128xi32, #tpu.memory_space<vmem>> -> memref<128xi32, #tpu.memory_space<vmem>>
        %dma_start3A_275 = arith.constant 0 : i32
        %dma_start3A_276 = arith.constant 0 : i32
        %dma_start3A_277 = tpu.memref_slice %arg2[%dma_start3A_275, %dma_start3A_276] : memref<10000x128xf32, #tpu.memory_space<hbm>> -> memref<10000x128xf32, #tpu.memory_space<hbm>>
        tpu.enqueue_indirect_dma source(%dma_start3A_277 : memref<10000x128xf32, #tpu.memory_space<hbm>>) target(%dma_start3A_271 : memref<128x128xf32, #tpu.memory_space<vmem>>) offsets(%dma_start3A_274 : memref<128xi32, #tpu.memory_space<vmem>>) semaphore(%arg12 : memref<!tpu.dma_semaphore, #tpu.memory_space<semaphore_mem>>)
      } else {
      }
      %scan3A_250 = arith.constant 0 : i32
      scf.yield %scan3A_250 : i32
    }
    %scan3A_126 = arith.constant 20 : i32
    %barrier3A_127 = arith.constant 0 : index
    tpu.barrier barrier_id(%barrier3A_127)
    "tpu.region"() ({
      %run_scoped3A = tpu.sem_alloc : memref<!tpu.dma_semaphore, #tpu.memory_space<semaphore_mem>>
      %dma_start3A_128 = arith.constant 0 : i32
      %dma_start3A_129 = tpu.memref_slice %arg6[%arg0, %mul3A_2, %dma_start3A_128] : memref<2x10112x128xf32, #tpu.memory_space<hbm>> -> memref<1x632x128xf32, #tpu.memory_space<hbm>>
      %dma_start3A_130 = tpu.memref_squeeze %dma_start3A_129 : memref<1x632x128xf32, #tpu.memory_space<hbm>> -> memref<632x128xf32, #tpu.memory_space<hbm>>
      %dma_start3A_131 = arith.constant 0 : i32
      %dma_start3A_132 = tpu.memref_slice %arg10[%mul3A_2, %dma_start3A_131] : memref<10112x128xf32, #tpu.memory_space<vmem_shared>> -> memref<632x128xf32, #tpu.memory_space<vmem_shared>>
      tpu.enqueue_dma source(%dma_start3A_132 : memref<632x128xf32, #tpu.memory_space<vmem_shared>>) target(%dma_start3A_130 : memref<632x128xf32, #tpu.memory_space<hbm>>) target_semaphore(%run_scoped3A : memref<!tpu.dma_semaphore, #tpu.memory_space<semaphore_mem>>)
      %dma_wait3A_133 = arith.constant 0 : i32
      %dma_wait3A_134 = tpu.memref_slice %arg6[%arg0, %mul3A_2, %dma_wait3A_133] : memref<2x10112x128xf32, #tpu.memory_space<hbm>> -> memref<1x632x128xf32, #tpu.memory_space<hbm>>
      %dma_wait3A_135 = tpu.memref_squeeze %dma_wait3A_134 : memref<1x632x128xf32, #tpu.memory_space<hbm>> -> memref<632x128xf32, #tpu.memory_space<hbm>>
      %dma_wait3A_136 = arith.constant 0 : i32
      %dma_wait3A_137 = tpu.memref_slice %arg10[%mul3A_2, %dma_wait3A_136] : memref<10112x128xf32, #tpu.memory_space<vmem_shared>> -> memref<632x128xf32, #tpu.memory_space<vmem_shared>>
      tpu.wait_dma2 semaphore(%run_scoped3A : memref<!tpu.dma_semaphore, #tpu.memory_space<semaphore_mem>>) src(%dma_wait3A_137 : memref<632x128xf32, #tpu.memory_space<vmem_shared>>) dst(%dma_wait3A_135 : memref<632x128xf32, #tpu.memory_space<hbm>>)
      tpu.yield
    }) : () -> ()
    return
  }
}

#map = affine_map<(d0, d1) -> (0, 0)>
#map1 = affine_map<(d0, d1) -> (0, 0, 0)>
module attributes {stable_mosaic.version = 14 : i64} {
  func.func @body(%arg0: i32, %arg1: i32, %arg2: memref<10000x128xf32, #tpu.memory_space<hbm>>, %arg3: memref<2560x1x128xi32, #tpu.memory_space<hbm>>, %arg4: memref<2560x128xi32, #tpu.memory_space<hbm>>, %arg5: memref<10112x128xf32, #tpu.memory_space<hbm>>, %arg6: memref<2x10112x128xf32, #tpu.memory_space<hbm>>, %arg7: memref<4x128xi32, #tpu.memory_space<vmem>>, %arg8: memref<80x128xi32, #tpu.memory_space<vmem>>, %arg9: memref<2x128x128xf32, #tpu.memory_space<vmem>>, %arg10: memref<10112x128xf32, #tpu.memory_space<vmem_shared>>, %arg11: memref<!tpu.dma_semaphore, #tpu.memory_space<semaphore_mem>>, %arg12: memref<!tpu.dma_semaphore, #tpu.memory_space<semaphore_mem>>, %arg13: memref<!tpu.dma_semaphore, #tpu.memory_space<semaphore_mem>>, %arg14: memref<!tpu.dma_semaphore, #tpu.memory_space<semaphore_mem>>, %arg15: memref<!tpu.dma_semaphore, #tpu.memory_space<semaphore_mem>>, %arg16: memref<!tpu.dma_semaphore, #tpu.memory_space<semaphore_mem>>) attributes {dimension_semantics = [#tpu.dimension_semantics<core_parallel>, #tpu.dimension_semantics<subcore_parallel>], iteration_bounds = array<i64: 2, 16>, scalar_prefetch = 0 : i64, scratch_operands = 10 : i64, tpu.core_type = #tpu.core_type<sc_vector_subcore>, window_params = [{transform_indices = #map}, {transform_indices = #map1}, {transform_indices = #map}, {transform_indices = #map}, {transform_indices = #map1}]} {
    %mul3A = arith.constant 2 : i32
    %mul3A_0 = arith.muli %arg1, %mul3A : i32
    %add3A = arith.addi %mul3A_0, %arg0 : i32
    %mul3A_1 = arith.constant 632 : i32
    %mul3A_2 = arith.muli %arg1, %mul3A_1 : i32
    %mul3A_3 = arith.constant 80 : i32
    %mul3A_4 = arith.muli %add3A, %mul3A_3 : i32
    %add3A_5 = arith.constant 0 : i32
    %add3A_6 = arith.addi %mul3A_4, %add3A_5 : i32
    %dma_start3A = arith.constant 0 : i32
    %dma_start3A_7 = arith.constant 0 : i32
    %dma_start3A_8 = tpu.memref_slice %arg7[%dma_start3A, %dma_start3A_7] : memref<4x128xi32, #tpu.memory_space<vmem>> -> memref<1x128xi32, #tpu.memory_space<vmem>>
    %dma_start3A_9 = arith.constant 0 : i32
    %dma_start3A_10 = arith.constant 0 : i32
    %dma_start3A_11 = tpu.memref_slice %arg3[%add3A_6, %dma_start3A_9, %dma_start3A_10] : memref<2560x1x128xi32, #tpu.memory_space<hbm>> -> memref<1x1x128xi32, #tpu.memory_space<hbm>>
    %dma_start3A_12 = tpu.memref_squeeze %dma_start3A_11 : memref<1x1x128xi32, #tpu.memory_space<hbm>> -> memref<1x128xi32, #tpu.memory_space<hbm>>
    %dma_start3A_13 = arith.constant 0 : i32
    %dma_start3A_14 = arith.constant 0 : i32
    %dma_start3A_15 = tpu.memref_slice %arg7[%dma_start3A_13, %dma_start3A_14] : memref<4x128xi32, #tpu.memory_space<vmem>> -> memref<1x128xi32, #tpu.memory_space<vmem>>
    %dma_start3A_16 = arith.constant 0 : i32
    %dma_start3A_17 = arith.constant 0 : i32
    %dma_start3A_18 = tpu.memref_slice %arg3[%add3A_6, %dma_start3A_16, %dma_start3A_17] : memref<2560x1x128xi32, #tpu.memory_space<hbm>> -> memref<1x1x128xi32, #tpu.memory_space<hbm>>
    %dma_start3A_19 = tpu.memref_squeeze %dma_start3A_18 : memref<1x1x128xi32, #tpu.memory_space<hbm>> -> memref<1x128xi32, #tpu.memory_space<hbm>>
    tpu.enqueue_dma source(%dma_start3A_19 : memref<1x128xi32, #tpu.memory_space<hbm>>) target(%dma_start3A_15 : memref<1x128xi32, #tpu.memory_space<vmem>>) target_semaphore(%arg13 : memref<!tpu.dma_semaphore, #tpu.memory_space<semaphore_mem>>)
    %add3A_20 = arith.constant 1 : i32
    %add3A_21 = arith.addi %mul3A_4, %add3A_20 : i32
    %dma_start3A_22 = arith.constant 1 : i32
    %dma_start3A_23 = arith.constant 0 : i32
    %dma_start3A_24 = tpu.memref_slice %arg7[%dma_start3A_22, %dma_start3A_23] : memref<4x128xi32, #tpu.memory_space<vmem>> -> memref<1x128xi32, #tpu.memory_space<vmem>>
    %dma_start3A_25 = arith.constant 0 : i32
    %dma_start3A_26 = arith.constant 0 : i32
    %dma_start3A_27 = tpu.memref_slice %arg3[%add3A_21, %dma_start3A_25, %dma_start3A_26] : memref<2560x1x128xi32, #tpu.memory_space<hbm>> -> memref<1x1x128xi32, #tpu.memory_space<hbm>>
    %dma_start3A_28 = tpu.memref_squeeze %dma_start3A_27 : memref<1x1x128xi32, #tpu.memory_space<hbm>> -> memref<1x128xi32, #tpu.memory_space<hbm>>
    %dma_start3A_29 = arith.constant 1 : i32
    %dma_start3A_30 = arith.constant 0 : i32
    %dma_start3A_31 = tpu.memref_slice %arg7[%dma_start3A_29, %dma_start3A_30] : memref<4x128xi32, #tpu.memory_space<vmem>> -> memref<1x128xi32, #tpu.memory_space<vmem>>
    %dma_start3A_32 = arith.constant 0 : i32
    %dma_start3A_33 = arith.constant 0 : i32
    %dma_start3A_34 = tpu.memref_slice %arg3[%add3A_21, %dma_start3A_32, %dma_start3A_33] : memref<2560x1x128xi32, #tpu.memory_space<hbm>> -> memref<1x1x128xi32, #tpu.memory_space<hbm>>
    %dma_start3A_35 = tpu.memref_squeeze %dma_start3A_34 : memref<1x1x128xi32, #tpu.memory_space<hbm>> -> memref<1x128xi32, #tpu.memory_space<hbm>>
    tpu.enqueue_dma source(%dma_start3A_35 : memref<1x128xi32, #tpu.memory_space<hbm>>) target(%dma_start3A_31 : memref<1x128xi32, #tpu.memory_space<vmem>>) target_semaphore(%arg14 : memref<!tpu.dma_semaphore, #tpu.memory_space<semaphore_mem>>)
    %add3A_36 = arith.constant 2 : i32
    %add3A_37 = arith.addi %mul3A_4, %add3A_36 : i32
    %dma_start3A_38 = arith.constant 2 : i32
    %dma_start3A_39 = arith.constant 0 : i32
    %dma_start3A_40 = tpu.memref_slice %arg7[%dma_start3A_38, %dma_start3A_39] : memref<4x128xi32, #tpu.memory_space<vmem>> -> memref<1x128xi32, #tpu.memory_space<vmem>>
    %dma_start3A_41 = arith.constant 0 : i32
    %dma_start3A_42 = arith.constant 0 : i32
    %dma_start3A_43 = tpu.memref_slice %arg3[%add3A_37, %dma_start3A_41, %dma_start3A_42] : memref<2560x1x128xi32, #tpu.memory_space<hbm>> -> memref<1x1x128xi32, #tpu.memory_space<hbm>>
    %dma_start3A_44 = tpu.memref_squeeze %dma_start3A_43 : memref<1x1x128xi32, #tpu.memory_space<hbm>> -> memref<1x128xi32, #tpu.memory_space<hbm>>
    %dma_start3A_45 = arith.constant 2 : i32
    %dma_start3A_46 = arith.constant 0 : i32
    %dma_start3A_47 = tpu.memref_slice %arg7[%dma_start3A_45, %dma_start3A_46] : memref<4x128xi32, #tpu.memory_space<vmem>> -> memref<1x128xi32, #tpu.memory_space<vmem>>
    %dma_start3A_48 = arith.constant 0 : i32
    %dma_start3A_49 = arith.constant 0 : i32
    %dma_start3A_50 = tpu.memref_slice %arg3[%add3A_37, %dma_start3A_48, %dma_start3A_49] : memref<2560x1x128xi32, #tpu.memory_space<hbm>> -> memref<1x1x128xi32, #tpu.memory_space<hbm>>
    %dma_start3A_51 = tpu.memref_squeeze %dma_start3A_50 : memref<1x1x128xi32, #tpu.memory_space<hbm>> -> memref<1x128xi32, #tpu.memory_space<hbm>>
    tpu.enqueue_dma source(%dma_start3A_51 : memref<1x128xi32, #tpu.memory_space<hbm>>) target(%dma_start3A_47 : memref<1x128xi32, #tpu.memory_space<vmem>>) target_semaphore(%arg15 : memref<!tpu.dma_semaphore, #tpu.memory_space<semaphore_mem>>)
    %add3A_52 = arith.constant 3 : i32
    %add3A_53 = arith.addi %mul3A_4, %add3A_52 : i32
    %dma_start3A_54 = arith.constant 3 : i32
    %dma_start3A_55 = arith.constant 0 : i32
    %dma_start3A_56 = tpu.memref_slice %arg7[%dma_start3A_54, %dma_start3A_55] : memref<4x128xi32, #tpu.memory_space<vmem>> -> memref<1x128xi32, #tpu.memory_space<vmem>>
    %dma_start3A_57 = arith.constant 0 : i32
    %dma_start3A_58 = arith.constant 0 : i32
    %dma_start3A_59 = tpu.memref_slice %arg3[%add3A_53, %dma_start3A_57, %dma_start3A_58] : memref<2560x1x128xi32, #tpu.memory_space<hbm>> -> memref<1x1x128xi32, #tpu.memory_space<hbm>>
    %dma_start3A_60 = tpu.memref_squeeze %dma_start3A_59 : memref<1x1x128xi32, #tpu.memory_space<hbm>> -> memref<1x128xi32, #tpu.memory_space<hbm>>
    %dma_start3A_61 = arith.constant 3 : i32
    %dma_start3A_62 = arith.constant 0 : i32
    %dma_start3A_63 = tpu.memref_slice %arg7[%dma_start3A_61, %dma_start3A_62] : memref<4x128xi32, #tpu.memory_space<vmem>> -> memref<1x128xi32, #tpu.memory_space<vmem>>
    %dma_start3A_64 = arith.constant 0 : i32
    %dma_start3A_65 = arith.constant 0 : i32
    %dma_start3A_66 = tpu.memref_slice %arg3[%add3A_53, %dma_start3A_64, %dma_start3A_65] : memref<2560x1x128xi32, #tpu.memory_space<hbm>> -> memref<1x1x128xi32, #tpu.memory_space<hbm>>
    %dma_start3A_67 = tpu.memref_squeeze %dma_start3A_66 : memref<1x1x128xi32, #tpu.memory_space<hbm>> -> memref<1x128xi32, #tpu.memory_space<hbm>>
    tpu.enqueue_dma source(%dma_start3A_67 : memref<1x128xi32, #tpu.memory_space<hbm>>) target(%dma_start3A_63 : memref<1x128xi32, #tpu.memory_space<vmem>>) target_semaphore(%arg16 : memref<!tpu.dma_semaphore, #tpu.memory_space<semaphore_mem>>)
    %dma_wait3A = arith.constant 0 : i32
    %dma_wait3A_68 = arith.constant 0 : i32
    %dma_wait3A_69 = arith.constant 0 : i32
    %dma_wait3A_70 = tpu.memref_slice %arg7[%dma_wait3A_68, %dma_wait3A_69] : memref<4x128xi32, #tpu.memory_space<vmem>> -> memref<1x128xi32, #tpu.memory_space<vmem>>
    %dma_wait3A_71 = arith.constant 0 : i32
    %dma_wait3A_72 = arith.constant 0 : i32
    %dma_wait3A_73 = tpu.memref_slice %arg3[%dma_wait3A, %dma_wait3A_71, %dma_wait3A_72] : memref<2560x1x128xi32, #tpu.memory_space<hbm>> -> memref<1x1x128xi32, #tpu.memory_space<hbm>>
    %dma_wait3A_74 = tpu.memref_squeeze %dma_wait3A_73 : memref<1x1x128xi32, #tpu.memory_space<hbm>> -> memref<1x128xi32, #tpu.memory_space<hbm>>
    %dma_wait3A_75 = arith.constant 0 : i32
    %dma_wait3A_76 = arith.constant 0 : i32
    %dma_wait3A_77 = tpu.memref_slice %arg7[%dma_wait3A_75, %dma_wait3A_76] : memref<4x128xi32, #tpu.memory_space<vmem>> -> memref<1x128xi32, #tpu.memory_space<vmem>>
    %dma_wait3A_78 = arith.constant 0 : i32
    %dma_wait3A_79 = arith.constant 0 : i32
    %dma_wait3A_80 = tpu.memref_slice %arg3[%dma_wait3A, %dma_wait3A_78, %dma_wait3A_79] : memref<2560x1x128xi32, #tpu.memory_space<hbm>> -> memref<1x1x128xi32, #tpu.memory_space<hbm>>
    %dma_wait3A_81 = tpu.memref_squeeze %dma_wait3A_80 : memref<1x1x128xi32, #tpu.memory_space<hbm>> -> memref<1x128xi32, #tpu.memory_space<hbm>>
    tpu.wait_dma2 semaphore(%arg13 : memref<!tpu.dma_semaphore, #tpu.memory_space<semaphore_mem>>) src(%dma_wait3A_81 : memref<1x128xi32, #tpu.memory_space<hbm>>) dst(%dma_wait3A_77 : memref<1x128xi32, #tpu.memory_space<vmem>>)
    %dma_start3A_82 = arith.constant 0 : i32
    %dma_start3A_83 = arith.constant 0 : i32
    %dma_start3A_84 = arith.constant 0 : i32
    %dma_start3A_85 = arith.constant 0 : i32
    %dma_start3A_86 = tpu.memref_slice %arg9[%dma_start3A_83, %dma_start3A_84, %dma_start3A_85] : memref<2x128x128xf32, #tpu.memory_space<vmem>> -> memref<1x128x128xf32, #tpu.memory_space<vmem>>
    %dma_start3A_87 = tpu.memref_squeeze %dma_start3A_86 : memref<1x128x128xf32, #tpu.memory_space<vmem>> -> memref<128x128xf32, #tpu.memory_space<vmem>>
    %dma_start3A_88 = arith.constant 0 : i32
    %dma_start3A_89 = tpu.memref_slice %arg7[%dma_start3A_82, %dma_start3A_88] : memref<4x128xi32, #tpu.memory_space<vmem>> -> memref<1x128xi32, #tpu.memory_space<vmem>>
    %dma_start3A_90 = tpu.memref_squeeze %dma_start3A_89 : memref<1x128xi32, #tpu.memory_space<vmem>> -> memref<128xi32, #tpu.memory_space<vmem>>
    %dma_start3A_91 = arith.constant 0 : i32
    %dma_start3A_92 = arith.constant 0 : i32
    %dma_start3A_93 = tpu.memref_slice %arg2[%dma_start3A_91, %dma_start3A_92] : memref<10000x128xf32, #tpu.memory_space<hbm>> -> memref<10000x128xf32, #tpu.memory_space<hbm>>
    tpu.enqueue_indirect_dma source(%dma_start3A_93 : memref<10000x128xf32, #tpu.memory_space<hbm>>) target(%dma_start3A_87 : memref<128x128xf32, #tpu.memory_space<vmem>>) offsets(%dma_start3A_90 : memref<128xi32, #tpu.memory_space<vmem>>) semaphore(%arg11 : memref<!tpu.dma_semaphore, #tpu.memory_space<semaphore_mem>>)
    %dma_wait3A_94 = arith.constant 0 : i32
    %dma_wait3A_95 = arith.constant 1 : i32
    %dma_wait3A_96 = arith.constant 0 : i32
    %dma_wait3A_97 = tpu.memref_slice %arg7[%dma_wait3A_95, %dma_wait3A_96] : memref<4x128xi32, #tpu.memory_space<vmem>> -> memref<1x128xi32, #tpu.memory_space<vmem>>
    %dma_wait3A_98 = arith.constant 0 : i32
    %dma_wait3A_99 = arith.constant 0 : i32
    %dma_wait3A_100 = tpu.memref_slice %arg3[%dma_wait3A_94, %dma_wait3A_98, %dma_wait3A_99] : memref<2560x1x128xi32, #tpu.memory_space<hbm>> -> memref<1x1x128xi32, #tpu.memory_space<hbm>>
    %dma_wait3A_101 = tpu.memref_squeeze %dma_wait3A_100 : memref<1x1x128xi32, #tpu.memory_space<hbm>> -> memref<1x128xi32, #tpu.memory_space<hbm>>
    %dma_wait3A_102 = arith.constant 1 : i32
    %dma_wait3A_103 = arith.constant 0 : i32
    %dma_wait3A_104 = tpu.memref_slice %arg7[%dma_wait3A_102, %dma_wait3A_103] : memref<4x128xi32, #tpu.memory_space<vmem>> -> memref<1x128xi32, #tpu.memory_space<vmem>>
    %dma_wait3A_105 = arith.constant 0 : i32
    %dma_wait3A_106 = arith.constant 0 : i32
    %dma_wait3A_107 = tpu.memref_slice %arg3[%dma_wait3A_94, %dma_wait3A_105, %dma_wait3A_106] : memref<2560x1x128xi32, #tpu.memory_space<hbm>> -> memref<1x1x128xi32, #tpu.memory_space<hbm>>
    %dma_wait3A_108 = tpu.memref_squeeze %dma_wait3A_107 : memref<1x1x128xi32, #tpu.memory_space<hbm>> -> memref<1x128xi32, #tpu.memory_space<hbm>>
    tpu.wait_dma2 semaphore(%arg14 : memref<!tpu.dma_semaphore, #tpu.memory_space<semaphore_mem>>) src(%dma_wait3A_108 : memref<1x128xi32, #tpu.memory_space<hbm>>) dst(%dma_wait3A_104 : memref<1x128xi32, #tpu.memory_space<vmem>>)
    %dma_start3A_109 = arith.constant 1 : i32
    %dma_start3A_110 = arith.constant 1 : i32
    %dma_start3A_111 = arith.constant 0 : i32
    %dma_start3A_112 = arith.constant 0 : i32
    %dma_start3A_113 = tpu.memref_slice %arg9[%dma_start3A_110, %dma_start3A_111, %dma_start3A_112] : memref<2x128x128xf32, #tpu.memory_space<vmem>> -> memref<1x128x128xf32, #tpu.memory_space<vmem>>
    %dma_start3A_114 = tpu.memref_squeeze %dma_start3A_113 : memref<1x128x128xf32, #tpu.memory_space<vmem>> -> memref<128x128xf32, #tpu.memory_space<vmem>>
    %dma_start3A_115 = arith.constant 0 : i32
    %dma_start3A_116 = tpu.memref_slice %arg7[%dma_start3A_109, %dma_start3A_115] : memref<4x128xi32, #tpu.memory_space<vmem>> -> memref<1x128xi32, #tpu.memory_space<vmem>>
    %dma_start3A_117 = tpu.memref_squeeze %dma_start3A_116 : memref<1x128xi32, #tpu.memory_space<vmem>> -> memref<128xi32, #tpu.memory_space<vmem>>
    %dma_start3A_118 = arith.constant 0 : i32
    %dma_start3A_119 = arith.constant 0 : i32
    %dma_start3A_120 = tpu.memref_slice %arg2[%dma_start3A_118, %dma_start3A_119] : memref<10000x128xf32, #tpu.memory_space<hbm>> -> memref<10000x128xf32, #tpu.memory_space<hbm>>
    tpu.enqueue_indirect_dma source(%dma_start3A_120 : memref<10000x128xf32, #tpu.memory_space<hbm>>) target(%dma_start3A_114 : memref<128x128xf32, #tpu.memory_space<vmem>>) offsets(%dma_start3A_117 : memref<128xi32, #tpu.memory_space<vmem>>) semaphore(%arg12 : memref<!tpu.dma_semaphore, #tpu.memory_space<semaphore_mem>>)
    "tpu.region"() ({
      %run_scoped3A = tpu.sem_alloc : memref<!tpu.dma_semaphore, #tpu.memory_space<semaphore_mem>>
      %dma_start3A_128 = arith.constant 0 : i32
      %dma_start3A_129 = tpu.memref_slice %arg4[%mul3A_4, %dma_start3A_128] : memref<2560x128xi32, #tpu.memory_space<hbm>> -> memref<80x128xi32, #tpu.memory_space<hbm>>
      %dma_start3A_130 = arith.constant 0 : i32
      %dma_start3A_131 = tpu.memref_slice %arg4[%mul3A_4, %dma_start3A_130] : memref<2560x128xi32, #tpu.memory_space<hbm>> -> memref<80x128xi32, #tpu.memory_space<hbm>>
      tpu.enqueue_dma source(%dma_start3A_131 : memref<80x128xi32, #tpu.memory_space<hbm>>) target(%arg8 : memref<80x128xi32, #tpu.memory_space<vmem>>) target_semaphore(%run_scoped3A : memref<!tpu.dma_semaphore, #tpu.memory_space<semaphore_mem>>)
      %dma_wait3A_132 = arith.constant 0 : i32
      %dma_wait3A_133 = tpu.memref_slice %arg4[%mul3A_4, %dma_wait3A_132] : memref<2560x128xi32, #tpu.memory_space<hbm>> -> memref<80x128xi32, #tpu.memory_space<hbm>>
      %dma_wait3A_134 = arith.constant 0 : i32
      %dma_wait3A_135 = tpu.memref_slice %arg4[%mul3A_4, %dma_wait3A_134] : memref<2560x128xi32, #tpu.memory_space<hbm>> -> memref<80x128xi32, #tpu.memory_space<hbm>>
      tpu.wait_dma2 semaphore(%run_scoped3A : memref<!tpu.dma_semaphore, #tpu.memory_space<semaphore_mem>>) src(%dma_wait3A_135 : memref<80x128xi32, #tpu.memory_space<hbm>>) dst(%arg8 : memref<80x128xi32, #tpu.memory_space<vmem>>)
      tpu.yield
    }) : () -> ()
    "tpu.region"() ({
      %run_scoped3A = tpu.sem_alloc : memref<!tpu.dma_semaphore, #tpu.memory_space<semaphore_mem>>
      %dma_start3A_128 = arith.constant 0 : i32
      %dma_start3A_129 = tpu.memref_slice %arg10[%mul3A_2, %dma_start3A_128] : memref<10112x128xf32, #tpu.memory_space<vmem_shared>> -> memref<632x128xf32, #tpu.memory_space<vmem_shared>>
      %dma_start3A_130 = arith.constant 0 : i32
      %dma_start3A_131 = tpu.memref_slice %arg5[%mul3A_2, %dma_start3A_130] : memref<10112x128xf32, #tpu.memory_space<hbm>> -> memref<632x128xf32, #tpu.memory_space<hbm>>
      tpu.enqueue_dma source(%dma_start3A_131 : memref<632x128xf32, #tpu.memory_space<hbm>>) target(%dma_start3A_129 : memref<632x128xf32, #tpu.memory_space<vmem_shared>>) target_semaphore(%run_scoped3A : memref<!tpu.dma_semaphore, #tpu.memory_space<semaphore_mem>>)
      %dma_wait3A_132 = arith.constant 0 : i32
      %dma_wait3A_133 = tpu.memref_slice %arg10[%mul3A_2, %dma_wait3A_132] : memref<10112x128xf32, #tpu.memory_space<vmem_shared>> -> memref<632x128xf32, #tpu.memory_space<vmem_shared>>
      %dma_wait3A_134 = arith.constant 0 : i32
      %dma_wait3A_135 = tpu.memref_slice %arg5[%mul3A_2, %dma_wait3A_134] : memref<10112x128xf32, #tpu.memory_space<hbm>> -> memref<632x128xf32, #tpu.memory_space<hbm>>
      tpu.wait_dma2 semaphore(%run_scoped3A : memref<!tpu.dma_semaphore, #tpu.memory_space<semaphore_mem>>) src(%dma_wait3A_135 : memref<632x128xf32, #tpu.memory_space<hbm>>) dst(%dma_wait3A_133 : memref<632x128xf32, #tpu.memory_space<vmem_shared>>)
      tpu.yield
    }) : () -> ()
    %barrier3A = arith.constant 0 : index
    tpu.barrier barrier_id(%barrier3A)
    %scan3A = arith.constant 0 : i32
    %scan3A_121 = arith.constant 0 : i32
    %scan3A_122 = arith.constant 20 : i32
    %scan3A_123 = arith.addi %scan3A_121, %scan3A_122 : i32
    %scan3A_124 = arith.constant 1 : i32
    %scan3A_125 = scf.for %scan3A_128 = %scan3A_121 to %scan3A_123 step %scan3A_124 iter_args(%scan3A_129 = %scan3A) -> (i32)  : i32 {
      %mul3A_130 = arith.constant 4 : i32
      %mul3A_131 = arith.muli %scan3A_128, %mul3A_130 : i32
      %add3A_132 = arith.constant 0 : i32
      %add3A_133 = arith.addi %mul3A_131, %add3A_132 : i32
      %dma_wait3A_134 = arith.constant 0 : i32
      %dma_wait3A_135 = arith.constant 0 : i32
      %dma_wait3A_136 = arith.constant 0 : i32
      %dma_wait3A_137 = arith.constant 0 : i32
      %dma_wait3A_138 = tpu.memref_slice %arg9[%dma_wait3A_135, %dma_wait3A_136, %dma_wait3A_137] : memref<2x128x128xf32, #tpu.memory_space<vmem>> -> memref<1x128x128xf32, #tpu.memory_space<vmem>>
      %dma_wait3A_139 = tpu.memref_squeeze %dma_wait3A_138 : memref<1x128x128xf32, #tpu.memory_space<vmem>> -> memref<128x128xf32, #tpu.memory_space<vmem>>
      %dma_wait3A_140 = arith.constant 0 : i32
      %dma_wait3A_141 = tpu.memref_slice %arg7[%dma_wait3A_134, %dma_wait3A_140] : memref<4x128xi32, #tpu.memory_space<vmem>> -> memref<1x128xi32, #tpu.memory_space<vmem>>
      %dma_wait3A_142 = tpu.memref_squeeze %dma_wait3A_141 : memref<1x128xi32, #tpu.memory_space<vmem>> -> memref<128xi32, #tpu.memory_space<vmem>>
      %dma_wait3A_143 = arith.constant 0 : i32
      %dma_wait3A_144 = arith.constant 0 : i32
      %dma_wait3A_145 = tpu.memref_slice %arg2[%dma_wait3A_143, %dma_wait3A_144] : memref<10000x128xf32, #tpu.memory_space<hbm>> -> memref<10000x128xf32, #tpu.memory_space<hbm>>
      tpu.wait_indirect_dma semaphore(%arg11 : memref<!tpu.dma_semaphore, #tpu.memory_space<semaphore_mem>>) src(%dma_wait3A_145 : memref<10000x128xf32, #tpu.memory_space<hbm>>) dst(%dma_wait3A_139 : memref<128x128xf32, #tpu.memory_space<vmem>>)
      %run_scoped3A = arith.constant 0 : i32
      "tpu.region"() ({
        %run_scoped3A_251 = tpu.sem_alloc : memref<!tpu.dma_semaphore, #tpu.memory_space<semaphore_mem>>
        %dma_start3A_252 = arith.constant 0 : i32
        %dma_start3A_253 = arith.constant 0 : i32
        %dma_start3A_254 = tpu.memref_slice %arg9[%run_scoped3A, %dma_start3A_252, %dma_start3A_253] : memref<2x128x128xf32, #tpu.memory_space<vmem>> -> memref<1x128x128xf32, #tpu.memory_space<vmem>>
        %dma_start3A_255 = tpu.memref_squeeze %dma_start3A_254 : memref<1x128x128xf32, #tpu.memory_space<vmem>> -> memref<128x128xf32, #tpu.memory_space<vmem>>
        %dma_start3A_256 = arith.constant 0 : i32
        %dma_start3A_257 = tpu.memref_slice %arg8[%add3A_133, %dma_start3A_256] : memref<80x128xi32, #tpu.memory_space<vmem>> -> memref<1x128xi32, #tpu.memory_space<vmem>>
        %dma_start3A_258 = tpu.memref_squeeze %dma_start3A_257 : memref<1x128xi32, #tpu.memory_space<vmem>> -> memref<128xi32, #tpu.memory_space<vmem>>
        %dma_start3A_259 = arith.constant 0 : i32
        %dma_start3A_260 = arith.constant 0 : i32
        %dma_start3A_261 = tpu.memref_slice %arg10[%dma_start3A_259, %dma_start3A_260] : memref<10112x128xf32, #tpu.memory_space<vmem_shared>> -> memref<10112x128xf32, #tpu.memory_space<vmem_shared>>
        tpu.enqueue_indirect_dma source(%dma_start3A_255 : memref<128x128xf32, #tpu.memory_space<vmem>>) target(%dma_start3A_261 : memref<10112x128xf32, #tpu.memory_space<vmem_shared>>) offsets(%dma_start3A_258 : memref<128xi32, #tpu.memory_space<vmem>>) semaphore(%run_scoped3A_251 : memref<!tpu.dma_semaphore, #tpu.memory_space<semaphore_mem>>) {add = true}
        %dma_wait3A_262 = arith.constant 0 : i32
        %dma_wait3A_263 = arith.constant 0 : i32
        %dma_wait3A_264 = tpu.memref_slice %arg9[%run_scoped3A, %dma_wait3A_262, %dma_wait3A_263] : memref<2x128x128xf32, #tpu.memory_space<vmem>> -> memref<1x128x128xf32, #tpu.memory_space<vmem>>
        %dma_wait3A_265 = tpu.memref_squeeze %dma_wait3A_264 : memref<1x128x128xf32, #tpu.memory_space<vmem>> -> memref<128x128xf32, #tpu.memory_space<vmem>>
        %dma_wait3A_266 = arith.constant 0 : i32
        %dma_wait3A_267 = tpu.memref_slice %arg8[%add3A_133, %dma_wait3A_266] : memref<80x128xi32, #tpu.memory_space<vmem>> -> memref<1x128xi32, #tpu.memory_space<vmem>>
        %dma_wait3A_268 = tpu.memref_squeeze %dma_wait3A_267 : memref<1x128xi32, #tpu.memory_space<vmem>> -> memref<128xi32, #tpu.memory_space<vmem>>
        %dma_wait3A_269 = arith.constant 0 : i32
        %dma_wait3A_270 = arith.constant 0 : i32
        %dma_wait3A_271 = tpu.memref_slice %arg10[%dma_wait3A_269, %dma_wait3A_270] : memref<10112x128xf32, #tpu.memory_space<vmem_shared>> -> memref<10112x128xf32, #tpu.memory_space<vmem_shared>>
        tpu.wait_indirect_dma semaphore(%run_scoped3A_251 : memref<!tpu.dma_semaphore, #tpu.memory_space<semaphore_mem>>) src(%dma_wait3A_265 : memref<128x128xf32, #tpu.memory_space<vmem>>) dst(%dma_wait3A_271 : memref<10112x128xf32, #tpu.memory_space<vmem_shared>>)
        tpu.yield
      }) : () -> ()
      %add3A_146 = arith.constant 4 : i32
      %add3A_147 = arith.addi %add3A_133, %add3A_146 : i32
      %lt3A = arith.constant 80 : i32
      %lt3A_148 = arith.cmpi slt, %add3A_147, %lt3A : i32
      %convert_element_type3A = arith.extui %lt3A_148 : i1 to i32
      %cond3A = arith.constant 0 : i32
      %cond3A_149 = arith.cmpi ne, %convert_element_type3A, %cond3A : i32
      scf.if %cond3A_149 {
        %add3A_251 = arith.addi %mul3A_4, %add3A_147 : i32
        %dma_start3A_252 = arith.constant 0 : i32
        %dma_start3A_253 = arith.constant 0 : i32
        %dma_start3A_254 = tpu.memref_slice %arg7[%dma_start3A_252, %dma_start3A_253] : memref<4x128xi32, #tpu.memory_space<vmem>> -> memref<1x128xi32, #tpu.memory_space<vmem>>
        %dma_start3A_255 = arith.constant 0 : i32
        %dma_start3A_256 = arith.constant 0 : i32
        %dma_start3A_257 = tpu.memref_slice %arg3[%add3A_251, %dma_start3A_255, %dma_start3A_256] : memref<2560x1x128xi32, #tpu.memory_space<hbm>> -> memref<1x1x128xi32, #tpu.memory_space<hbm>>
        %dma_start3A_258 = tpu.memref_squeeze %dma_start3A_257 : memref<1x1x128xi32, #tpu.memory_space<hbm>> -> memref<1x128xi32, #tpu.memory_space<hbm>>
        %dma_start3A_259 = arith.constant 0 : i32
        %dma_start3A_260 = arith.constant 0 : i32
        %dma_start3A_261 = tpu.memref_slice %arg7[%dma_start3A_259, %dma_start3A_260] : memref<4x128xi32, #tpu.memory_space<vmem>> -> memref<1x128xi32, #tpu.memory_space<vmem>>
        %dma_start3A_262 = arith.constant 0 : i32
        %dma_start3A_263 = arith.constant 0 : i32
        %dma_start3A_264 = tpu.memref_slice %arg3[%add3A_251, %dma_start3A_262, %dma_start3A_263] : memref<2560x1x128xi32, #tpu.memory_space<hbm>> -> memref<1x1x128xi32, #tpu.memory_space<hbm>>
        %dma_start3A_265 = tpu.memref_squeeze %dma_start3A_264 : memref<1x1x128xi32, #tpu.memory_space<hbm>> -> memref<1x128xi32, #tpu.memory_space<hbm>>
        tpu.enqueue_dma source(%dma_start3A_265 : memref<1x128xi32, #tpu.memory_space<hbm>>) target(%dma_start3A_261 : memref<1x128xi32, #tpu.memory_space<vmem>>) target_semaphore(%arg13 : memref<!tpu.dma_semaphore, #tpu.memory_space<semaphore_mem>>)
      } else {
      }
      %add3A_150 = arith.constant 2 : i32
      %add3A_151 = arith.addi %add3A_133, %add3A_150 : i32
      %lt3A_152 = arith.constant 80 : i32
      %lt3A_153 = arith.cmpi slt, %add3A_151, %lt3A_152 : i32
      %convert_element_type3A_154 = arith.extui %lt3A_153 : i1 to i32
      %cond3A_155 = arith.constant 0 : i32
      %cond3A_156 = arith.cmpi ne, %convert_element_type3A_154, %cond3A_155 : i32
      scf.if %cond3A_156 {
        %dma_wait3A_251 = arith.constant 0 : i32
        %dma_wait3A_252 = arith.constant 2 : i32
        %dma_wait3A_253 = arith.constant 0 : i32
        %dma_wait3A_254 = tpu.memref_slice %arg7[%dma_wait3A_252, %dma_wait3A_253] : memref<4x128xi32, #tpu.memory_space<vmem>> -> memref<1x128xi32, #tpu.memory_space<vmem>>
        %dma_wait3A_255 = arith.constant 0 : i32
        %dma_wait3A_256 = arith.constant 0 : i32
        %dma_wait3A_257 = tpu.memref_slice %arg3[%dma_wait3A_251, %dma_wait3A_255, %dma_wait3A_256] : memref<2560x1x128xi32, #tpu.memory_space<hbm>> -> memref<1x1x128xi32, #tpu.memory_space<hbm>>
        %dma_wait3A_258 = tpu.memref_squeeze %dma_wait3A_257 : memref<1x1x128xi32, #tpu.memory_space<hbm>> -> memref<1x128xi32, #tpu.memory_space<hbm>>
        %dma_wait3A_259 = arith.constant 2 : i32
        %dma_wait3A_260 = arith.constant 0 : i32
        %dma_wait3A_261 = tpu.memref_slice %arg7[%dma_wait3A_259, %dma_wait3A_260] : memref<4x128xi32, #tpu.memory_space<vmem>> -> memref<1x128xi32, #tpu.memory_space<vmem>>
        %dma_wait3A_262 = arith.constant 0 : i32
        %dma_wait3A_263 = arith.constant 0 : i32
        %dma_wait3A_264 = tpu.memref_slice %arg3[%dma_wait3A_251, %dma_wait3A_262, %dma_wait3A_263] : memref<2560x1x128xi32, #tpu.memory_space<hbm>> -> memref<1x1x128xi32, #tpu.memory_space<hbm>>
        %dma_wait3A_265 = tpu.memref_squeeze %dma_wait3A_264 : memref<1x1x128xi32, #tpu.memory_space<hbm>> -> memref<1x128xi32, #tpu.memory_space<hbm>>
        tpu.wait_dma2 semaphore(%arg15 : memref<!tpu.dma_semaphore, #tpu.memory_space<semaphore_mem>>) src(%dma_wait3A_265 : memref<1x128xi32, #tpu.memory_space<hbm>>) dst(%dma_wait3A_261 : memref<1x128xi32, #tpu.memory_space<vmem>>)
        %dma_start3A_266 = arith.constant 2 : i32
        %dma_start3A_267 = arith.constant 0 : i32
        %dma_start3A_268 = arith.constant 0 : i32
        %dma_start3A_269 = arith.constant 0 : i32
        %dma_start3A_270 = tpu.memref_slice %arg9[%dma_start3A_267, %dma_start3A_268, %dma_start3A_269] : memref<2x128x128xf32, #tpu.memory_space<vmem>> -> memref<1x128x128xf32, #tpu.memory_space<vmem>>
        %dma_start3A_271 = tpu.memref_squeeze %dma_start3A_270 : memref<1x128x128xf32, #tpu.memory_space<vmem>> -> memref<128x128xf32, #tpu.memory_space<vmem>>
        %dma_start3A_272 = arith.constant 0 : i32
        %dma_start3A_273 = tpu.memref_slice %arg7[%dma_start3A_266, %dma_start3A_272] : memref<4x128xi32, #tpu.memory_space<vmem>> -> memref<1x128xi32, #tpu.memory_space<vmem>>
        %dma_start3A_274 = tpu.memref_squeeze %dma_start3A_273 : memref<1x128xi32, #tpu.memory_space<vmem>> -> memref<128xi32, #tpu.memory_space<vmem>>
        %dma_start3A_275 = arith.constant 0 : i32
        %dma_start3A_276 = arith.constant 0 : i32
        %dma_start3A_277 = tpu.memref_slice %arg2[%dma_start3A_275, %dma_start3A_276] : memref<10000x128xf32, #tpu.memory_space<hbm>> -> memref<10000x128xf32, #tpu.memory_space<hbm>>
        tpu.enqueue_indirect_dma source(%dma_start3A_277 : memref<10000x128xf32, #tpu.memory_space<hbm>>) target(%dma_start3A_271 : memref<128x128xf32, #tpu.memory_space<vmem>>) offsets(%dma_start3A_274 : memref<128xi32, #tpu.memory_space<vmem>>) semaphore(%arg11 : memref<!tpu.dma_semaphore, #tpu.memory_space<semaphore_mem>>)
      } else {
      }
      %mul3A_157 = arith.constant 4 : i32
      %mul3A_158 = arith.muli %scan3A_128, %mul3A_157 : i32
      %add3A_159 = arith.constant 1 : i32
      %add3A_160 = arith.addi %mul3A_158, %add3A_159 : i32
      %dma_wait3A_161 = arith.constant 0 : i32
      %dma_wait3A_162 = arith.constant 1 : i32
      %dma_wait3A_163 = arith.constant 0 : i32
      %dma_wait3A_164 = arith.constant 0 : i32
      %dma_wait3A_165 = tpu.memref_slice %arg9[%dma_wait3A_162, %dma_wait3A_163, %dma_wait3A_164] : memref<2x128x128xf32, #tpu.memory_space<vmem>> -> memref<1x128x128xf32, #tpu.memory_space<vmem>>
      %dma_wait3A_166 = tpu.memref_squeeze %dma_wait3A_165 : memref<1x128x128xf32, #tpu.memory_space<vmem>> -> memref<128x128xf32, #tpu.memory_space<vmem>>
      %dma_wait3A_167 = arith.constant 0 : i32
      %dma_wait3A_168 = tpu.memref_slice %arg7[%dma_wait3A_161, %dma_wait3A_167] : memref<4x128xi32, #tpu.memory_space<vmem>> -> memref<1x128xi32, #tpu.memory_space<vmem>>
      %dma_wait3A_169 = tpu.memref_squeeze %dma_wait3A_168 : memref<1x128xi32, #tpu.memory_space<vmem>> -> memref<128xi32, #tpu.memory_space<vmem>>
      %dma_wait3A_170 = arith.constant 0 : i32
      %dma_wait3A_171 = arith.constant 0 : i32
      %dma_wait3A_172 = tpu.memref_slice %arg2[%dma_wait3A_170, %dma_wait3A_171] : memref<10000x128xf32, #tpu.memory_space<hbm>> -> memref<10000x128xf32, #tpu.memory_space<hbm>>
      tpu.wait_indirect_dma semaphore(%arg12 : memref<!tpu.dma_semaphore, #tpu.memory_space<semaphore_mem>>) src(%dma_wait3A_172 : memref<10000x128xf32, #tpu.memory_space<hbm>>) dst(%dma_wait3A_166 : memref<128x128xf32, #tpu.memory_space<vmem>>)
      %run_scoped3A_173 = arith.constant 1 : i32
      "tpu.region"() ({
        %run_scoped3A_251 = tpu.sem_alloc : memref<!tpu.dma_semaphore, #tpu.memory_space<semaphore_mem>>
        %dma_start3A_252 = arith.constant 0 : i32
        %dma_start3A_253 = arith.constant 0 : i32
        %dma_start3A_254 = tpu.memref_slice %arg9[%run_scoped3A_173, %dma_start3A_252, %dma_start3A_253] : memref<2x128x128xf32, #tpu.memory_space<vmem>> -> memref<1x128x128xf32, #tpu.memory_space<vmem>>
        %dma_start3A_255 = tpu.memref_squeeze %dma_start3A_254 : memref<1x128x128xf32, #tpu.memory_space<vmem>> -> memref<128x128xf32, #tpu.memory_space<vmem>>
        %dma_start3A_256 = arith.constant 0 : i32
        %dma_start3A_257 = tpu.memref_slice %arg8[%add3A_160, %dma_start3A_256] : memref<80x128xi32, #tpu.memory_space<vmem>> -> memref<1x128xi32, #tpu.memory_space<vmem>>
        %dma_start3A_258 = tpu.memref_squeeze %dma_start3A_257 : memref<1x128xi32, #tpu.memory_space<vmem>> -> memref<128xi32, #tpu.memory_space<vmem>>
        %dma_start3A_259 = arith.constant 0 : i32
        %dma_start3A_260 = arith.constant 0 : i32
        %dma_start3A_261 = tpu.memref_slice %arg10[%dma_start3A_259, %dma_start3A_260] : memref<10112x128xf32, #tpu.memory_space<vmem_shared>> -> memref<10112x128xf32, #tpu.memory_space<vmem_shared>>
        tpu.enqueue_indirect_dma source(%dma_start3A_255 : memref<128x128xf32, #tpu.memory_space<vmem>>) target(%dma_start3A_261 : memref<10112x128xf32, #tpu.memory_space<vmem_shared>>) offsets(%dma_start3A_258 : memref<128xi32, #tpu.memory_space<vmem>>) semaphore(%run_scoped3A_251 : memref<!tpu.dma_semaphore, #tpu.memory_space<semaphore_mem>>) {add = true}
        %dma_wait3A_262 = arith.constant 0 : i32
        %dma_wait3A_263 = arith.constant 0 : i32
        %dma_wait3A_264 = tpu.memref_slice %arg9[%run_scoped3A_173, %dma_wait3A_262, %dma_wait3A_263] : memref<2x128x128xf32, #tpu.memory_space<vmem>> -> memref<1x128x128xf32, #tpu.memory_space<vmem>>
        %dma_wait3A_265 = tpu.memref_squeeze %dma_wait3A_264 : memref<1x128x128xf32, #tpu.memory_space<vmem>> -> memref<128x128xf32, #tpu.memory_space<vmem>>
        %dma_wait3A_266 = arith.constant 0 : i32
        %dma_wait3A_267 = tpu.memref_slice %arg8[%add3A_160, %dma_wait3A_266] : memref<80x128xi32, #tpu.memory_space<vmem>> -> memref<1x128xi32, #tpu.memory_space<vmem>>
        %dma_wait3A_268 = tpu.memref_squeeze %dma_wait3A_267 : memref<1x128xi32, #tpu.memory_space<vmem>> -> memref<128xi32, #tpu.memory_space<vmem>>
        %dma_wait3A_269 = arith.constant 0 : i32
        %dma_wait3A_270 = arith.constant 0 : i32
        %dma_wait3A_271 = tpu.memref_slice %arg10[%dma_wait3A_269, %dma_wait3A_270] : memref<10112x128xf32, #tpu.memory_space<vmem_shared>> -> memref<10112x128xf32, #tpu.memory_space<vmem_shared>>
        tpu.wait_indirect_dma semaphore(%run_scoped3A_251 : memref<!tpu.dma_semaphore, #tpu.memory_space<semaphore_mem>>) src(%dma_wait3A_265 : memref<128x128xf32, #tpu.memory_space<vmem>>) dst(%dma_wait3A_271 : memref<10112x128xf32, #tpu.memory_space<vmem_shared>>)
        tpu.yield
      }) : () -> ()
      %add3A_174 = arith.constant 4 : i32
      %add3A_175 = arith.addi %add3A_160, %add3A_174 : i32
      %lt3A_176 = arith.constant 80 : i32
      %lt3A_177 = arith.cmpi slt, %add3A_175, %lt3A_176 : i32
      %convert_element_type3A_178 = arith.extui %lt3A_177 : i1 to i32
      %cond3A_179 = arith.constant 0 : i32
      %cond3A_180 = arith.cmpi ne, %convert_element_type3A_178, %cond3A_179 : i32
      scf.if %cond3A_180 {
        %add3A_251 = arith.addi %mul3A_4, %add3A_175 : i32
        %dma_start3A_252 = arith.constant 1 : i32
        %dma_start3A_253 = arith.constant 0 : i32
        %dma_start3A_254 = tpu.memref_slice %arg7[%dma_start3A_252, %dma_start3A_253] : memref<4x128xi32, #tpu.memory_space<vmem>> -> memref<1x128xi32, #tpu.memory_space<vmem>>
        %dma_start3A_255 = arith.constant 0 : i32
        %dma_start3A_256 = arith.constant 0 : i32
        %dma_start3A_257 = tpu.memref_slice %arg3[%add3A_251, %dma_start3A_255, %dma_start3A_256] : memref<2560x1x128xi32, #tpu.memory_space<hbm>> -> memref<1x1x128xi32, #tpu.memory_space<hbm>>
        %dma_start3A_258 = tpu.memref_squeeze %dma_start3A_257 : memref<1x1x128xi32, #tpu.memory_space<hbm>> -> memref<1x128xi32, #tpu.memory_space<hbm>>
        %dma_start3A_259 = arith.constant 1 : i32
        %dma_start3A_260 = arith.constant 0 : i32
        %dma_start3A_261 = tpu.memref_slice %arg7[%dma_start3A_259, %dma_start3A_260] : memref<4x128xi32, #tpu.memory_space<vmem>> -> memref<1x128xi32, #tpu.memory_space<vmem>>
        %dma_start3A_262 = arith.constant 0 : i32
        %dma_start3A_263 = arith.constant 0 : i32
        %dma_start3A_264 = tpu.memref_slice %arg3[%add3A_251, %dma_start3A_262, %dma_start3A_263] : memref<2560x1x128xi32, #tpu.memory_space<hbm>> -> memref<1x1x128xi32, #tpu.memory_space<hbm>>
        %dma_start3A_265 = tpu.memref_squeeze %dma_start3A_264 : memref<1x1x128xi32, #tpu.memory_space<hbm>> -> memref<1x128xi32, #tpu.memory_space<hbm>>
        tpu.enqueue_dma source(%dma_start3A_265 : memref<1x128xi32, #tpu.memory_space<hbm>>) target(%dma_start3A_261 : memref<1x128xi32, #tpu.memory_space<vmem>>) target_semaphore(%arg14 : memref<!tpu.dma_semaphore, #tpu.memory_space<semaphore_mem>>)
      } else {
      }
      %add3A_181 = arith.constant 2 : i32
      %add3A_182 = arith.addi %add3A_160, %add3A_181 : i32
      %lt3A_183 = arith.constant 80 : i32
      %lt3A_184 = arith.cmpi slt, %add3A_182, %lt3A_183 : i32
      %convert_element_type3A_185 = arith.extui %lt3A_184 : i1 to i32
      %cond3A_186 = arith.constant 0 : i32
      %cond3A_187 = arith.cmpi ne, %convert_element_type3A_185, %cond3A_186 : i32
      scf.if %cond3A_187 {
        %dma_wait3A_251 = arith.constant 0 : i32
        %dma_wait3A_252 = arith.constant 3 : i32
        %dma_wait3A_253 = arith.constant 0 : i32
        %dma_wait3A_254 = tpu.memref_slice %arg7[%dma_wait3A_252, %dma_wait3A_253] : memref<4x128xi32, #tpu.memory_space<vmem>> -> memref<1x128xi32, #tpu.memory_space<vmem>>
        %dma_wait3A_255 = arith.constant 0 : i32
        %dma_wait3A_256 = arith.constant 0 : i32
        %dma_wait3A_257 = tpu.memref_slice %arg3[%dma_wait3A_251, %dma_wait3A_255, %dma_wait3A_256] : memref<2560x1x128xi32, #tpu.memory_space<hbm>> -> memref<1x1x128xi32, #tpu.memory_space<hbm>>
        %dma_wait3A_258 = tpu.memref_squeeze %dma_wait3A_257 : memref<1x1x128xi32, #tpu.memory_space<hbm>> -> memref<1x128xi32, #tpu.memory_space<hbm>>
        %dma_wait3A_259 = arith.constant 3 : i32
        %dma_wait3A_260 = arith.constant 0 : i32
        %dma_wait3A_261 = tpu.memref_slice %arg7[%dma_wait3A_259, %dma_wait3A_260] : memref<4x128xi32, #tpu.memory_space<vmem>> -> memref<1x128xi32, #tpu.memory_space<vmem>>
        %dma_wait3A_262 = arith.constant 0 : i32
        %dma_wait3A_263 = arith.constant 0 : i32
        %dma_wait3A_264 = tpu.memref_slice %arg3[%dma_wait3A_251, %dma_wait3A_262, %dma_wait3A_263] : memref<2560x1x128xi32, #tpu.memory_space<hbm>> -> memref<1x1x128xi32, #tpu.memory_space<hbm>>
        %dma_wait3A_265 = tpu.memref_squeeze %dma_wait3A_264 : memref<1x1x128xi32, #tpu.memory_space<hbm>> -> memref<1x128xi32, #tpu.memory_space<hbm>>
        tpu.wait_dma2 semaphore(%arg16 : memref<!tpu.dma_semaphore, #tpu.memory_space<semaphore_mem>>) src(%dma_wait3A_265 : memref<1x128xi32, #tpu.memory_space<hbm>>) dst(%dma_wait3A_261 : memref<1x128xi32, #tpu.memory_space<vmem>>)
        %dma_start3A_266 = arith.constant 3 : i32
        %dma_start3A_267 = arith.constant 1 : i32
        %dma_start3A_268 = arith.constant 0 : i32
        %dma_start3A_269 = arith.constant 0 : i32
        %dma_start3A_270 = tpu.memref_slice %arg9[%dma_start3A_267, %dma_start3A_268, %dma_start3A_269] : memref<2x128x128xf32, #tpu.memory_space<vmem>> -> memref<1x128x128xf32, #tpu.memory_space<vmem>>
        %dma_start3A_271 = tpu.memref_squeeze %dma_start3A_270 : memref<1x128x128xf32, #tpu.memory_space<vmem>> -> memref<128x128xf32, #tpu.memory_space<vmem>>
        %dma_start3A_272 = arith.constant 0 : i32
        %dma_start3A_273 = tpu.memref_slice %arg7[%dma_start3A_266, %dma_start3A_272] : memref<4x128xi32, #tpu.memory_space<vmem>> -> memref<1x128xi32, #tpu.memory_space<vmem>>
        %dma_start3A_274 = tpu.memref_squeeze %dma_start3A_273 : memref<1x128xi32, #tpu.memory_space<vmem>> -> memref<128xi32, #tpu.memory_space<vmem>>
        %dma_start3A_275 = arith.constant 0 : i32
        %dma_start3A_276 = arith.constant 0 : i32
        %dma_start3A_277 = tpu.memref_slice %arg2[%dma_start3A_275, %dma_start3A_276] : memref<10000x128xf32, #tpu.memory_space<hbm>> -> memref<10000x128xf32, #tpu.memory_space<hbm>>
        tpu.enqueue_indirect_dma source(%dma_start3A_277 : memref<10000x128xf32, #tpu.memory_space<hbm>>) target(%dma_start3A_271 : memref<128x128xf32, #tpu.memory_space<vmem>>) offsets(%dma_start3A_274 : memref<128xi32, #tpu.memory_space<vmem>>) semaphore(%arg12 : memref<!tpu.dma_semaphore, #tpu.memory_space<semaphore_mem>>)
      } else {
      }
      %mul3A_188 = arith.constant 4 : i32
      %mul3A_189 = arith.muli %scan3A_128, %mul3A_188 : i32
      %add3A_190 = arith.constant 2 : i32
      %add3A_191 = arith.addi %mul3A_189, %add3A_190 : i32
      %dma_wait3A_192 = arith.constant 0 : i32
      %dma_wait3A_193 = arith.constant 0 : i32
      %dma_wait3A_194 = arith.constant 0 : i32
      %dma_wait3A_195 = arith.constant 0 : i32
      %dma_wait3A_196 = tpu.memref_slice %arg9[%dma_wait3A_193, %dma_wait3A_194, %dma_wait3A_195] : memref<2x128x128xf32, #tpu.memory_space<vmem>> -> memref<1x128x128xf32, #tpu.memory_space<vmem>>
      %dma_wait3A_197 = tpu.memref_squeeze %dma_wait3A_196 : memref<1x128x128xf32, #tpu.memory_space<vmem>> -> memref<128x128xf32, #tpu.memory_space<vmem>>
      %dma_wait3A_198 = arith.constant 0 : i32
      %dma_wait3A_199 = tpu.memref_slice %arg7[%dma_wait3A_192, %dma_wait3A_198] : memref<4x128xi32, #tpu.memory_space<vmem>> -> memref<1x128xi32, #tpu.memory_space<vmem>>
      %dma_wait3A_200 = tpu.memref_squeeze %dma_wait3A_199 : memref<1x128xi32, #tpu.memory_space<vmem>> -> memref<128xi32, #tpu.memory_space<vmem>>
      %dma_wait3A_201 = arith.constant 0 : i32
      %dma_wait3A_202 = arith.constant 0 : i32
      %dma_wait3A_203 = tpu.memref_slice %arg2[%dma_wait3A_201, %dma_wait3A_202] : memref<10000x128xf32, #tpu.memory_space<hbm>> -> memref<10000x128xf32, #tpu.memory_space<hbm>>
      tpu.wait_indirect_dma semaphore(%arg11 : memref<!tpu.dma_semaphore, #tpu.memory_space<semaphore_mem>>) src(%dma_wait3A_203 : memref<10000x128xf32, #tpu.memory_space<hbm>>) dst(%dma_wait3A_197 : memref<128x128xf32, #tpu.memory_space<vmem>>)
      %run_scoped3A_204 = arith.constant 0 : i32
      "tpu.region"() ({
        %run_scoped3A_251 = tpu.sem_alloc : memref<!tpu.dma_semaphore, #tpu.memory_space<semaphore_mem>>
        %dma_start3A_252 = arith.constant 0 : i32
        %dma_start3A_253 = arith.constant 0 : i32
        %dma_start3A_254 = tpu.memref_slice %arg9[%run_scoped3A_204, %dma_start3A_252, %dma_start3A_253] : memref<2x128x128xf32, #tpu.memory_space<vmem>> -> memref<1x128x128xf32, #tpu.memory_space<vmem>>
        %dma_start3A_255 = tpu.memref_squeeze %dma_start3A_254 : memref<1x128x128xf32, #tpu.memory_space<vmem>> -> memref<128x128xf32, #tpu.memory_space<vmem>>
        %dma_start3A_256 = arith.constant 0 : i32
        %dma_start3A_257 = tpu.memref_slice %arg8[%add3A_191, %dma_start3A_256] : memref<80x128xi32, #tpu.memory_space<vmem>> -> memref<1x128xi32, #tpu.memory_space<vmem>>
        %dma_start3A_258 = tpu.memref_squeeze %dma_start3A_257 : memref<1x128xi32, #tpu.memory_space<vmem>> -> memref<128xi32, #tpu.memory_space<vmem>>
        %dma_start3A_259 = arith.constant 0 : i32
        %dma_start3A_260 = arith.constant 0 : i32
        %dma_start3A_261 = tpu.memref_slice %arg10[%dma_start3A_259, %dma_start3A_260] : memref<10112x128xf32, #tpu.memory_space<vmem_shared>> -> memref<10112x128xf32, #tpu.memory_space<vmem_shared>>
        tpu.enqueue_indirect_dma source(%dma_start3A_255 : memref<128x128xf32, #tpu.memory_space<vmem>>) target(%dma_start3A_261 : memref<10112x128xf32, #tpu.memory_space<vmem_shared>>) offsets(%dma_start3A_258 : memref<128xi32, #tpu.memory_space<vmem>>) semaphore(%run_scoped3A_251 : memref<!tpu.dma_semaphore, #tpu.memory_space<semaphore_mem>>) {add = true}
        %dma_wait3A_262 = arith.constant 0 : i32
        %dma_wait3A_263 = arith.constant 0 : i32
        %dma_wait3A_264 = tpu.memref_slice %arg9[%run_scoped3A_204, %dma_wait3A_262, %dma_wait3A_263] : memref<2x128x128xf32, #tpu.memory_space<vmem>> -> memref<1x128x128xf32, #tpu.memory_space<vmem>>
        %dma_wait3A_265 = tpu.memref_squeeze %dma_wait3A_264 : memref<1x128x128xf32, #tpu.memory_space<vmem>> -> memref<128x128xf32, #tpu.memory_space<vmem>>
        %dma_wait3A_266 = arith.constant 0 : i32
        %dma_wait3A_267 = tpu.memref_slice %arg8[%add3A_191, %dma_wait3A_266] : memref<80x128xi32, #tpu.memory_space<vmem>> -> memref<1x128xi32, #tpu.memory_space<vmem>>
        %dma_wait3A_268 = tpu.memref_squeeze %dma_wait3A_267 : memref<1x128xi32, #tpu.memory_space<vmem>> -> memref<128xi32, #tpu.memory_space<vmem>>
        %dma_wait3A_269 = arith.constant 0 : i32
        %dma_wait3A_270 = arith.constant 0 : i32
        %dma_wait3A_271 = tpu.memref_slice %arg10[%dma_wait3A_269, %dma_wait3A_270] : memref<10112x128xf32, #tpu.memory_space<vmem_shared>> -> memref<10112x128xf32, #tpu.memory_space<vmem_shared>>
        tpu.wait_indirect_dma semaphore(%run_scoped3A_251 : memref<!tpu.dma_semaphore, #tpu.memory_space<semaphore_mem>>) src(%dma_wait3A_265 : memref<128x128xf32, #tpu.memory_space<vmem>>) dst(%dma_wait3A_271 : memref<10112x128xf32, #tpu.memory_space<vmem_shared>>)
        tpu.yield
      }) : () -> ()
      %add3A_205 = arith.constant 4 : i32
      %add3A_206 = arith.addi %add3A_191, %add3A_205 : i32
      %lt3A_207 = arith.constant 80 : i32
      %lt3A_208 = arith.cmpi slt, %add3A_206, %lt3A_207 : i32
      %convert_element_type3A_209 = arith.extui %lt3A_208 : i1 to i32
      %cond3A_210 = arith.constant 0 : i32
      %cond3A_211 = arith.cmpi ne, %convert_element_type3A_209, %cond3A_210 : i32
      scf.if %cond3A_211 {
        %add3A_251 = arith.addi %mul3A_4, %add3A_206 : i32
        %dma_start3A_252 = arith.constant 2 : i32
        %dma_start3A_253 = arith.constant 0 : i32
        %dma_start3A_254 = tpu.memref_slice %arg7[%dma_start3A_252, %dma_start3A_253] : memref<4x128xi32, #tpu.memory_space<vmem>> -> memref<1x128xi32, #tpu.memory_space<vmem>>
        %dma_start3A_255 = arith.constant 0 : i32
        %dma_start3A_256 = arith.constant 0 : i32
        %dma_start3A_257 = tpu.memref_slice %arg3[%add3A_251, %dma_start3A_255, %dma_start3A_256] : memref<2560x1x128xi32, #tpu.memory_space<hbm>> -> memref<1x1x128xi32, #tpu.memory_space<hbm>>
        %dma_start3A_258 = tpu.memref_squeeze %dma_start3A_257 : memref<1x1x128xi32, #tpu.memory_space<hbm>> -> memref<1x128xi32, #tpu.memory_space<hbm>>
        %dma_start3A_259 = arith.constant 2 : i32
        %dma_start3A_260 = arith.constant 0 : i32
        %dma_start3A_261 = tpu.memref_slice %arg7[%dma_start3A_259, %dma_start3A_260] : memref<4x128xi32, #tpu.memory_space<vmem>> -> memref<1x128xi32, #tpu.memory_space<vmem>>
        %dma_start3A_262 = arith.constant 0 : i32
        %dma_start3A_263 = arith.constant 0 : i32
        %dma_start3A_264 = tpu.memref_slice %arg3[%add3A_251, %dma_start3A_262, %dma_start3A_263] : memref<2560x1x128xi32, #tpu.memory_space<hbm>> -> memref<1x1x128xi32, #tpu.memory_space<hbm>>
        %dma_start3A_265 = tpu.memref_squeeze %dma_start3A_264 : memref<1x1x128xi32, #tpu.memory_space<hbm>> -> memref<1x128xi32, #tpu.memory_space<hbm>>
        tpu.enqueue_dma source(%dma_start3A_265 : memref<1x128xi32, #tpu.memory_space<hbm>>) target(%dma_start3A_261 : memref<1x128xi32, #tpu.memory_space<vmem>>) target_semaphore(%arg15 : memref<!tpu.dma_semaphore, #tpu.memory_space<semaphore_mem>>)
      } else {
      }
      %add3A_212 = arith.constant 2 : i32
      %add3A_213 = arith.addi %add3A_191, %add3A_212 : i32
      %lt3A_214 = arith.constant 80 : i32
      %lt3A_215 = arith.cmpi slt, %add3A_213, %lt3A_214 : i32
      %convert_element_type3A_216 = arith.extui %lt3A_215 : i1 to i32
      %cond3A_217 = arith.constant 0 : i32
      %cond3A_218 = arith.cmpi ne, %convert_element_type3A_216, %cond3A_217 : i32
      scf.if %cond3A_218 {
        %dma_wait3A_251 = arith.constant 0 : i32
        %dma_wait3A_252 = arith.constant 0 : i32
        %dma_wait3A_253 = arith.constant 0 : i32
        %dma_wait3A_254 = tpu.memref_slice %arg7[%dma_wait3A_252, %dma_wait3A_253] : memref<4x128xi32, #tpu.memory_space<vmem>> -> memref<1x128xi32, #tpu.memory_space<vmem>>
        %dma_wait3A_255 = arith.constant 0 : i32
        %dma_wait3A_256 = arith.constant 0 : i32
        %dma_wait3A_257 = tpu.memref_slice %arg3[%dma_wait3A_251, %dma_wait3A_255, %dma_wait3A_256] : memref<2560x1x128xi32, #tpu.memory_space<hbm>> -> memref<1x1x128xi32, #tpu.memory_space<hbm>>
        %dma_wait3A_258 = tpu.memref_squeeze %dma_wait3A_257 : memref<1x1x128xi32, #tpu.memory_space<hbm>> -> memref<1x128xi32, #tpu.memory_space<hbm>>
        %dma_wait3A_259 = arith.constant 0 : i32
        %dma_wait3A_260 = arith.constant 0 : i32
        %dma_wait3A_261 = tpu.memref_slice %arg7[%dma_wait3A_259, %dma_wait3A_260] : memref<4x128xi32, #tpu.memory_space<vmem>> -> memref<1x128xi32, #tpu.memory_space<vmem>>
        %dma_wait3A_262 = arith.constant 0 : i32
        %dma_wait3A_263 = arith.constant 0 : i32
        %dma_wait3A_264 = tpu.memref_slice %arg3[%dma_wait3A_251, %dma_wait3A_262, %dma_wait3A_263] : memref<2560x1x128xi32, #tpu.memory_space<hbm>> -> memref<1x1x128xi32, #tpu.memory_space<hbm>>
        %dma_wait3A_265 = tpu.memref_squeeze %dma_wait3A_264 : memref<1x1x128xi32, #tpu.memory_space<hbm>> -> memref<1x128xi32, #tpu.memory_space<hbm>>
        tpu.wait_dma2 semaphore(%arg13 : memref<!tpu.dma_semaphore, #tpu.memory_space<semaphore_mem>>) src(%dma_wait3A_265 : memref<1x128xi32, #tpu.memory_space<hbm>>) dst(%dma_wait3A_261 : memref<1x128xi32, #tpu.memory_space<vmem>>)
        %dma_start3A_266 = arith.constant 0 : i32
        %dma_start3A_267 = arith.constant 0 : i32
        %dma_start3A_268 = arith.constant 0 : i32
        %dma_start3A_269 = arith.constant 0 : i32
        %dma_start3A_270 = tpu.memref_slice %arg9[%dma_start3A_267, %dma_start3A_268, %dma_start3A_269] : memref<2x128x128xf32, #tpu.memory_space<vmem>> -> memref<1x128x128xf32, #tpu.memory_space<vmem>>
        %dma_start3A_271 = tpu.memref_squeeze %dma_start3A_270 : memref<1x128x128xf32, #tpu.memory_space<vmem>> -> memref<128x128xf32, #tpu.memory_space<vmem>>
        %dma_start3A_272 = arith.constant 0 : i32
        %dma_start3A_273 = tpu.memref_slice %arg7[%dma_start3A_266, %dma_start3A_272] : memref<4x128xi32, #tpu.memory_space<vmem>> -> memref<1x128xi32, #tpu.memory_space<vmem>>
        %dma_start3A_274 = tpu.memref_squeeze %dma_start3A_273 : memref<1x128xi32, #tpu.memory_space<vmem>> -> memref<128xi32, #tpu.memory_space<vmem>>
        %dma_start3A_275 = arith.constant 0 : i32
        %dma_start3A_276 = arith.constant 0 : i32
        %dma_start3A_277 = tpu.memref_slice %arg2[%dma_start3A_275, %dma_start3A_276] : memref<10000x128xf32, #tpu.memory_space<hbm>> -> memref<10000x128xf32, #tpu.memory_space<hbm>>
        tpu.enqueue_indirect_dma source(%dma_start3A_277 : memref<10000x128xf32, #tpu.memory_space<hbm>>) target(%dma_start3A_271 : memref<128x128xf32, #tpu.memory_space<vmem>>) offsets(%dma_start3A_274 : memref<128xi32, #tpu.memory_space<vmem>>) semaphore(%arg11 : memref<!tpu.dma_semaphore, #tpu.memory_space<semaphore_mem>>)
      } else {
      }
      %mul3A_219 = arith.constant 4 : i32
      %mul3A_220 = arith.muli %scan3A_128, %mul3A_219 : i32
      %add3A_221 = arith.constant 3 : i32
      %add3A_222 = arith.addi %mul3A_220, %add3A_221 : i32
      %dma_wait3A_223 = arith.constant 0 : i32
      %dma_wait3A_224 = arith.constant 1 : i32
      %dma_wait3A_225 = arith.constant 0 : i32
      %dma_wait3A_226 = arith.constant 0 : i32
      %dma_wait3A_227 = tpu.memref_slice %arg9[%dma_wait3A_224, %dma_wait3A_225, %dma_wait3A_226] : memref<2x128x128xf32, #tpu.memory_space<vmem>> -> memref<1x128x128xf32, #tpu.memory_space<vmem>>
      %dma_wait3A_228 = tpu.memref_squeeze %dma_wait3A_227 : memref<1x128x128xf32, #tpu.memory_space<vmem>> -> memref<128x128xf32, #tpu.memory_space<vmem>>
      %dma_wait3A_229 = arith.constant 0 : i32
      %dma_wait3A_230 = tpu.memref_slice %arg7[%dma_wait3A_223, %dma_wait3A_229] : memref<4x128xi32, #tpu.memory_space<vmem>> -> memref<1x128xi32, #tpu.memory_space<vmem>>
      %dma_wait3A_231 = tpu.memref_squeeze %dma_wait3A_230 : memref<1x128xi32, #tpu.memory_space<vmem>> -> memref<128xi32, #tpu.memory_space<vmem>>
      %dma_wait3A_232 = arith.constant 0 : i32
      %dma_wait3A_233 = arith.constant 0 : i32
      %dma_wait3A_234 = tpu.memref_slice %arg2[%dma_wait3A_232, %dma_wait3A_233] : memref<10000x128xf32, #tpu.memory_space<hbm>> -> memref<10000x128xf32, #tpu.memory_space<hbm>>
      tpu.wait_indirect_dma semaphore(%arg12 : memref<!tpu.dma_semaphore, #tpu.memory_space<semaphore_mem>>) src(%dma_wait3A_234 : memref<10000x128xf32, #tpu.memory_space<hbm>>) dst(%dma_wait3A_228 : memref<128x128xf32, #tpu.memory_space<vmem>>)
      %run_scoped3A_235 = arith.constant 1 : i32
      "tpu.region"() ({
        %run_scoped3A_251 = tpu.sem_alloc : memref<!tpu.dma_semaphore, #tpu.memory_space<semaphore_mem>>
        %dma_start3A_252 = arith.constant 0 : i32
        %dma_start3A_253 = arith.constant 0 : i32
        %dma_start3A_254 = tpu.memref_slice %arg9[%run_scoped3A_235, %dma_start3A_252, %dma_start3A_253] : memref<2x128x128xf32, #tpu.memory_space<vmem>> -> memref<1x128x128xf32, #tpu.memory_space<vmem>>
        %dma_start3A_255 = tpu.memref_squeeze %dma_start3A_254 : memref<1x128x128xf32, #tpu.memory_space<vmem>> -> memref<128x128xf32, #tpu.memory_space<vmem>>
        %dma_start3A_256 = arith.constant 0 : i32
        %dma_start3A_257 = tpu.memref_slice %arg8[%add3A_222, %dma_start3A_256] : memref<80x128xi32, #tpu.memory_space<vmem>> -> memref<1x128xi32, #tpu.memory_space<vmem>>
        %dma_start3A_258 = tpu.memref_squeeze %dma_start3A_257 : memref<1x128xi32, #tpu.memory_space<vmem>> -> memref<128xi32, #tpu.memory_space<vmem>>
        %dma_start3A_259 = arith.constant 0 : i32
        %dma_start3A_260 = arith.constant 0 : i32
        %dma_start3A_261 = tpu.memref_slice %arg10[%dma_start3A_259, %dma_start3A_260] : memref<10112x128xf32, #tpu.memory_space<vmem_shared>> -> memref<10112x128xf32, #tpu.memory_space<vmem_shared>>
        tpu.enqueue_indirect_dma source(%dma_start3A_255 : memref<128x128xf32, #tpu.memory_space<vmem>>) target(%dma_start3A_261 : memref<10112x128xf32, #tpu.memory_space<vmem_shared>>) offsets(%dma_start3A_258 : memref<128xi32, #tpu.memory_space<vmem>>) semaphore(%run_scoped3A_251 : memref<!tpu.dma_semaphore, #tpu.memory_space<semaphore_mem>>) {add = true}
        %dma_wait3A_262 = arith.constant 0 : i32
        %dma_wait3A_263 = arith.constant 0 : i32
        %dma_wait3A_264 = tpu.memref_slice %arg9[%run_scoped3A_235, %dma_wait3A_262, %dma_wait3A_263] : memref<2x128x128xf32, #tpu.memory_space<vmem>> -> memref<1x128x128xf32, #tpu.memory_space<vmem>>
        %dma_wait3A_265 = tpu.memref_squeeze %dma_wait3A_264 : memref<1x128x128xf32, #tpu.memory_space<vmem>> -> memref<128x128xf32, #tpu.memory_space<vmem>>
        %dma_wait3A_266 = arith.constant 0 : i32
        %dma_wait3A_267 = tpu.memref_slice %arg8[%add3A_222, %dma_wait3A_266] : memref<80x128xi32, #tpu.memory_space<vmem>> -> memref<1x128xi32, #tpu.memory_space<vmem>>
        %dma_wait3A_268 = tpu.memref_squeeze %dma_wait3A_267 : memref<1x128xi32, #tpu.memory_space<vmem>> -> memref<128xi32, #tpu.memory_space<vmem>>
        %dma_wait3A_269 = arith.constant 0 : i32
        %dma_wait3A_270 = arith.constant 0 : i32
        %dma_wait3A_271 = tpu.memref_slice %arg10[%dma_wait3A_269, %dma_wait3A_270] : memref<10112x128xf32, #tpu.memory_space<vmem_shared>> -> memref<10112x128xf32, #tpu.memory_space<vmem_shared>>
        tpu.wait_indirect_dma semaphore(%run_scoped3A_251 : memref<!tpu.dma_semaphore, #tpu.memory_space<semaphore_mem>>) src(%dma_wait3A_265 : memref<128x128xf32, #tpu.memory_space<vmem>>) dst(%dma_wait3A_271 : memref<10112x128xf32, #tpu.memory_space<vmem_shared>>)
        tpu.yield
      }) : () -> ()
      %add3A_236 = arith.constant 4 : i32
      %add3A_237 = arith.addi %add3A_222, %add3A_236 : i32
      %lt3A_238 = arith.constant 80 : i32
      %lt3A_239 = arith.cmpi slt, %add3A_237, %lt3A_238 : i32
      %convert_element_type3A_240 = arith.extui %lt3A_239 : i1 to i32
      %cond3A_241 = arith.constant 0 : i32
      %cond3A_242 = arith.cmpi ne, %convert_element_type3A_240, %cond3A_241 : i32
      scf.if %cond3A_242 {
        %add3A_251 = arith.addi %mul3A_4, %add3A_237 : i32
        %dma_start3A_252 = arith.constant 3 : i32
        %dma_start3A_253 = arith.constant 0 : i32
        %dma_start3A_254 = tpu.memref_slice %arg7[%dma_start3A_252, %dma_start3A_253] : memref<4x128xi32, #tpu.memory_space<vmem>> -> memref<1x128xi32, #tpu.memory_space<vmem>>
        %dma_start3A_255 = arith.constant 0 : i32
        %dma_start3A_256 = arith.constant 0 : i32
        %dma_start3A_257 = tpu.memref_slice %arg3[%add3A_251, %dma_start3A_255, %dma_start3A_256] : memref<2560x1x128xi32, #tpu.memory_space<hbm>> -> memref<1x1x128xi32, #tpu.memory_space<hbm>>
        %dma_start3A_258 = tpu.memref_squeeze %dma_start3A_257 : memref<1x1x128xi32, #tpu.memory_space<hbm>> -> memref<1x128xi32, #tpu.memory_space<hbm>>
        %dma_start3A_259 = arith.constant 3 : i32
        %dma_start3A_260 = arith.constant 0 : i32
        %dma_start3A_261 = tpu.memref_slice %arg7[%dma_start3A_259, %dma_start3A_260] : memref<4x128xi32, #tpu.memory_space<vmem>> -> memref<1x128xi32, #tpu.memory_space<vmem>>
        %dma_start3A_262 = arith.constant 0 : i32
        %dma_start3A_263 = arith.constant 0 : i32
        %dma_start3A_264 = tpu.memref_slice %arg3[%add3A_251, %dma_start3A_262, %dma_start3A_263] : memref<2560x1x128xi32, #tpu.memory_space<hbm>> -> memref<1x1x128xi32, #tpu.memory_space<hbm>>
        %dma_start3A_265 = tpu.memref_squeeze %dma_start3A_264 : memref<1x1x128xi32, #tpu.memory_space<hbm>> -> memref<1x128xi32, #tpu.memory_space<hbm>>
        tpu.enqueue_dma source(%dma_start3A_265 : memref<1x128xi32, #tpu.memory_space<hbm>>) target(%dma_start3A_261 : memref<1x128xi32, #tpu.memory_space<vmem>>) target_semaphore(%arg16 : memref<!tpu.dma_semaphore, #tpu.memory_space<semaphore_mem>>)
      } else {
      }
      %add3A_243 = arith.constant 2 : i32
      %add3A_244 = arith.addi %add3A_222, %add3A_243 : i32
      %lt3A_245 = arith.constant 80 : i32
      %lt3A_246 = arith.cmpi slt, %add3A_244, %lt3A_245 : i32
      %convert_element_type3A_247 = arith.extui %lt3A_246 : i1 to i32
      %cond3A_248 = arith.constant 0 : i32
      %cond3A_249 = arith.cmpi ne, %convert_element_type3A_247, %cond3A_248 : i32
      scf.if %cond3A_249 {
        %dma_wait3A_251 = arith.constant 0 : i32
        %dma_wait3A_252 = arith.constant 1 : i32
        %dma_wait3A_253 = arith.constant 0 : i32
        %dma_wait3A_254 = tpu.memref_slice %arg7[%dma_wait3A_252, %dma_wait3A_253] : memref<4x128xi32, #tpu.memory_space<vmem>> -> memref<1x128xi32, #tpu.memory_space<vmem>>
        %dma_wait3A_255 = arith.constant 0 : i32
        %dma_wait3A_256 = arith.constant 0 : i32
        %dma_wait3A_257 = tpu.memref_slice %arg3[%dma_wait3A_251, %dma_wait3A_255, %dma_wait3A_256] : memref<2560x1x128xi32, #tpu.memory_space<hbm>> -> memref<1x1x128xi32, #tpu.memory_space<hbm>>
        %dma_wait3A_258 = tpu.memref_squeeze %dma_wait3A_257 : memref<1x1x128xi32, #tpu.memory_space<hbm>> -> memref<1x128xi32, #tpu.memory_space<hbm>>
        %dma_wait3A_259 = arith.constant 1 : i32
        %dma_wait3A_260 = arith.constant 0 : i32
        %dma_wait3A_261 = tpu.memref_slice %arg7[%dma_wait3A_259, %dma_wait3A_260] : memref<4x128xi32, #tpu.memory_space<vmem>> -> memref<1x128xi32, #tpu.memory_space<vmem>>
        %dma_wait3A_262 = arith.constant 0 : i32
        %dma_wait3A_263 = arith.constant 0 : i32
        %dma_wait3A_264 = tpu.memref_slice %arg3[%dma_wait3A_251, %dma_wait3A_262, %dma_wait3A_263] : memref<2560x1x128xi32, #tpu.memory_space<hbm>> -> memref<1x1x128xi32, #tpu.memory_space<hbm>>
        %dma_wait3A_265 = tpu.memref_squeeze %dma_wait3A_264 : memref<1x1x128xi32, #tpu.memory_space<hbm>> -> memref<1x128xi32, #tpu.memory_space<hbm>>
        tpu.wait_dma2 semaphore(%arg14 : memref<!tpu.dma_semaphore, #tpu.memory_space<semaphore_mem>>) src(%dma_wait3A_265 : memref<1x128xi32, #tpu.memory_space<hbm>>) dst(%dma_wait3A_261 : memref<1x128xi32, #tpu.memory_space<vmem>>)
        %dma_start3A_266 = arith.constant 1 : i32
        %dma_start3A_267 = arith.constant 1 : i32
        %dma_start3A_268 = arith.constant 0 : i32
        %dma_start3A_269 = arith.constant 0 : i32
        %dma_start3A_270 = tpu.memref_slice %arg9[%dma_start3A_267, %dma_start3A_268, %dma_start3A_269] : memref<2x128x128xf32, #tpu.memory_space<vmem>> -> memref<1x128x128xf32, #tpu.memory_space<vmem>>
        %dma_start3A_271 = tpu.memref_squeeze %dma_start3A_270 : memref<1x128x128xf32, #tpu.memory_space<vmem>> -> memref<128x128xf32, #tpu.memory_space<vmem>>
        %dma_start3A_272 = arith.constant 0 : i32
        %dma_start3A_273 = tpu.memref_slice %arg7[%dma_start3A_266, %dma_start3A_272] : memref<4x128xi32, #tpu.memory_space<vmem>> -> memref<1x128xi32, #tpu.memory_space<vmem>>
        %dma_start3A_274 = tpu.memref_squeeze %dma_start3A_273 : memref<1x128xi32, #tpu.memory_space<vmem>> -> memref<128xi32, #tpu.memory_space<vmem>>
        %dma_start3A_275 = arith.constant 0 : i32
        %dma_start3A_276 = arith.constant 0 : i32
        %dma_start3A_277 = tpu.memref_slice %arg2[%dma_start3A_275, %dma_start3A_276] : memref<10000x128xf32, #tpu.memory_space<hbm>> -> memref<10000x128xf32, #tpu.memory_space<hbm>>
        tpu.enqueue_indirect_dma source(%dma_start3A_277 : memref<10000x128xf32, #tpu.memory_space<hbm>>) target(%dma_start3A_271 : memref<128x128xf32, #tpu.memory_space<vmem>>) offsets(%dma_start3A_274 : memref<128xi32, #tpu.memory_space<vmem>>) semaphore(%arg12 : memref<!tpu.dma_semaphore, #tpu.memory_space<semaphore_mem>>)
      } else {
      }
      %scan3A_250 = arith.constant 0 : i32
      scf.yield %scan3A_250 : i32
    }
    %scan3A_126 = arith.constant 20 : i32
    %barrier3A_127 = arith.constant 0 : index
    tpu.barrier barrier_id(%barrier3A_127)
    "tpu.region"() ({
      %run_scoped3A = tpu.sem_alloc : memref<!tpu.dma_semaphore, #tpu.memory_space<semaphore_mem>>
      %dma_start3A_128 = arith.constant 0 : i32
      %dma_start3A_129 = tpu.memref_slice %arg6[%arg0, %mul3A_2, %dma_start3A_128] : memref<2x10112x128xf32, #tpu.memory_space<hbm>> -> memref<1x632x128xf32, #tpu.memory_space<hbm>>
      %dma_start3A_130 = tpu.memref_squeeze %dma_start3A_129 : memref<1x632x128xf32, #tpu.memory_space<hbm>> -> memref<632x128xf32, #tpu.memory_space<hbm>>
      %dma_start3A_131 = arith.constant 0 : i32
      %dma_start3A_132 = tpu.memref_slice %arg10[%mul3A_2, %dma_start3A_131] : memref<10112x128xf32, #tpu.memory_space<vmem_shared>> -> memref<632x128xf32, #tpu.memory_space<vmem_shared>>
      tpu.enqueue_dma source(%dma_start3A_132 : memref<632x128xf32, #tpu.memory_space<vmem_shared>>) target(%dma_start3A_130 : memref<632x128xf32, #tpu.memory_space<hbm>>) target_semaphore(%run_scoped3A : memref<!tpu.dma_semaphore, #tpu.memory_space<semaphore_mem>>)
      %dma_wait3A_133 = arith.constant 0 : i32
      %dma_wait3A_134 = tpu.memref_slice %arg6[%arg0, %mul3A_2, %dma_wait3A_133] : memref<2x10112x128xf32, #tpu.memory_space<hbm>> -> memref<1x632x128xf32, #tpu.memory_space<hbm>>
      %dma_wait3A_135 = tpu.memref_squeeze %dma_wait3A_134 : memref<1x632x128xf32, #tpu.memory_space<hbm>> -> memref<632x128xf32, #tpu.memory_space<hbm>>
      %dma_wait3A_136 = arith.constant 0 : i32
      %dma_wait3A_137 = tpu.memref_slice %arg10[%mul3A_2, %dma_wait3A_136] : memref<10112x128xf32, #tpu.memory_space<vmem_shared>> -> memref<632x128xf32, #tpu.memory_space<vmem_shared>>
      tpu.wait_dma2 semaphore(%run_scoped3A : memref<!tpu.dma_semaphore, #tpu.memory_space<semaphore_mem>>) src(%dma_wait3A_137 : memref<632x128xf32, #tpu.memory_space<vmem_shared>>) dst(%dma_wait3A_135 : memref<632x128xf32, #tpu.memory_space<hbm>>)
      tpu.yield
    }) : () -> ()
    return
  }
}

module attributes {stable_mosaic.version = 14 : i64} {
  func.func @_sage_body(%arg0: i32, %arg1: memref<2x1000x128xf32, #tpu.memory_space<vmem>>, %arg2: memref<2x1000x128xf32, #tpu.memory_space<vmem>>, %arg3: memref<1000x128xf32, #tpu.memory_space<vmem>>, %arg4: memref<128x128xf32, #tpu.memory_space<vmem>>, %arg5: memref<1x128xf32, #tpu.memory_space<vmem>>, %arg6: memref<128x128xf32, #tpu.memory_space<vmem>>, %arg7: memref<1000x128xf32, #tpu.memory_space<vmem>>) attributes {dimension_semantics = [#tpu.dimension_semantics<arbitrary>], iteration_bounds = array<i64: 10>, scalar_prefetch = 0 : i64, scratch_operands = 0 : i64, tpu.core_type = #tpu.core_type<tc>, window_params = [{transform_indices = @transform_0, window_bounds = array<i64: 2, 1000, 128>}, {transform_indices = @transform_1, window_bounds = array<i64: 2, 1000, 128>}, {transform_indices = @transform_2, window_bounds = array<i64: 1000, 128>}, {pipeline_mode = #tpu.pipeline_mode<synchronous>, transform_indices = @transform_3, window_bounds = array<i64: 128, 128>}, {pipeline_mode = #tpu.pipeline_mode<synchronous>, transform_indices = @transform_4, window_bounds = array<i64: 1, 128>}, {pipeline_mode = #tpu.pipeline_mode<synchronous>, transform_indices = @transform_5, window_bounds = array<i64: 128, 128>}, {transform_indices = @transform_6, window_bounds = array<i64: 1000, 128>}]} {
    %get3A = arith.constant 0 : index
    %get3A_0 = arith.constant 0 : index
    %get3A_1 = arith.constant 0 : index
    %get3A_2 = vector.load %arg1[%get3A, %get3A_0, %get3A_1] : memref<2x1000x128xf32, #tpu.memory_space<vmem>>, vector<1x1000x128xf32>
    %get3A_3 = vector.shape_cast %get3A_2 : vector<1x1000x128xf32> to vector<1000x128xf32>
    %get3A_4 = arith.constant 1 : index
    %get3A_5 = arith.constant 0 : index
    %get3A_6 = arith.constant 0 : index
    %get3A_7 = vector.load %arg1[%get3A_4, %get3A_5, %get3A_6] : memref<2x1000x128xf32, #tpu.memory_space<vmem>>, vector<1x1000x128xf32>
    %get3A_8 = vector.shape_cast %get3A_7 : vector<1x1000x128xf32> to vector<1000x128xf32>
    %add3A = arith.addf %get3A_3, %get3A_8 : vector<1000x128xf32>
    %get3A_9 = arith.constant 0 : index
    %get3A_10 = arith.constant 0 : index
    %get3A_11 = arith.constant 0 : index
    %get3A_12 = vector.load %arg2[%get3A_9, %get3A_10, %get3A_11] : memref<2x1000x128xf32, #tpu.memory_space<vmem>>, vector<1x1000x1xf32>
    %get3A_13 = vector.shape_cast %get3A_12 : vector<1x1000x1xf32> to vector<1000x1xf32>
    %get3A_14 = arith.constant 1 : index
    %get3A_15 = arith.constant 0 : index
    %get3A_16 = arith.constant 0 : index
    %get3A_17 = vector.load %arg2[%get3A_14, %get3A_15, %get3A_16] : memref<2x1000x128xf32, #tpu.memory_space<vmem>>, vector<1x1000x1xf32>
    %get3A_18 = vector.shape_cast %get3A_17 : vector<1x1000x1xf32> to vector<1000x1xf32>
    %add3A_19 = arith.addf %get3A_13, %get3A_18 : vector<1000x1xf32>
    %max3A = arith.constant 1.000000e+00 : f32
    %max3A_20 = vector.broadcast %max3A : f32 to vector<1000x1xf32>
    %max3A_21 = arith.maximumf %add3A_19, %max3A_20 : vector<1000x1xf32>
    %div3A = vector.broadcast %max3A_21 : vector<1000x1xf32> to vector<1000x128xf32>
    %div3A_22 = arith.divf %add3A, %div3A : vector<1000x128xf32>
    %get3A_23 = arith.constant 0 : index
    %get3A_24 = arith.constant 0 : index
    %get3A_25 = vector.load %arg4[%get3A_23, %get3A_24] : memref<128x128xf32, #tpu.memory_space<vmem>>, vector<128x128xf32>
    %dot_general3A = arith.constant dense<0.000000e+00> : vector<1000x128xf32>
    %dot_general3A_26 = tpu.matmul %div3A_22, %get3A_25, %dot_general3A {dimension_numbers = #tpu.dot_dimension_numbers<[1], [1], [0], [0], [0, 0, 1, 0], [], []>, transpose_lhs_hint = false} : vector<1000x128xf32>, vector<128x128xf32>, vector<1000x128xf32> -> vector<1000x128xf32>
    %get3A_27 = arith.constant 0 : index
    %get3A_28 = arith.constant 0 : index
    %get3A_29 = vector.load %arg5[%get3A_27, %get3A_28] : memref<1x128xf32, #tpu.memory_space<vmem>>, vector<1x128xf32>
    %add3A_30 = vector.broadcast %get3A_29 : vector<1x128xf32> to vector<1000x128xf32>
    %add3A_31 = arith.addf %dot_general3A_26, %add3A_30 : vector<1000x128xf32>
    %get3A_32 = arith.constant 0 : index
    %get3A_33 = arith.constant 0 : index
    %get3A_34 = vector.load %arg3[%get3A_32, %get3A_33] : memref<1000x128xf32, #tpu.memory_space<vmem>>, vector<1000x128xf32>
    %get3A_35 = arith.constant 0 : index
    %get3A_36 = arith.constant 0 : index
    %get3A_37 = vector.load %arg6[%get3A_35, %get3A_36] : memref<128x128xf32, #tpu.memory_space<vmem>>, vector<128x128xf32>
    %dot_general3A_38 = arith.constant dense<0.000000e+00> : vector<1000x128xf32>
    %dot_general3A_39 = tpu.matmul %get3A_34, %get3A_37, %dot_general3A_38 {dimension_numbers = #tpu.dot_dimension_numbers<[1], [1], [0], [0], [0, 0, 1, 0], [], []>, transpose_lhs_hint = false} : vector<1000x128xf32>, vector<128x128xf32>, vector<1000x128xf32> -> vector<1000x128xf32>
    %add3A_40 = arith.addf %add3A_31, %dot_general3A_39 : vector<1000x128xf32>
    %mul3A = arith.mulf %add3A_40, %add3A_40 : vector<1000x128xf32>
    %reduce_sum3A = arith.constant dense<0.000000e+00> : vector<1000xf32>
    %reduce_sum3A_41 = vector.multi_reduction <add>, %mul3A, %reduce_sum3A [1] : vector<1000x128xf32> to vector<1000xf32>
    %broadcast_in_dim3A = vector.shape_cast %reduce_sum3A_41 : vector<1000xf32> to vector<1000x1xf32>
    %sqrt3A = math.sqrt %broadcast_in_dim3A : vector<1000x1xf32>
    %max3A_42 = arith.constant 9.99999996E-13 : f32
    %max3A_43 = vector.broadcast %max3A_42 : f32 to vector<1000x1xf32>
    %max3A_44 = arith.maximumf %sqrt3A, %max3A_43 : vector<1000x1xf32>
    %div3A_45 = vector.broadcast %max3A_44 : vector<1000x1xf32> to vector<1000x128xf32>
    %div3A_46 = arith.divf %add3A_40, %div3A_45 : vector<1000x128xf32>
    %max3A_47 = arith.constant 0.000000e+00 : f32
    %max3A_48 = vector.broadcast %max3A_47 : f32 to vector<1000x128xf32>
    %max3A_49 = arith.maximumf %div3A_46, %max3A_48 : vector<1000x128xf32>
    %swap3A = arith.constant 0 : index
    %swap3A_50 = arith.constant 0 : index
    %swap3A_51 = vector.load %arg7[%swap3A, %swap3A_50] : memref<1000x128xf32, #tpu.memory_space<vmem>>, vector<1000x128xf32>
    tpu.vector_store %arg7[%swap3A, %swap3A_50], %max3A_49 {strides = array<i32>} : memref<1000x128xf32, #tpu.memory_space<vmem>>, vector<1000x128xf32>,
    return
  }
  func.func @transform_0(%arg0: i32) -> (i32, i32, i32) {
    %c0_i32 = arith.constant 0 : i32
    %c0_i32_0 = arith.constant 0 : i32
    %c0_i32_1 = arith.constant 0 : i32
    return %c0_i32, %arg0, %c0_i32_0 : i32, i32, i32
  }
  func.func @transform_1(%arg0: i32) -> (i32, i32, i32) {
    %c0_i32 = arith.constant 0 : i32
    %c0_i32_0 = arith.constant 0 : i32
    %c0_i32_1 = arith.constant 0 : i32
    return %c0_i32, %arg0, %c0_i32_0 : i32, i32, i32
  }
  func.func @transform_2(%arg0: i32) -> (i32, i32) {
    %c0_i32 = arith.constant 0 : i32
    %c0_i32_0 = arith.constant 0 : i32
    return %arg0, %c0_i32 : i32, i32
  }
  func.func @transform_3(%arg0: i32) -> (i32, i32) {
    %c0_i32 = arith.constant 0 : i32
    %c0_i32_0 = arith.constant 0 : i32
    %c0_i32_1 = arith.constant 0 : i32
    return %c0_i32, %c0_i32_0 : i32, i32
  }
  func.func @transform_4(%arg0: i32) -> (i32, i32) {
    %c0_i32 = arith.constant 0 : i32
    %c0_i32_0 = arith.constant 0 : i32
    %c0_i32_1 = arith.constant 0 : i32
    return %c0_i32, %c0_i32_0 : i32, i32
  }
  func.func @transform_5(%arg0: i32) -> (i32, i32) {
    %c0_i32 = arith.constant 0 : i32
    %c0_i32_0 = arith.constant 0 : i32
    %c0_i32_1 = arith.constant 0 : i32
    return %c0_i32, %c0_i32_0 : i32, i32
  }
  func.func @transform_6(%arg0: i32) -> (i32, i32) {
    %c0_i32 = arith.constant 0 : i32
    %c0_i32_0 = arith.constant 0 : i32
    return %arg0, %c0_i32 : i32, i32
  }
}

module attributes {stable_mosaic.version = 14 : i64} {
  func.func @_head_body(%arg0: i32, %arg1: memref<2x1000x128xf32, #tpu.memory_space<vmem>>, %arg2: memref<2x1000x128xf32, #tpu.memory_space<vmem>>, %arg3: memref<128x128xf32, #tpu.memory_space<vmem>>, %arg4: memref<1x128xf32, #tpu.memory_space<vmem>>, %arg5: memref<1000x128xf32, #tpu.memory_space<vmem>>) attributes {dimension_semantics = [#tpu.dimension_semantics<arbitrary>], iteration_bounds = array<i64: 10>, scalar_prefetch = 0 : i64, scratch_operands = 0 : i64, tpu.core_type = #tpu.core_type<tc>, window_params = [{transform_indices = @transform_0, window_bounds = array<i64: 2, 1000, 128>}, {transform_indices = @transform_1, window_bounds = array<i64: 2, 1000, 128>}, {pipeline_mode = #tpu.pipeline_mode<synchronous>, transform_indices = @transform_2, window_bounds = array<i64: 128, 128>}, {pipeline_mode = #tpu.pipeline_mode<synchronous>, transform_indices = @transform_3, window_bounds = array<i64: 1, 128>}, {transform_indices = @transform_4, window_bounds = array<i64: 1000, 128>}]} {
    %get3A = arith.constant 0 : index
    %get3A_0 = arith.constant 0 : index
    %get3A_1 = arith.constant 0 : index
    %get3A_2 = vector.load %arg1[%get3A, %get3A_0, %get3A_1] : memref<2x1000x128xf32, #tpu.memory_space<vmem>>, vector<1x1000x128xf32>
    %get3A_3 = vector.shape_cast %get3A_2 : vector<1x1000x128xf32> to vector<1000x128xf32>
    %get3A_4 = arith.constant 1 : index
    %get3A_5 = arith.constant 0 : index
    %get3A_6 = arith.constant 0 : index
    %get3A_7 = vector.load %arg1[%get3A_4, %get3A_5, %get3A_6] : memref<2x1000x128xf32, #tpu.memory_space<vmem>>, vector<1x1000x128xf32>
    %get3A_8 = vector.shape_cast %get3A_7 : vector<1x1000x128xf32> to vector<1000x128xf32>
    %add3A = arith.addf %get3A_3, %get3A_8 : vector<1000x128xf32>
    %get3A_9 = arith.constant 0 : index
    %get3A_10 = arith.constant 0 : index
    %get3A_11 = arith.constant 0 : index
    %get3A_12 = vector.load %arg2[%get3A_9, %get3A_10, %get3A_11] : memref<2x1000x128xf32, #tpu.memory_space<vmem>>, vector<1x1000x1xf32>
    %get3A_13 = vector.shape_cast %get3A_12 : vector<1x1000x1xf32> to vector<1000x1xf32>
    %get3A_14 = arith.constant 1 : index
    %get3A_15 = arith.constant 0 : index
    %get3A_16 = arith.constant 0 : index
    %get3A_17 = vector.load %arg2[%get3A_14, %get3A_15, %get3A_16] : memref<2x1000x128xf32, #tpu.memory_space<vmem>>, vector<1x1000x1xf32>
    %get3A_18 = vector.shape_cast %get3A_17 : vector<1x1000x1xf32> to vector<1000x1xf32>
    %add3A_19 = arith.addf %get3A_13, %get3A_18 : vector<1000x1xf32>
    %max3A = arith.constant 1.000000e+00 : f32
    %max3A_20 = vector.broadcast %max3A : f32 to vector<1000x1xf32>
    %max3A_21 = arith.maximumf %add3A_19, %max3A_20 : vector<1000x1xf32>
    %div3A = vector.broadcast %max3A_21 : vector<1000x1xf32> to vector<1000x128xf32>
    %div3A_22 = arith.divf %add3A, %div3A : vector<1000x128xf32>
    %get3A_23 = arith.constant 0 : index
    %get3A_24 = arith.constant 0 : index
    %get3A_25 = vector.load %arg3[%get3A_23, %get3A_24] : memref<128x128xf32, #tpu.memory_space<vmem>>, vector<128x128xf32>
    %dot_general3A = arith.constant dense<0.000000e+00> : vector<1000x128xf32>
    %dot_general3A_26 = tpu.matmul %div3A_22, %get3A_25, %dot_general3A {dimension_numbers = #tpu.dot_dimension_numbers<[1], [1], [0], [0], [0, 0, 1, 0], [], []>, transpose_lhs_hint = false} : vector<1000x128xf32>, vector<128x128xf32>, vector<1000x128xf32> -> vector<1000x128xf32>
    %get3A_27 = arith.constant 0 : index
    %get3A_28 = arith.constant 0 : index
    %get3A_29 = vector.load %arg4[%get3A_27, %get3A_28] : memref<1x128xf32, #tpu.memory_space<vmem>>, vector<1x128xf32>
    %add3A_30 = vector.broadcast %get3A_29 : vector<1x128xf32> to vector<1000x128xf32>
    %add3A_31 = arith.addf %dot_general3A_26, %add3A_30 : vector<1000x128xf32>
    %swap3A = arith.constant 0 : index
    %swap3A_32 = arith.constant 0 : index
    %swap3A_33 = vector.load %arg5[%swap3A, %swap3A_32] : memref<1000x128xf32, #tpu.memory_space<vmem>>, vector<1000x128xf32>
    tpu.vector_store %arg5[%swap3A, %swap3A_32], %add3A_31 {strides = array<i32>} : memref<1000x128xf32, #tpu.memory_space<vmem>>, vector<1000x128xf32>,
    return
  }
  func.func @transform_0(%arg0: i32) -> (i32, i32, i32) {
    %c0_i32 = arith.constant 0 : i32
    %c0_i32_0 = arith.constant 0 : i32
    %c0_i32_1 = arith.constant 0 : i32
    return %c0_i32, %arg0, %c0_i32_0 : i32, i32, i32
  }
  func.func @transform_1(%arg0: i32) -> (i32, i32, i32) {
    %c0_i32 = arith.constant 0 : i32
    %c0_i32_0 = arith.constant 0 : i32
    %c0_i32_1 = arith.constant 0 : i32
    return %c0_i32, %arg0, %c0_i32_0 : i32, i32, i32
  }
  func.func @transform_2(%arg0: i32) -> (i32, i32) {
    %c0_i32 = arith.constant 0 : i32
    %c0_i32_0 = arith.constant 0 : i32
    %c0_i32_1 = arith.constant 0 : i32
    return %c0_i32, %c0_i32_0 : i32, i32
  }
  func.func @transform_3(%arg0: i32) -> (i32, i32) {
    %c0_i32 = arith.constant 0 : i32
    %c0_i32_0 = arith.constant 0 : i32
    %c0_i32_1 = arith.constant 0 : i32
    return %c0_i32, %c0_i32_0 : i32, i32
  }
  func.func @transform_4(%arg0: i32) -> (i32, i32) {
    %c0_i32 = arith.constant 0 : i32
    %c0_i32_0 = arith.constant 0 : i32
    return %arg0, %c0_i32 : i32, i32
  }
}

</mosaic_0001>

<sc_bundles>
// kernel: kernel.12.cloned.1.call-start
scs
__scs_entry_jumppad:
0x0: {  	(pc) =	sbr.rel $0x88, $3  }
0x1: {  	(tag) =	ssettag $0x0;
	lr =	simm.s32 $0x1  }
0x2: {  	[smem:$0x3F96] =	sst lr;
	_ =	strace $0xD0000000  }
0x3: {  	_ = 	snop  }
0x4: {  	_ = 	snop  }
0x5: {  	_ = 	snop  }
0x6: {  	_ = 	snop  }
0x7: {  	_ = 	snop  }
__scs_overlays_trampoline_lowered:
0x8: {  	[smem:$0x3FA5] =	sst s0  }
0x9: {  	[smem:$0x3FA6] =	sst s1  }
0xa: {  	[smem:$0x3FA7] =	sst s2  }
0xb: {  	[smem:$0x3FA8] =	sst s3  }
0xc: {  	[smem:$0x3FA9] =	sst s4  }
0xd: {  	[smem:$0x3FAA] =	sst s5  }
0xe: {  	[smem:$0x3FAB] =	sst s6  }
0xf: {  	[smem:$0x3FAC] =	sst s7  }
0x10: {  	[smem:$0x3FAD] =	sst s8  }
0x11: {  	[smem:$0x3FAE] =	sst s9;
	s0 =	simm.s32 @!p0 $0x0  }
0x12: {  	s1 =	sld [smem:$0x3F94];
	s0 =	simm.s32 @p0 $0x1  }
0x13: {  	[smem:$0x3FAF] =	sst s0;
	s0 =	simm.s32 @!p1 $0x0  }
0x14: {  	s2 =	sld [smem:$0x3F93];
	s0 =	simm.s32 @p1 $0x1  }
0x15: {  	[smem:$0x3FB0] =	sst s0;
	s0 =	simm.s32 @!p2 $0x0  }
0x16: {  	s3 =	sld [smem:$0x3FDB];
	s0 =	simm.s32 @p2 $0x1  }
0x17: {  	s4 =	simm.s32 $0x1BF5;
	[smem:$0x3FB2] =	sst s0  }
0x18: {  	s0 =	sld [smem:$0x3F95];
	_ =	swait.ge [sflag:s4], $0x0  }
0x19: {  	s7 =	sld [smem:$0x3F96]  }
0x1a: {  	s8 =	sadd.s32 $0xFFFFE003, lr  }
0x1b: {  	s9 =	sadd.s32 $0xFFFFFEF7, lr;
	s5 =	simm.s32 $0xFFFFFFFF;
	p2 =	slt.u32 s8, $0xFFFFF086  }
0x1c: {  	p1 =	slt.u32 s9, $0xF7A;
	s5 =	simm.s32 @!p2 $0x0  }
0x1d: {  	s5 =	simm.s32 @p1 $0x1;
	p0 =	seq.s32 s7, s2  }
0x1e: {  	s7 =	smul.u32 @!p0 $0xF7A, s2;
	p2 =	seq.s32 @!p0 s5, $0x0  }
0x1f: {  	s9 =	smul.u32 $0xF7A, s1;
	s8 =	simm.s32 @!p0 $0x1BF5;
	p2 =	por !p2, p0  }
0x20: {  	[sflag:s8] =	ssyncset.s32 @!p0 $0xFFFFF086;
	s6 =	sadd.s32 @!p0 s3, s7;
	s7 =	simm.s32 @!p0 $0x108  }
0x21: {  	s3 =	sadd.s32 s3, s9;
	s6 =	sadd.s32 @!p0 $0x88, s6;
	s7 =	simm.s32 @p2 $0x1082  }
0x22: {  	[simem:s7], [sflag:s8] =	dma.local @!p0 [hbm:s6], $0xF7A  }
0x23: {  	s9 =	sor.u32 $0xD0000000, s2;
	s6 =	simm.s32 $0x108;
	_ =	swait.ge @!p0 [sflag:s8], $0x0  }
0x24: {  	s3 =	sadd.s32 $0x88, s3;
	s6 =	simm.s32 @!p1 $0x1082;
	[sflag:s4] =	ssyncset.s32 $0xFFFFF086  }
0x25: {  	[simem:s6], [sflag:s4] =	dma.local [hbm:s3], $0xF7A  }
0x26: {  	[smem:$0x3F96] =	sst s1;
	(tag) =	ssettag s2;
	_ =	strace s9  }
0x27: {  	s1 =	sld [smem:$0x3FA6]  }
0x28: {  	s2 =	sld [smem:$0x3FA7]  }
0x29: {  	s4 =	sld [smem:$0x3FA9]  }
0x2a: {  	p0 =	seq.s32 s5, $0x0;
	s5 =	sld [smem:$0x3FAA]  }
0x2b: {  	s6 =	sld [smem:$0x3FAB]  }
0x2c: {  	s7 =	sld [smem:$0x3FAC]  }
0x2d: {  	s3 =	simm.s32 $0x108;
	s8 =	sld [smem:$0x3FAD]  }
0x2e: {  	s3 =	simm.s32 @!p0 $0x1082;
	s9 =	sld [smem:$0x3FAE]  }
0x2f: {  	lr =	sadd.s32 s0, s3;
	s0 =	sld [smem:$0x3FA5]  }
0x30: {  	s3 =	sld [smem:$0x3FA8]  }
0x31: {  	[smem:$0x3FB1] =	sst s10  }
0x32: {  	s10 =	sld [smem:$0x3FAF];
	_ =	sdelay $0x3  }
0x33: {  	p0 =	seq.s32 s10, $0x1;
	s10 =	sld [smem:$0x3FB1];
	_ =	sdelay $0x3  }
0x34: {  	[smem:$0x3FB1] =	sst s10  }
0x35: {  	s10 =	sld [smem:$0x3FB0];
	_ =	sdelay $0x3  }
0x36: {  	p1 =	seq.s32 s10, $0x1;
	s10 =	sld [smem:$0x3FB1];
	_ =	sdelay $0x3  }
0x37: {  	[smem:$0x3FB1] =	sst s10  }
0x38: {  	s10 =	sld [smem:$0x3FB2]  }
0x39: {  	_ = 	snop;
	(pc) =	sbr.ind lr, $3  }
0x3a: {  	_ = 	snop  }
0x3b: {  	_ = 	snop  }
0x3c: {  	p2 =	seq.s32 s10, $0x1;
	s10 =	sld [smem:$0x3FB1]  }
0x3d: {  	_ =	shalt  }
0x3e: {  	_ =	shalt  }
0x3f: {  	_ =	shalt  }
0x40: {  	_ =	shalt  }
0x41: {  	_ =	shalt  }
0x42: {  	_ =	shalt  }
0x43: {  	_ =	shalt  }
0x44: {  	_ =	shalt  }
0x45: {  	_ =	shalt  }
0x46: {  	_ =	shalt  }
0x47: {  	_ =	shalt  }
0x48: {  	_ =	shalt  }
0x49: {  	_ =	shalt  }
0x4a: {  	_ =	shalt  }
0x4b: {  	_ =	shalt  }
0x4c: {  	_ =	shalt  }
0x4d: {  	_ =	shalt  }
0x4e: {  	_ =	shalt  }
0x4f: {  	_ =	shalt  }
0x50: {  	_ =	shalt  }
0x51: {  	_ =	shalt  }
0x52: {  	_ =	shalt  }
0x53: {  	_ =	shalt  }
0x54: {  	_ =	shalt  }
0x55: {  	_ =	shalt  }
0x56: {  	_ =	shalt  }
0x57: {  	_ =	shalt  }
0x58: {  	_ =	shalt  }
0x59: {  	_ =	shalt  }
0x5a: {  	_ =	shalt  }
0x5b: {  	_ =	shalt  }
0x5c: {  	_ =	shalt  }
0x5d: {  	_ =	shalt  }
0x5e: {  	_ =	shalt  }
0x5f: {  	_ =	shalt  }
0x60: {  	_ =	shalt  }
0x61: {  	_ =	shalt  }
0x62: {  	_ =	shalt  }
0x63: {  	_ =	shalt  }
0x64: {  	_ =	shalt  }
0x65: {  	_ =	shalt  }
0x66: {  	_ =	shalt  }
0x67: {  	_ =	shalt  }
0x68: {  	_ =	shalt  }
0x69: {  	_ =	shalt  }
0x6a: {  	_ =	shalt  }
0x6b: {  	_ =	shalt  }
0x6c: {  	_ =	shalt  }
0x6d: {  	_ =	shalt  }
0x6e: {  	_ =	shalt  }
0x6f: {  	_ =	shalt  }
0x70: {  	_ =	shalt  }
0x71: {  	_ =	shalt  }
0x72: {  	_ =	shalt  }
0x73: {  	_ =	shalt  }
0x74: {  	_ =	shalt  }
0x75: {  	_ =	shalt  }
0x76: {  	_ =	shalt  }
0x77: {  	_ =	shalt  }
0x78: {  	_ =	shalt  }
0x79: {  	_ =	shalt  }
0x7a: {  	_ =	shalt  }
0x7b: {  	_ =	shalt  }
0x7c: {  	_ =	shalt  }
0x7d: {  	_ =	shalt  }
0x7e: {  	_ =	shalt  }
0x7f: {  	_ =	shalt  }
0x80: {  	_ =	shalt  }
0x81: {  	_ =	shalt  }
0x82: {  	_ =	shalt  }
0x83: {  	_ =	shalt  }
0x84: {  	_ =	shalt  }
0x85: {  	_ =	shalt  }
0x86: {  	_ =	shalt  }
0x87: {  	_ =	shalt  }
.Lfunc_end0:
.L_simem_size_0:
called_computation.1_lowered:
.L_overlay_start_0:
0x88: {  	s2 =	sld [smem:$0x3FD9]  }
0x89: {  	s3 =	sld [smem:$0x3FFE];
	_ =	sdelay $0x1  }
0x8a: {  	s1 =	srdreg.scid  }
0x8b: {  	s0 =	sand.u32 $0x1, s1  }
0x8c: {  	s17 =	sshll.u32 s0, $0xA;
	s2 =	sadd.s32 s3, s2  }
0x8d: {  	s2 =	sadd.s32 s2, s17  }
0x8e: {  	[smem:$0x3FBD] =	sst s2  }
0x8f: {  	_ = 	snop  }
0x90: {  	s18 =	sld [smem:$0x3FC9];
	(tm) =	ssettm $0x1  }
0x91: {  	s19 =	sld [smem:$0x3FFB];
	_ =	sdelay $0x3  }
0x92: {  	_ =	strace s19  }
0x93: {  	s2 =	sld [smem:$0x3FFC];
	_ =	sdelay $0x3  }
0x94: {  	_ =	strace s2  }
0x95: {  	s2 =	sld [smem:$0x3FFD];
	_ =	sdelay $0x3  }
0x96: {  	_ =	strace s2  }
0x97: {  	_ =	strace $0x8FFFFFFF  }
0x98: {  	s20 =	sld [smem:$0x3FDB];
	_ =	sdelay $0x1  }
0x99: {  	s4 =	simm.s32 $_scs_section_size  }
0x9a: {  	s5 =	simm.s32 $_size__tile_overlayer_lowered;
	s6 =	simm.s32 $_tile_overlayer_lowered  }
0x9b: {  	s7 =	simm.s32 $0x1BFF;
	s21 =	sshll.u32 s6, $0x1;
	s4 =	sadd.s32 s4, s20  }
0x9c: {  	s22 =	simm.s32 $0x0;
	s5 =	sshll.u32 s5, $0x1;
	s6 =	sadd.s32 s21, s4  }
0x9d: {  	[timem:s22], [sflag:s7] =	dma.local [hbm:s6], s5  }
0x9e: {  	_ =	swait.ge [sflag:s7], s5  }
0x9f: {  	s5 =	ssub.s32 $0x0, s5;
	[sflag:s7] =	ssyncset.done $0x0  }
0xa0: {  	[sflag:s7] =	ssyncadd.s32 s5;
	_ =	sdelay $0x1  }
0xa1: {  	s23 =	simm.s32 $0x1B8B  }
0xa2: {  	_ =	swait.ge [sflag:s23], $0x1  }
0xa3: {  	[sflag:s23] =	ssyncset.done $0x0  }
0xa4: {  	[sflag:s23] =	ssyncadd.s32 $0xFFFFFFFF  }
0xa5: {  	s5 =	sld [smem:$0x0]  }
0xa6: {  	s6 =	sand.u32 $0xFFFFFFFE, s1  }
0xa7: {  	p0 =	sne.s32 s1, s6  }
0xa8: {  	s6 =	sshll.u32 @p0 s6, $0xE  }
0xa9: {  	s6 =	sadd.s32 @p0 $0x11B8D, s6;
	s7 =	sshll.u32 @p0 s5, $0x11  }
0xaa: {  	s6 =	sor.u32 @p0 s7, s6  }
0xab: {  	[sflag:s6] =	ssyncadd.remote.s32 @p0 $0x1;
	_ =	sdelay $0x1  }
0xac: {  	s6 =	simm.s32 @p0 $0x1B8D  }
0xad: {  	_ =	swait.eq @p0 [sflag:s6], $0x1  }
0xae: {  	[sflag:s6] =	ssyncadd.s32 @p0 $0xFFFFFFFF  }
0xaf: {  	s7 =	sshll.u32 @!p0 s1, $0xE  }
0xb0: {  	s7 =	sor.u32 @!p0 $0x4000, s7;
	s6 =	simm.s32 @!p0 $0x1B8D  }
0xb1: {  	s5 =	sshll.u32 @!p0 s5, $0x11;
	s7 =	sadd.s32 @!p0 $0x11B8D, s7;
	_ =	swait.eq @!p0 [sflag:s6], $0x1  }
0xb2: {  	s5 =	sor.u32 @!p0 s5, s7;
	[sflag:s6] =	ssyncadd.s32 @!p0 $0xFFFFFFFF  }
0xb3: {  	s25 =	simm.s32 $0x1B8E;
	s24 =	sld [smem:$0x3FFE];
	[sflag:s5] =	ssyncadd.remote.s32 @!p0 $0x1  }
0xb4: {  	s26 =	simm.s32 $execute0_lowered;
	[smem:$0x3FD2] =	sst s25  }
0xb5: {  	s6 =	sshll.u32 s26, $0x1;
	_ =	strace $0x80000049;
	[dreg:$0x1] =	wrdreg $0xFFFFFFFF  }
0xb6: {  	s28 =	simm.s32 $_size_execute0_lowered;
	s4 =	sadd.s32 s4, s6;
	[dreg:$0x0] =	wrdreg $0x0  }
0xb7: {  	s6 =	sshll.u32 s28, $0x1;
	[dreg:$0x2] =	wrdreg s4  }
0xb8: {  	[dreg:$0x3] =	wrdreg s6  }
0xb9: {  	[dreg:$0x4] =	wrdreg $0xC0  }
0xba: {  	_ =	task [dreg:s22], $0x5FFFF  }
0xbb: {  	[dreg:$0x1] =	wrdreg $0xFFFFFFFF  }
0xbc: {  	[dreg:$0x0] =	wrdreg $0x60  }
0xbd: {  	[dreg:$0x2] =	wrdreg s18  }
0xbe: {  	[dreg:$0x3] =	wrdreg s24  }
0xbf: {  	[dreg:$0x4] =	wrdreg $0xAA000  }
0xc0: {  	[dreg:$0x5] =	wrdreg $0xA  }
0xc1: {  	_ =	task.clear_ibuf [dreg:s22], $0x6FFFF;
	_ =	strace $0x90000049  }
0xc2: {  	s29 =	simm.s32 $0xA;
	_ =	strace $0x8000004B  }
0xc3: {  	_ =	swait.ge [sflag:s29], $0x1  }
0xc4: {  	[sflag:s29] =	ssyncadd.s32 $0xFFFFFFFF  }
0xc5: {  	_ =	strace $0x9000004B  }
0xc6: {  	_ =	sfence  }
0xc7: {  	s30 =	sld [smem:$0x0];
	_ =	sdelay $0x2  }
0xc8: {  	s31 =	sshll.u32 s1, $0xD;
	s1 =	sshrl.u32 s1, $0x2  }
0xc9: {  	s4 =	sand.u32 $0x4000, s31;
	s1 =	sadd.s32 s1, s30  }
0xca: {  	s0 =	sor.u32 s4, s0;
	s1 =	sshll.u32 s1, $0x11  }
0xcb: {  	s0 =	sor.u32 s1, s0  }
0xcc: {  	s0 =	sadd.s32 $0x8F2B, s0  }
0xcd: {  	[sflag:s0] =	ssyncadd.remote.s32 $0x1  }
0xce: {  	_ =	sfence.sel $0xFFFF  }
0xcf: {  	[dreg:$0x0] =	wrdreg $0xFFFFFFFF;
	(pc) =	sbr.abs _section_cstart, $3  }
0xd0: {  	[dreg:$0x1] =	wrdreg $0xFFFFFFFF  }
0xd1: {  	_ =	task.clear_ibuf [dreg:s22], $0x2FFFF;
	_ =	strace $0x9FFFFFFF  }
0xd2: {  	(tm) =	ssettm $0x7FFFFFFF  }
0xd3: {  	_ =	shalt  }
tec
execute0_lowered:
.L_overlay_start_1:
0x0: {  	(tag) =	ssettag $0x1  }
0x1: {  	s0 =	srdreg.scid;
	s1 =	rddreg [dreg:$0x0]  }
0x2: {  	s12 =	stileid.u32;
	s5 =	rddreg [dreg:$0x1]  }
0x3: {  	s3 =	rddreg [dreg:$0x2];
	s4 =	simm.s32 $0x0;
	s17 =	simm.s32 $0x80  }
0x4: {  	s18 =	simm.s32 $0x100;
	s19 =	simm.s32 $0x180;
	s28 =	simm.s32 $0x5  }
0x5: {  	s29 =	simm.s32 $0x2;
	s30 =	simm.s32 $0x6;
	s6 =	smul.u32 $0x13C00, s12  }
0x6: {  	s31 =	simm.s32 $0x0;
	s0 =	sand.u32 $0x1, s0;
	s21 =	smul.u32 $0x4F000, s12  }
0x7: {  	s2 =	sshll.u32 s12, $0x1;
	[smem:$0x7FF] =	sst s4;
	s12 =	smul.u32 $0xA0, s12  }
0x8: {  	s8 =	sadd.s32 $0xDCE00, s5;
	s2 =	sor.u32 s0, s2;
	s7 =	smul.u32 $0x13C000, s0  }
0x9: {  	_ =	strace $0x8000004A;
	s11 =	ssub.s32 $0x2, s0;
	s0 =	smul.u32 $0x50, s0  }
0xa: {  	s2 =	smul.u32 $0x500, s2;
	s10 =	sshrl.u32 s6, $0x3;
	s13 =	sshrl.u32 s11, $0x1  }
0xb: {  	s6 =	sadd.s32 s6, s7;
	s20 =	sadd.s32 s10, s5;
	s22 =	ssub.s32 s11, s13  }
0xc: {  	s10 =	sshrl.u32 s21, $0x2;
	s0 =	sadd.s32 s0, s12;
	s21 =	simm.s32 $0x2A00  }
0xd: {  	s9 =	sadd.s32 s2, s5;
	s6 =	sshrl.u32 s6, $0x3;
	s26 =	sadd.s32 s10, s3  }
0xe: {  	s0 =	sshll.u32 s0, $0x4;
	s7 =	sadd.s32 $0x17600, s20;
	s13 =	smax.u32 s22, $0x1  }
0xf: {  	s20 =	simm.s32 $0x3;
	s6 =	sadd.s32 s6, s5;
	[dreg:$0x8] =	wrdreg s26  }
0x10: {  	s5 =	sadd.s32 s8, s2;
	s9 =	sadd.s32 $0x3600, s9;
	[dreg:$0x9] =	wrdreg s7  }
0x11: {  	s22 =	simm.s32 $0x4;
	s23 =	sadd.s32 $0x10, s5;
	[dreg:$0x7] =	wrdreg s9  }
.Ltmp0:
0x12: {  	s24 =	sadd.s32 $0x20, s5;
	[dreg:$0x4] =	wrdreg s23;
	(pc) =	sbr.rel .LBB2_1-.Ltmp0, $4  }
0x13: {  	s0 =	sadd.s32 s0, s8;
	s25 =	sadd.s32 $0x30, s5;
	[dreg:$0x5] =	wrdreg s24  }
0x14: {  	s26 =	simm.s32 $0x1;
	s6 =	sadd.s32 $0xE6E00, s6;
	[dreg:$0x6] =	wrdreg s25  }
0x15: {  	s7 =	sadd.s32 $0x70, s0;
	[dreg:$0xa] =	wrdreg s6;
	s6 =	sadd.s32 $0x60, s0  }
0x16: {  	s24 =	sadd.s32 $0x40, s0;
	s23 =	simm.s32 $0x6A00;
	s25 =	simm.s32 $0x7  }
.LBB2_4:
0x17: {  	_ =	swait.ge [sflag:s29], $0x4000  }
0x18: {  	[sflag:s29] =	ssyncset.done $0x0  }
0x19: {  	[sflag:s29] =	ssyncadd.s32 $0xFFFFC000  }
0x1a: {  	[spmem:s3] =	stream.indirect.scatter.add.f32 [tilespmem:s23], [sflag:$0x7], $0x80, s9, s17, $0xb8;
	[tilespmem:$0x1E600] =	vst v63  }
0x1b: {  	_ =	swait.ge [sflag:s25], $0x4000  }
0x1c: {  	[sflag:s25] =	ssyncset.done $0x0  }
0x1d: {  	s31 =	sadd.s32 $0x1, s31;
	[sflag:s25] =	ssyncadd.s32 $0xFFFFC000  }
0x1e: {  	p0 =	sne.s32 s31, s13;
	[bflag:$0x0] =	sbarrier.arrive $0xFFFF  }
.Ltmp1:
0x1f: {  	s8 =	rddreg [dreg:$0xa];
	(pc) =	sbr.rel @!p0 .LBB2_5-.Ltmp1, $4  }
0x20: {  	[hbm:s8], [sflag:s2] =	dma.local [spmem:s0], $0x2780  }
0x21: {  	_ =	swait.ge [sflag:s25], $0x2780  }
0x22: {  	[sflag:s25] =	ssyncset.done $0x0  }
0x23: {  	[sflag:s25] =	ssyncadd.s32 $0xFFFFD880  }
.LBB2_1:
0x24: {  	[tilespmem:s4], [sflag:$0x3] =	stream.linear.gather [hbm4b:s5+s4], $0x80, $0x38;
	[tilespmem:$0x1E600] =	vst v63  }
0x25: {  	s0 =	rddreg [dreg:$0x4]  }
0x26: {  	[tilespmem:s17], [sflag:$0x4] =	stream.linear.gather [hbm4b:s0+s4], $0x80, $0x38;
	[tilespmem:$0x1E600] =	vst v63  }
0x27: {  	s11 =	rddreg [dreg:$0x5]  }
0x28: {  	[tilespmem:s18], [sflag:$0x5] =	stream.linear.gather [hbm4b:s11+s4], $0x80, $0x38;
	[tilespmem:$0x1E600] =	vst v63  }
0x29: {  	s12 =	rddreg [dreg:$0x6]  }
0x2a: {  	[tilespmem:s19], [sflag:$0x6] =	stream.linear.gather [hbm4b:s12+s4], $0x80, $0x38;
	[tilespmem:$0x1E600] =	vst v63  }
0x2b: {  	_ =	swait.ge [sflag:s20], $0x80  }
0x2c: {  	[sflag:s20] =	ssyncset.done $0x0  }
0x2d: {  	[sflag:s20] =	ssyncadd.s32 $0xFFFFFF80  }
0x2e: {  	[tilespmem:s21], [sflag:$0x1] =	stream.indirect.gather [hbm4b:s1+s17], $0x80, s4, s17, $0xb8;
	[tilespmem:$0x1E600] =	vst v63  }
0x2f: {  	_ =	swait.ge [sflag:s22], $0x80  }
0x30: {  	[sflag:s22] =	ssyncset.done $0x0  }
0x31: {  	[sflag:s22] =	ssyncadd.s32 $0xFFFFFF80  }
0x32: {  	[tilespmem:s23], [sflag:$0x2] =	stream.indirect.gather [hbm4b:s1+s17], $0x80, s17, s17, $0xb8;
	[tilespmem:$0x1E600] =	vst v63  }
0x33: {  	s2 =	simm.s32 $0x200;
	s15 =	stileid.u32;
	s14 =	rddreg [dreg:$0x7]  }
0x34: {  	[tilespmem:s2], [sflag:$0x7] =	stream.linear.gather [hbm4b:s14+s4], $0x2800, $0x38;
	[tilespmem:$0x1E600] =	vst v63  }
0x35: {  	s0 =	sshll.u32 s15, $0x6;
	_ =	swait.ge [sflag:s25], $0x2800  }
0x36: {  	s2 =	sor.u32 $0x1C07, s0;
	[sflag:s25] =	ssyncset.done $0x0;
	s16 =	rddreg [dreg:$0x8]  }
0x37: {  	s8 =	rddreg [dreg:$0x9];
	[sflag:s25] =	ssyncadd.s32 $0xFFFFD800;
	s0 =	sshrl.u32 s16, $0x3  }
0x38: {  	[spmem:s0], [sflag:s2] =	dma.local [hbm:s8], $0x2780  }
0x39: {  	_ =	swait.ge [sflag:s25], $0x2780  }
0x3a: {  	[sflag:s25] =	ssyncset.done $0x0  }
0x3b: {  	s15 =	smov.u32 s6;
	s14 =	smov.u32 s7;
	[sflag:s25] =	ssyncadd.s32 $0xFFFFD880  }
0x3c: {  	s16 =	smov.u32 s24;
	s8 =	simm.s32 $0x0;
	[bflag:$0x0] =	sbarrier.arrive $0xFFFF  }
.LBB2_2:
0x3d: {  	_ =	swait.ge [sflag:s26], $0x4000  }
0x3e: {  	s9 =	sshra.s32 s8, $0x2;
	[sflag:s26] =	ssyncset.done $0x0  }
0x3f: {  	s10 =	sadd.s32 $0x200, s9;
	[sflag:s26] =	ssyncadd.s32 $0xFFFFC000  }
0x40: {  	[spmem:s3] =	stream.indirect.scatter.add.f32 [tilespmem:s21], [sflag:$0x7], $0x80, s10, s17, $0xb8;
	[tilespmem:$0x1E600] =	vst v63  }
0x41: {  	_ =	swait.ge [sflag:s25], $0x4000  }
0x42: {  	p0 =	seq.s32 s8, $0x9800;
	[sflag:s25] =	ssyncset.done $0x0  }
0x43: {  	s10 =	simm.s32 @!p0 $0x0;
	[sflag:s25] =	ssyncadd.s32 $0xFFFFC000  }
0x44: {  	[tilespmem:s10], [sflag:$0x3] =	stream.linear.gather @!p0 [hbm4b:s16+s10], $0x80, $0x38;
	[tilespmem:$0x1E600] =	vst v63  }
0x45: {  	_ =	swait.ge [sflag:s28], $0x80  }
0x46: {  	[sflag:s28] =	ssyncset.done $0x0  }
0x47: {  	[sflag:s28] =	ssyncadd.s32 $0xFFFFFF80  }
0x48: {  	[tilespmem:s21], [sflag:$0x1] =	stream.indirect.gather [hbm4b:s1+s17], $0x80, s18, s17, $0xb8;
	[tilespmem:$0x1E600] =	vst v63  }
0x49: {  	_ =	swait.ge [sflag:s29], $0x4000  }
0x4a: {  	[sflag:s29] =	ssyncset.done $0x0  }
0x4b: {  	s11 =	sadd.s32 $0x280, s9;
	[sflag:s29] =	ssyncadd.s32 $0xFFFFC000  }
0x4c: {  	[spmem:s3] =	stream.indirect.scatter.add.f32 [tilespmem:s23], [sflag:$0x7], $0x80, s11, s17, $0xb8;
	[tilespmem:$0x1E600] =	vst v63  }
0x4d: {  	_ =	swait.ge [sflag:s25], $0x4000  }
0x4e: {  	[sflag:s25] =	ssyncset.done $0x0  }
0x4f: {  	s12 =	simm.s32 @!p0 $0x80;
	s11 =	sadd.s32 @!p0 $0xFFFFFFE0, s14;
	[sflag:s25] =	ssyncadd.s32 $0xFFFFC000  }
0x50: {  	[tilespmem:s12], [sflag:$0x4] =	stream.linear.gather @!p0 [hbm4b:s11+s10], $0x80, $0x38;
	[tilespmem:$0x1E600] =	vst v63  }
0x51: {  	_ =	swait.ge [sflag:s30], $0x80  }
0x52: {  	[sflag:s30] =	ssyncset.done $0x0  }
0x53: {  	[sflag:s30] =	ssyncadd.s32 $0xFFFFFF80  }
0x54: {  	[tilespmem:s23], [sflag:$0x2] =	stream.indirect.gather [hbm4b:s1+s17], $0x80, s19, s17, $0xb8;
	[tilespmem:$0x1E600] =	vst v63  }
0x55: {  	_ =	swait.ge [sflag:s26], $0x4000  }
0x56: {  	[sflag:s26] =	ssyncset.done $0x0  }
.Ltmp2:
0x57: {  	s12 =	sadd.s32 $0x300, s9;
	[sflag:s26] =	ssyncadd.s32 $0xFFFFC000;
	(pc) =	sbr.rel @p0 .LBB2_4-.Ltmp2, $4  }
0x58: {  	[spmem:s3] =	stream.indirect.scatter.add.f32 [tilespmem:s21], [sflag:$0x7], $0x80, s12, s17, $0xb8;
	[tilespmem:$0x1E600] =	vst v63  }
0x59: {  	_ =	swait.ge [sflag:s25], $0x4000  }
0x5a: {  	[sflag:s25] =	ssyncset.done $0x0  }
0x5b: {  	s9 =	sadd.s32 $0x380, s9;
	[sflag:s25] =	ssyncadd.s32 $0xFFFFC000  }
0x5c: {  	[tilespmem:s18], [sflag:$0x5] =	stream.linear.gather [hbm4b:s15+s4], $0x80, $0x38;
	[tilespmem:$0x1E600] =	vst v63  }
0x5d: {  	_ =	swait.ge [sflag:s20], $0x80  }
0x5e: {  	[sflag:s20] =	ssyncset.done $0x0  }
0x5f: {  	[sflag:s20] =	ssyncadd.s32 $0xFFFFFF80  }
0x60: {  	[tilespmem:s21], [sflag:$0x1] =	stream.indirect.gather [hbm4b:s1+s17], $0x80, s4, s17, $0xb8;
	[tilespmem:$0x1E600] =	vst v63  }
0x61: {  	_ =	swait.ge [sflag:s29], $0x4000  }
0x62: {  	[sflag:s29] =	ssyncset.done $0x0  }
0x63: {  	[sflag:s29] =	ssyncadd.s32 $0xFFFFC000  }
0x64: {  	[spmem:s3] =	stream.indirect.scatter.add.f32 [tilespmem:s23], [sflag:$0x7], $0x80, s9, s17, $0xb8;
	[tilespmem:$0x1E600] =	vst v63  }
0x65: {  	_ =	swait.ge [sflag:s25], $0x4000  }
0x66: {  	[sflag:s25] =	ssyncset.done $0x0  }
0x67: {  	[sflag:s25] =	ssyncadd.s32 $0xFFFFC000  }
0x68: {  	[tilespmem:s19], [sflag:$0x6] =	stream.linear.gather [hbm4b:s14+s4], $0x80, $0x38;
	[tilespmem:$0x1E600] =	vst v63  }
.Ltmp3:
0x69: {  	_ = 	snop;
	(pc) =	sbr.rel .LBB2_2-.Ltmp3, $4  }
0x6a: {  	_ =	swait.ge [sflag:s22], $0x80  }
0x6b: {  	s8 =	sadd.s32 $0x800, s8;
	s15 =	sadd.s32 $0x40, s15;
	[sflag:s22] =	ssyncset.done $0x0  }
0x6c: {  	s16 =	sadd.s32 $0x40, s16;
	s14 =	sadd.s32 $0x40, s14;
	[sflag:s22] =	ssyncadd.s32 $0xFFFFFF80  }
0x6d: {  	[tilespmem:s23], [sflag:$0x2] =	stream.indirect.gather [hbm4b:s1+s17], $0x80, s17, s17, $0xb8;
	[tilespmem:$0x1E600] =	vst v63  }
.LBB2_5:
0x6e: {  	_ =	sfence.sel $0x180000  }
0x6f: {  	[bflag:$0x0] =	sbarrier.arrive $0xFFFF  }
0x70: {  	_ =	strace $0x9000004A  }
0x71: {  	s0 =	stileid.u32;
	[bflag:$0x2] =	sbarrier.arrive $0xFFFF  }
0x72: {  	p0 =	sne.s32 s0, $0x0;
	s0 =	rddreg [dreg:$0x3]  }
0x73: {  	s0 =	sadd.s32 @!p0 $0x100000, s0  }
0x74: {  	[sflag:s0] =	ssyncadd.tile.s32 @!p0 $0x1;
	_ =	shalt  }
.Lfunc_end2:
_tile_overlayer_lowered:
.L_overlay_start_2:
0x75: {  	(tag) =	ssettag $0x2  }
0x76: {  	s0 =	rddreg [dreg:$0x0];
	s2 =	stileid.u32  }
0x77: {  	s1 =	rddreg [dreg:$0x1];
	p0 =	sne.s32 s2, $0x0  }
0x78: {  	s3 =	rddreg [dreg:$0x2];
	[bflag:$0x3] =	sbarrier.arrive $0xFFFF;
	s2 =	simm.s32 @!p0 $0x1C07  }
0x79: {  	[timem:s3], [sflag:s2] =	dma.local @!p0 [hbm:s0], s1  }
0x7a: {  	s0 =	simm.s32 @!p0 $0x7  }
0x7b: {  	_ =	swait.ge @!p0 [sflag:s0], s1  }
0x7c: {  	s1 =	ssub.s32 @!p0 $0x0, s1;
	[sflag:s0] =	ssyncset.done @!p0 $0x0  }
0x7d: {  	[sflag:s0] =	ssyncadd.s32 @!p0 s1  }
0x7e: {  	[bflag:$0x3] =	sbarrier.arrive $0xFFFF  }
0x7f: {  	_ =	shalt  }

// kernel: kernel.15.cloned.1.call-start
scs
__scs_entry_jumppad:
0x0: {  	(pc) =	sbr.rel $0x88, $3  }
0x1: {  	(tag) =	ssettag $0x0;
	lr =	simm.s32 $0x1  }
0x2: {  	[smem:$0x3F96] =	sst lr;
	_ =	strace $0xD0000000  }
0x3: {  	_ = 	snop  }
0x4: {  	_ = 	snop  }
0x5: {  	_ = 	snop  }
0x6: {  	_ = 	snop  }
0x7: {  	_ = 	snop  }
__scs_overlays_trampoline_lowered:
0x8: {  	[smem:$0x3FA5] =	sst s0  }
0x9: {  	[smem:$0x3FA6] =	sst s1  }
0xa: {  	[smem:$0x3FA7] =	sst s2  }
0xb: {  	[smem:$0x3FA8] =	sst s3  }
0xc: {  	[smem:$0x3FA9] =	sst s4  }
0xd: {  	[smem:$0x3FAA] =	sst s5  }
0xe: {  	[smem:$0x3FAB] =	sst s6  }
0xf: {  	[smem:$0x3FAC] =	sst s7  }
0x10: {  	[smem:$0x3FAD] =	sst s8  }
0x11: {  	[smem:$0x3FAE] =	sst s9;
	s0 =	simm.s32 @!p0 $0x0  }
0x12: {  	s1 =	sld [smem:$0x3F94];
	s0 =	simm.s32 @p0 $0x1  }
0x13: {  	[smem:$0x3FAF] =	sst s0;
	s0 =	simm.s32 @!p1 $0x0  }
0x14: {  	s2 =	sld [smem:$0x3F93];
	s0 =	simm.s32 @p1 $0x1  }
0x15: {  	[smem:$0x3FB0] =	sst s0;
	s0 =	simm.s32 @!p2 $0x0  }
0x16: {  	s3 =	sld [smem:$0x3FDB];
	s0 =	simm.s32 @p2 $0x1  }
0x17: {  	s4 =	simm.s32 $0x1BF5;
	[smem:$0x3FB2] =	sst s0  }
0x18: {  	s0 =	sld [smem:$0x3F95];
	_ =	swait.ge [sflag:s4], $0x0  }
0x19: {  	s7 =	sld [smem:$0x3F96]  }
0x1a: {  	s8 =	sadd.s32 $0xFFFFE003, lr  }
0x1b: {  	s9 =	sadd.s32 $0xFFFFFEF7, lr;
	s5 =	simm.s32 $0xFFFFFFFF;
	p2 =	slt.u32 s8, $0xFFFFF086  }
0x1c: {  	p1 =	slt.u32 s9, $0xF7A;
	s5 =	simm.s32 @!p2 $0x0  }
0x1d: {  	s5 =	simm.s32 @p1 $0x1;
	p0 =	seq.s32 s7, s2  }
0x1e: {  	s7 =	smul.u32 @!p0 $0xF7A, s2;
	p2 =	seq.s32 @!p0 s5, $0x0  }
0x1f: {  	s9 =	smul.u32 $0xF7A, s1;
	s8 =	simm.s32 @!p0 $0x1BF5;
	p2 =	por !p2, p0  }
0x20: {  	[sflag:s8] =	ssyncset.s32 @!p0 $0xFFFFF086;
	s6 =	sadd.s32 @!p0 s3, s7;
	s7 =	simm.s32 @!p0 $0x108  }
0x21: {  	s3 =	sadd.s32 s3, s9;
	s6 =	sadd.s32 @!p0 $0x88, s6;
	s7 =	simm.s32 @p2 $0x1082  }
0x22: {  	[simem:s7], [sflag:s8] =	dma.local @!p0 [hbm:s6], $0xF7A  }
0x23: {  	s9 =	sor.u32 $0xD0000000, s2;
	s6 =	simm.s32 $0x108;
	_ =	swait.ge @!p0 [sflag:s8], $0x0  }
0x24: {  	s3 =	sadd.s32 $0x88, s3;
	s6 =	simm.s32 @!p1 $0x1082;
	[sflag:s4] =	ssyncset.s32 $0xFFFFF086  }
0x25: {  	[simem:s6], [sflag:s4] =	dma.local [hbm:s3], $0xF7A  }
0x26: {  	[smem:$0x3F96] =	sst s1;
	(tag) =	ssettag s2;
	_ =	strace s9  }
0x27: {  	s1 =	sld [smem:$0x3FA6]  }
0x28: {  	s2 =	sld [smem:$0x3FA7]  }
0x29: {  	s4 =	sld [smem:$0x3FA9]  }
0x2a: {  	p0 =	seq.s32 s5, $0x0;
	s5 =	sld [smem:$0x3FAA]  }
0x2b: {  	s6 =	sld [smem:$0x3FAB]  }
0x2c: {  	s7 =	sld [smem:$0x3FAC]  }
0x2d: {  	s3 =	simm.s32 $0x108;
	s8 =	sld [smem:$0x3FAD]  }
0x2e: {  	s3 =	simm.s32 @!p0 $0x1082;
	s9 =	sld [smem:$0x3FAE]  }
0x2f: {  	lr =	sadd.s32 s0, s3;
	s0 =	sld [smem:$0x3FA5]  }
0x30: {  	s3 =	sld [smem:$0x3FA8]  }
0x31: {  	[smem:$0x3FB1] =	sst s10  }
0x32: {  	s10 =	sld [smem:$0x3FAF];
	_ =	sdelay $0x3  }
0x33: {  	p0 =	seq.s32 s10, $0x1;
	s10 =	sld [smem:$0x3FB1];
	_ =	sdelay $0x3  }
0x34: {  	[smem:$0x3FB1] =	sst s10  }
0x35: {  	s10 =	sld [smem:$0x3FB0];
	_ =	sdelay $0x3  }
0x36: {  	p1 =	seq.s32 s10, $0x1;
	s10 =	sld [smem:$0x3FB1];
	_ =	sdelay $0x3  }
0x37: {  	[smem:$0x3FB1] =	sst s10  }
0x38: {  	s10 =	sld [smem:$0x3FB2]  }
0x39: {  	_ = 	snop;
	(pc) =	sbr.ind lr, $3  }
0x3a: {  	_ = 	snop  }
0x3b: {  	_ = 	snop  }
0x3c: {  	p2 =	seq.s32 s10, $0x1;
	s10 =	sld [smem:$0x3FB1]  }
0x3d: {  	_ =	shalt  }
0x3e: {  	_ =	shalt  }
0x3f: {  	_ =	shalt  }
0x40: {  	_ =	shalt  }
0x41: {  	_ =	shalt  }
0x42: {  	_ =	shalt  }
0x43: {  	_ =	shalt  }
0x44: {  	_ =	shalt  }
0x45: {  	_ =	shalt  }
0x46: {  	_ =	shalt  }
0x47: {  	_ =	shalt  }
0x48: {  	_ =	shalt  }
0x49: {  	_ =	shalt  }
0x4a: {  	_ =	shalt  }
0x4b: {  	_ =	shalt  }
0x4c: {  	_ =	shalt  }
0x4d: {  	_ =	shalt  }
0x4e: {  	_ =	shalt  }
0x4f: {  	_ =	shalt  }
0x50: {  	_ =	shalt  }
0x51: {  	_ =	shalt  }
0x52: {  	_ =	shalt  }
0x53: {  	_ =	shalt  }
0x54: {  	_ =	shalt  }
0x55: {  	_ =	shalt  }
0x56: {  	_ =	shalt  }
0x57: {  	_ =	shalt  }
0x58: {  	_ =	shalt  }
0x59: {  	_ =	shalt  }
0x5a: {  	_ =	shalt  }
0x5b: {  	_ =	shalt  }
0x5c: {  	_ =	shalt  }
0x5d: {  	_ =	shalt  }
0x5e: {  	_ =	shalt  }
0x5f: {  	_ =	shalt  }
0x60: {  	_ =	shalt  }
0x61: {  	_ =	shalt  }
0x62: {  	_ =	shalt  }
0x63: {  	_ =	shalt  }
0x64: {  	_ =	shalt  }
0x65: {  	_ =	shalt  }
0x66: {  	_ =	shalt  }
0x67: {  	_ =	shalt  }
0x68: {  	_ =	shalt  }
0x69: {  	_ =	shalt  }
0x6a: {  	_ =	shalt  }
0x6b: {  	_ =	shalt  }
0x6c: {  	_ =	shalt  }
0x6d: {  	_ =	shalt  }
0x6e: {  	_ =	shalt  }
0x6f: {  	_ =	shalt  }
0x70: {  	_ =	shalt  }
0x71: {  	_ =	shalt  }
0x72: {  	_ =	shalt  }
0x73: {  	_ =	shalt  }
0x74: {  	_ =	shalt  }
0x75: {  	_ =	shalt  }
0x76: {  	_ =	shalt  }
0x77: {  	_ =	shalt  }
0x78: {  	_ =	shalt  }
0x79: {  	_ =	shalt  }
0x7a: {  	_ =	shalt  }
0x7b: {  	_ =	shalt  }
0x7c: {  	_ =	shalt  }
0x7d: {  	_ =	shalt  }
0x7e: {  	_ =	shalt  }
0x7f: {  	_ =	shalt  }
0x80: {  	_ =	shalt  }
0x81: {  	_ =	shalt  }
0x82: {  	_ =	shalt  }
0x83: {  	_ =	shalt  }
0x84: {  	_ =	shalt  }
0x85: {  	_ =	shalt  }
0x86: {  	_ =	shalt  }
0x87: {  	_ =	shalt  }
.Lfunc_end0:
.L_simem_size_0:
called_computation.2_lowered:
.L_overlay_start_0:
0x88: {  	s2 =	sld [smem:$0x3FD9]  }
0x89: {  	s3 =	sld [smem:$0x3FFE];
	_ =	sdelay $0x1  }
0x8a: {  	s1 =	srdreg.scid  }
0x8b: {  	s0 =	sand.u32 $0x1, s1  }
0x8c: {  	s17 =	sshll.u32 s0, $0xA;
	s2 =	sadd.s32 s3, s2  }
0x8d: {  	s2 =	sadd.s32 s2, s17  }
0x8e: {  	[smem:$0x3FBD] =	sst s2  }
0x8f: {  	_ = 	snop  }
0x90: {  	s2 =	sld [smem:$0x3FD0];
	(tm) =	ssettm $0x1  }
0x91: {  	s18 =	sld [smem:$0x3FFB];
	_ =	sdelay $0x3  }
0x92: {  	_ =	strace s18  }
0x93: {  	s3 =	sld [smem:$0x3FFC];
	_ =	sdelay $0x3  }
0x94: {  	_ =	strace s3  }
0x95: {  	s3 =	sld [smem:$0x3FFD];
	_ =	sdelay $0x3  }
0x96: {  	_ =	strace s3  }
0x97: {  	_ =	strace $0x8FFFFFFF  }
0x98: {  	s19 =	sld [smem:$0x3FDB];
	_ =	sdelay $0x1  }
0x99: {  	s4 =	simm.s32 $_scs_section_size  }
0x9a: {  	s5 =	simm.s32 $_size__tile_overlayer_lowered;
	s6 =	simm.s32 $_tile_overlayer_lowered  }
0x9b: {  	s22 =	simm.s32 $0x1BFF;
	s21 =	sshll.u32 s6, $0x1;
	s3 =	sadd.s32 s4, s19  }
0x9c: {  	s7 =	simm.s32 $0x0;
	s20 =	sshll.u32 s5, $0x1;
	s5 =	sadd.s32 s21, s3  }
0x9d: {  	[timem:s7], [sflag:s22] =	dma.local [hbm:s5], s20  }
0x9e: {  	_ =	swait.ge [sflag:s22], s20  }
0x9f: {  	s4 =	ssub.s32 $0x0, s20;
	[sflag:s22] =	ssyncset.done $0x0  }
0xa0: {  	[sflag:s22] =	ssyncadd.s32 s4;
	_ =	sdelay $0x1  }
0xa1: {  	s23 =	simm.s32 $0x1B8B  }
0xa2: {  	_ =	swait.ge [sflag:s23], $0x1  }
0xa3: {  	[sflag:s23] =	ssyncset.done $0x0  }
0xa4: {  	s25 =	simm.s32 $0x1B8E;
	s24 =	sld [smem:$0x3FFE];
	[sflag:s23] =	ssyncadd.s32 $0xFFFFFFFF  }
0xa5: {  	s26 =	simm.s32 $execute0_lowered;
	[smem:$0x3FD2] =	sst s25  }
0xa6: {  	s5 =	sshll.u32 s26, $0x1;
	_ =	strace $0x8000004C;
	[dreg:$0x1] =	wrdreg $0xFFFFFFFF  }
0xa7: {  	s28 =	simm.s32 $_size_execute0_lowered;
	s3 =	sadd.s32 s3, s5;
	[dreg:$0x0] =	wrdreg $0x0  }
0xa8: {  	s5 =	sshll.u32 s28, $0x1;
	[dreg:$0x2] =	wrdreg s3  }
0xa9: {  	[dreg:$0x3] =	wrdreg s5  }
0xaa: {  	[dreg:$0x4] =	wrdreg $0xC0  }
0xab: {  	_ =	task [dreg:s7], $0x5FFFF  }
0xac: {  	[dreg:$0x1] =	wrdreg $0xFFFFFFFF  }
0xad: {  	[dreg:$0x0] =	wrdreg $0x60  }
0xae: {  	[dreg:$0x2] =	wrdreg s2  }
0xaf: {  	[dreg:$0x3] =	wrdreg s24  }
0xb0: {  	[dreg:$0x4] =	wrdreg $0xAA000  }
0xb1: {  	[dreg:$0x5] =	wrdreg $0x9  }
0xb2: {  	_ =	task.clear_ibuf [dreg:s7], $0x6FFFF;
	_ =	strace $0x9000004C  }
0xb3: {  	s29 =	simm.s32 $0x9;
	_ =	strace $0x8000004E  }
0xb4: {  	_ =	swait.ge [sflag:s29], $0x1  }
0xb5: {  	[sflag:s29] =	ssyncadd.s32 $0xFFFFFFFF  }
0xb6: {  	_ =	strace $0x9000004E  }
0xb7: {  	_ =	sfence  }
0xb8: {  	s30 =	sld [smem:$0x0];
	_ =	sdelay $0x2  }
0xb9: {  	s31 =	sshll.u32 s1, $0xD;
	s1 =	sshrl.u32 s1, $0x2  }
0xba: {  	s3 =	sand.u32 $0x4000, s31;
	s1 =	sadd.s32 s1, s30  }
0xbb: {  	s0 =	sor.u32 s3, s0;
	s1 =	sshll.u32 s1, $0x11  }
0xbc: {  	s0 =	sor.u32 s1, s0  }
0xbd: {  	s0 =	sadd.s32 $0x8F2B, s0  }
0xbe: {  	[sflag:s0] =	ssyncadd.remote.s32 $0x1  }
0xbf: {  	_ =	sfence.sel $0xFFFF  }
0xc0: {  	[dreg:$0x0] =	wrdreg $0xFFFFFFFF;
	(pc) =	sbr.abs _section_cstart, $3  }
0xc1: {  	[dreg:$0x1] =	wrdreg $0xFFFFFFFF  }
0xc2: {  	_ =	task.clear_ibuf [dreg:s7], $0x2FFFF;
	_ =	strace $0x9FFFFFFF  }
0xc3: {  	(tm) =	ssettm $0x7FFFFFFF  }
tec
execute0_lowered:
.L_overlay_start_1:
0x0: {  	(tag) =	ssettag $0x1  }
0x1: {  	s0 =	srdreg.scid;
	s1 =	rddreg [dreg:$0x0]  }
0x2: {  	s12 =	stileid.u32;
	s5 =	rddreg [dreg:$0x1]  }
0x3: {  	s3 =	rddreg [dreg:$0x2];
	s4 =	simm.s32 $0x0;
	s17 =	simm.s32 $0x80  }
0x4: {  	s18 =	simm.s32 $0x100;
	s19 =	simm.s32 $0x180;
	s28 =	simm.s32 $0x5  }
0x5: {  	s29 =	simm.s32 $0x2;
	s30 =	simm.s32 $0x6;
	s6 =	smul.u32 $0x13C00, s12  }
0x6: {  	s31 =	simm.s32 $0x0;
	s0 =	sand.u32 $0x1, s0;
	s21 =	smul.u32 $0x4F000, s12  }
0x7: {  	s2 =	sshll.u32 s12, $0x1;
	[smem:$0x7FF] =	sst s4;
	s12 =	smul.u32 $0xA0, s12  }
0x8: {  	s8 =	sadd.s32 $0xDCE00, s5;
	s2 =	sor.u32 s0, s2;
	s7 =	smul.u32 $0x13C000, s0  }
0x9: {  	_ =	strace $0x8000004D;
	s11 =	ssub.s32 $0x2, s0;
	s0 =	smul.u32 $0x50, s0  }
0xa: {  	s2 =	smul.u32 $0x500, s2;
	s10 =	sshrl.u32 s6, $0x3;
	s13 =	sshrl.u32 s11, $0x1  }
0xb: {  	s6 =	sadd.s32 s6, s7;
	s20 =	sadd.s32 s10, s5;
	s22 =	ssub.s32 s11, s13  }
0xc: {  	s10 =	sshrl.u32 s21, $0x2;
	s0 =	sadd.s32 s0, s12;
	s21 =	simm.s32 $0x2A00  }
0xd: {  	s9 =	sadd.s32 s2, s5;
	s6 =	sshrl.u32 s6, $0x3;
	s26 =	sadd.s32 s10, s3  }
0xe: {  	s0 =	sshll.u32 s0, $0x4;
	s7 =	sadd.s32 $0x17600, s20;
	s13 =	smax.u32 s22, $0x1  }
0xf: {  	s20 =	simm.s32 $0x3;
	s6 =	sadd.s32 s6, s5;
	[dreg:$0x8] =	wrdreg s26  }
0x10: {  	s5 =	sadd.s32 s8, s2;
	s9 =	sadd.s32 $0x3600, s9;
	[dreg:$0x9] =	wrdreg s7  }
0x11: {  	s22 =	simm.s32 $0x4;
	s23 =	sadd.s32 $0x10, s5;
	[dreg:$0x7] =	wrdreg s9  }
.Ltmp0:
0x12: {  	s24 =	sadd.s32 $0x20, s5;
	[dreg:$0x4] =	wrdreg s23;
	(pc) =	sbr.rel .LBB2_1-.Ltmp0, $4  }
0x13: {  	s0 =	sadd.s32 s0, s8;
	s25 =	sadd.s32 $0x30, s5;
	[dreg:$0x5] =	wrdreg s24  }
0x14: {  	s26 =	simm.s32 $0x1;
	s6 =	sadd.s32 $0xE6E00, s6;
	[dreg:$0x6] =	wrdreg s25  }
0x15: {  	s7 =	sadd.s32 $0x70, s0;
	[dreg:$0xa] =	wrdreg s6;
	s6 =	sadd.s32 $0x60, s0  }
0x16: {  	s24 =	sadd.s32 $0x40, s0;
	s23 =	simm.s32 $0x6A00;
	s25 =	simm.s32 $0x7  }
.LBB2_4:
0x17: {  	_ =	swait.ge [sflag:s29], $0x4000  }
0x18: {  	[sflag:s29] =	ssyncset.done $0x0  }
0x19: {  	[sflag:s29] =	ssyncadd.s32 $0xFFFFC000  }
0x1a: {  	[spmem:s3] =	stream.indirect.scatter.add.f32 [tilespmem:s23], [sflag:$0x7], $0x80, s9, s17, $0xb8;
	[tilespmem:$0x1E600] =	vst v63  }
0x1b: {  	_ =	swait.ge [sflag:s25], $0x4000  }
0x1c: {  	[sflag:s25] =	ssyncset.done $0x0  }
0x1d: {  	s31 =	sadd.s32 $0x1, s31;
	[sflag:s25] =	ssyncadd.s32 $0xFFFFC000  }
0x1e: {  	p0 =	sne.s32 s31, s13;
	[bflag:$0x0] =	sbarrier.arrive $0xFFFF  }
.Ltmp1:
0x1f: {  	s8 =	rddreg [dreg:$0xa];
	(pc) =	sbr.rel @!p0 .LBB2_5-.Ltmp1, $4  }
0x20: {  	[hbm:s8], [sflag:s2] =	dma.local [spmem:s0], $0x2780  }
0x21: {  	_ =	swait.ge [sflag:s25], $0x2780  }
0x22: {  	[sflag:s25] =	ssyncset.done $0x0  }
0x23: {  	[sflag:s25] =	ssyncadd.s32 $0xFFFFD880  }
.LBB2_1:
0x24: {  	[tilespmem:s4], [sflag:$0x3] =	stream.linear.gather [hbm4b:s5+s4], $0x80, $0x38;
	[tilespmem:$0x1E600] =	vst v63  }
0x25: {  	s0 =	rddreg [dreg:$0x4]  }
0x26: {  	[tilespmem:s17], [sflag:$0x4] =	stream.linear.gather [hbm4b:s0+s4], $0x80, $0x38;
	[tilespmem:$0x1E600] =	vst v63  }
0x27: {  	s11 =	rddreg [dreg:$0x5]  }
0x28: {  	[tilespmem:s18], [sflag:$0x5] =	stream.linear.gather [hbm4b:s11+s4], $0x80, $0x38;
	[tilespmem:$0x1E600] =	vst v63  }
0x29: {  	s12 =	rddreg [dreg:$0x6]  }
0x2a: {  	[tilespmem:s19], [sflag:$0x6] =	stream.linear.gather [hbm4b:s12+s4], $0x80, $0x38;
	[tilespmem:$0x1E600] =	vst v63  }
0x2b: {  	_ =	swait.ge [sflag:s20], $0x80  }
0x2c: {  	[sflag:s20] =	ssyncset.done $0x0  }
0x2d: {  	[sflag:s20] =	ssyncadd.s32 $0xFFFFFF80  }
0x2e: {  	[tilespmem:s21], [sflag:$0x1] =	stream.indirect.gather [hbm4b:s1+s17], $0x80, s4, s17, $0xb8;
	[tilespmem:$0x1E600] =	vst v63  }
0x2f: {  	_ =	swait.ge [sflag:s22], $0x80  }
0x30: {  	[sflag:s22] =	ssyncset.done $0x0  }
0x31: {  	[sflag:s22] =	ssyncadd.s32 $0xFFFFFF80  }
0x32: {  	[tilespmem:s23], [sflag:$0x2] =	stream.indirect.gather [hbm4b:s1+s17], $0x80, s17, s17, $0xb8;
	[tilespmem:$0x1E600] =	vst v63  }
0x33: {  	s2 =	simm.s32 $0x200;
	s15 =	stileid.u32;
	s14 =	rddreg [dreg:$0x7]  }
0x34: {  	[tilespmem:s2], [sflag:$0x7] =	stream.linear.gather [hbm4b:s14+s4], $0x2800, $0x38;
	[tilespmem:$0x1E600] =	vst v63  }
0x35: {  	s0 =	sshll.u32 s15, $0x6;
	_ =	swait.ge [sflag:s25], $0x2800  }
0x36: {  	s2 =	sor.u32 $0x1C07, s0;
	[sflag:s25] =	ssyncset.done $0x0;
	s16 =	rddreg [dreg:$0x8]  }
0x37: {  	s8 =	rddreg [dreg:$0x9];
	[sflag:s25] =	ssyncadd.s32 $0xFFFFD800;
	s0 =	sshrl.u32 s16, $0x3  }
0x38: {  	[spmem:s0], [sflag:s2] =	dma.local [hbm:s8], $0x2780  }
0x39: {  	_ =	swait.ge [sflag:s25], $0x2780  }
0x3a: {  	[sflag:s25] =	ssyncset.done $0x0  }
0x3b: {  	s15 =	smov.u32 s6;
	s14 =	smov.u32 s7;
	[sflag:s25] =	ssyncadd.s32 $0xFFFFD880  }
0x3c: {  	s16 =	smov.u32 s24;
	s8 =	simm.s32 $0x0;
	[bflag:$0x0] =	sbarrier.arrive $0xFFFF  }
.LBB2_2:
0x3d: {  	_ =	swait.ge [sflag:s26], $0x4000  }
0x3e: {  	s9 =	sshra.s32 s8, $0x2;
	[sflag:s26] =	ssyncset.done $0x0  }
0x3f: {  	s10 =	sadd.s32 $0x200, s9;
	[sflag:s26] =	ssyncadd.s32 $0xFFFFC000  }
0x40: {  	[spmem:s3] =	stream.indirect.scatter.add.f32 [tilespmem:s21], [sflag:$0x7], $0x80, s10, s17, $0xb8;
	[tilespmem:$0x1E600] =	vst v63  }
0x41: {  	_ =	swait.ge [sflag:s25], $0x4000  }
0x42: {  	p0 =	seq.s32 s8, $0x9800;
	[sflag:s25] =	ssyncset.done $0x0  }
0x43: {  	s10 =	simm.s32 @!p0 $0x0;
	[sflag:s25] =	ssyncadd.s32 $0xFFFFC000  }
0x44: {  	[tilespmem:s10], [sflag:$0x3] =	stream.linear.gather @!p0 [hbm4b:s16+s10], $0x80, $0x38;
	[tilespmem:$0x1E600] =	vst v63  }
0x45: {  	_ =	swait.ge [sflag:s28], $0x80  }
0x46: {  	[sflag:s28] =	ssyncset.done $0x0  }
0x47: {  	[sflag:s28] =	ssyncadd.s32 $0xFFFFFF80  }
0x48: {  	[tilespmem:s21], [sflag:$0x1] =	stream.indirect.gather [hbm4b:s1+s17], $0x80, s18, s17, $0xb8;
	[tilespmem:$0x1E600] =	vst v63  }
0x49: {  	_ =	swait.ge [sflag:s29], $0x4000  }
0x4a: {  	[sflag:s29] =	ssyncset.done $0x0  }
0x4b: {  	s11 =	sadd.s32 $0x280, s9;
	[sflag:s29] =	ssyncadd.s32 $0xFFFFC000  }
0x4c: {  	[spmem:s3] =	stream.indirect.scatter.add.f32 [tilespmem:s23], [sflag:$0x7], $0x80, s11, s17, $0xb8;
	[tilespmem:$0x1E600] =	vst v63  }
0x4d: {  	_ =	swait.ge [sflag:s25], $0x4000  }
0x4e: {  	[sflag:s25] =	ssyncset.done $0x0  }
0x4f: {  	s12 =	simm.s32 @!p0 $0x80;
	s11 =	sadd.s32 @!p0 $0xFFFFFFE0, s14;
	[sflag:s25] =	ssyncadd.s32 $0xFFFFC000  }
0x50: {  	[tilespmem:s12], [sflag:$0x4] =	stream.linear.gather @!p0 [hbm4b:s11+s10], $0x80, $0x38;
	[tilespmem:$0x1E600] =	vst v63  }
0x51: {  	_ =	swait.ge [sflag:s30], $0x80  }
0x52: {  	[sflag:s30] =	ssyncset.done $0x0  }
0x53: {  	[sflag:s30] =	ssyncadd.s32 $0xFFFFFF80  }
0x54: {  	[tilespmem:s23], [sflag:$0x2] =	stream.indirect.gather [hbm4b:s1+s17], $0x80, s19, s17, $0xb8;
	[tilespmem:$0x1E600] =	vst v63  }
0x55: {  	_ =	swait.ge [sflag:s26], $0x4000  }
0x56: {  	[sflag:s26] =	ssyncset.done $0x0  }
.Ltmp2:
0x57: {  	s12 =	sadd.s32 $0x300, s9;
	[sflag:s26] =	ssyncadd.s32 $0xFFFFC000;
	(pc) =	sbr.rel @p0 .LBB2_4-.Ltmp2, $4  }
0x58: {  	[spmem:s3] =	stream.indirect.scatter.add.f32 [tilespmem:s21], [sflag:$0x7], $0x80, s12, s17, $0xb8;
	[tilespmem:$0x1E600] =	vst v63  }
0x59: {  	_ =	swait.ge [sflag:s25], $0x4000  }
0x5a: {  	[sflag:s25] =	ssyncset.done $0x0  }
0x5b: {  	s9 =	sadd.s32 $0x380, s9;
	[sflag:s25] =	ssyncadd.s32 $0xFFFFC000  }
0x5c: {  	[tilespmem:s18], [sflag:$0x5] =	stream.linear.gather [hbm4b:s15+s4], $0x80, $0x38;
	[tilespmem:$0x1E600] =	vst v63  }
0x5d: {  	_ =	swait.ge [sflag:s20], $0x80  }
0x5e: {  	[sflag:s20] =	ssyncset.done $0x0  }
0x5f: {  	[sflag:s20] =	ssyncadd.s32 $0xFFFFFF80  }
0x60: {  	[tilespmem:s21], [sflag:$0x1] =	stream.indirect.gather [hbm4b:s1+s17], $0x80, s4, s17, $0xb8;
	[tilespmem:$0x1E600] =	vst v63  }
0x61: {  	_ =	swait.ge [sflag:s29], $0x4000  }
0x62: {  	[sflag:s29] =	ssyncset.done $0x0  }
0x63: {  	[sflag:s29] =	ssyncadd.s32 $0xFFFFC000  }
0x64: {  	[spmem:s3] =	stream.indirect.scatter.add.f32 [tilespmem:s23], [sflag:$0x7], $0x80, s9, s17, $0xb8;
	[tilespmem:$0x1E600] =	vst v63  }
0x65: {  	_ =	swait.ge [sflag:s25], $0x4000  }
0x66: {  	[sflag:s25] =	ssyncset.done $0x0  }
0x67: {  	[sflag:s25] =	ssyncadd.s32 $0xFFFFC000  }
0x68: {  	[tilespmem:s19], [sflag:$0x6] =	stream.linear.gather [hbm4b:s14+s4], $0x80, $0x38;
	[tilespmem:$0x1E600] =	vst v63  }
.Ltmp3:
0x69: {  	_ = 	snop;
	(pc) =	sbr.rel .LBB2_2-.Ltmp3, $4  }
0x6a: {  	_ =	swait.ge [sflag:s22], $0x80  }
0x6b: {  	s8 =	sadd.s32 $0x800, s8;
	s15 =	sadd.s32 $0x40, s15;
	[sflag:s22] =	ssyncset.done $0x0  }
0x6c: {  	s16 =	sadd.s32 $0x40, s16;
	s14 =	sadd.s32 $0x40, s14;
	[sflag:s22] =	ssyncadd.s32 $0xFFFFFF80  }
0x6d: {  	[tilespmem:s23], [sflag:$0x2] =	stream.indirect.gather [hbm4b:s1+s17], $0x80, s17, s17, $0xb8;
	[tilespmem:$0x1E600] =	vst v63  }
.LBB2_5:
0x6e: {  	_ =	sfence.sel $0x180000  }
0x6f: {  	[bflag:$0x0] =	sbarrier.arrive $0xFFFF  }
0x70: {  	_ =	strace $0x9000004D  }
0x71: {  	s0 =	stileid.u32;
	[bflag:$0x2] =	sbarrier.arrive $0xFFFF  }
0x72: {  	p0 =	sne.s32 s0, $0x0;
	s0 =	rddreg [dreg:$0x3]  }
0x73: {  	s0 =	sadd.s32 @!p0 $0x100000, s0  }
0x74: {  	[sflag:s0] =	ssyncadd.tile.s32 @!p0 $0x1;
	_ =	shalt  }
.Lfunc_end2:
_tile_overlayer_lowered:
.L_overlay_start_2:
0x75: {  	(tag) =	ssettag $0x2  }
0x76: {  	s0 =	rddreg [dreg:$0x0];
	s2 =	stileid.u32  }
0x77: {  	s1 =	rddreg [dreg:$0x1];
	p0 =	sne.s32 s2, $0x0  }
0x78: {  	s3 =	rddreg [dreg:$0x2];
	[bflag:$0x3] =	sbarrier.arrive $0xFFFF;
	s2 =	simm.s32 @!p0 $0x1C07  }
0x79: {  	[timem:s3], [sflag:s2] =	dma.local @!p0 [hbm:s0], s1  }
0x7a: {  	s0 =	simm.s32 @!p0 $0x7  }
0x7b: {  	_ =	swait.ge @!p0 [sflag:s0], s1  }
0x7c: {  	s1 =	ssub.s32 @!p0 $0x0, s1;
	[sflag:s0] =	ssyncset.done @!p0 $0x0  }
0x7d: {  	[sflag:s0] =	ssyncadd.s32 @!p0 s1  }
0x7e: {  	[bflag:$0x3] =	sbarrier.arrive $0xFFFF  }
0x7f: {  	_ =	shalt  }

// kernel: kernel.18.cloned.1.call-start
scs
__scs_entry_jumppad:
0x0: {  	(pc) =	sbr.rel $0x88, $3  }
0x1: {  	(tag) =	ssettag $0x0;
	lr =	simm.s32 $0x1  }
0x2: {  	[smem:$0x3F96] =	sst lr;
	_ =	strace $0xD0000000  }
0x3: {  	_ = 	snop  }
0x4: {  	_ = 	snop  }
0x5: {  	_ = 	snop  }
0x6: {  	_ = 	snop  }
0x7: {  	_ = 	snop  }
__scs_overlays_trampoline_lowered:
0x8: {  	[smem:$0x3FA5] =	sst s0  }
0x9: {  	[smem:$0x3FA6] =	sst s1  }
0xa: {  	[smem:$0x3FA7] =	sst s2  }
0xb: {  	[smem:$0x3FA8] =	sst s3  }
0xc: {  	[smem:$0x3FA9] =	sst s4  }
0xd: {  	[smem:$0x3FAA] =	sst s5  }
0xe: {  	[smem:$0x3FAB] =	sst s6  }
0xf: {  	[smem:$0x3FAC] =	sst s7  }
0x10: {  	[smem:$0x3FAD] =	sst s8  }
0x11: {  	[smem:$0x3FAE] =	sst s9;
	s0 =	simm.s32 @!p0 $0x0  }
0x12: {  	s1 =	sld [smem:$0x3F94];
	s0 =	simm.s32 @p0 $0x1  }
0x13: {  	[smem:$0x3FAF] =	sst s0;
	s0 =	simm.s32 @!p1 $0x0  }
0x14: {  	s2 =	sld [smem:$0x3F93];
	s0 =	simm.s32 @p1 $0x1  }
0x15: {  	[smem:$0x3FB0] =	sst s0;
	s0 =	simm.s32 @!p2 $0x0  }
0x16: {  	s3 =	sld [smem:$0x3FDB];
	s0 =	simm.s32 @p2 $0x1  }
0x17: {  	s4 =	simm.s32 $0x1BF5;
	[smem:$0x3FB2] =	sst s0  }
0x18: {  	s0 =	sld [smem:$0x3F95];
	_ =	swait.ge [sflag:s4], $0x0  }
0x19: {  	s7 =	sld [smem:$0x3F96]  }
0x1a: {  	s8 =	sadd.s32 $0xFFFFE003, lr  }
0x1b: {  	s9 =	sadd.s32 $0xFFFFFEF7, lr;
	s5 =	simm.s32 $0xFFFFFFFF;
	p2 =	slt.u32 s8, $0xFFFFF086  }
0x1c: {  	p1 =	slt.u32 s9, $0xF7A;
	s5 =	simm.s32 @!p2 $0x0  }
0x1d: {  	s5 =	simm.s32 @p1 $0x1;
	p0 =	seq.s32 s7, s2  }
0x1e: {  	s7 =	smul.u32 @!p0 $0xF7A, s2;
	p2 =	seq.s32 @!p0 s5, $0x0  }
0x1f: {  	s9 =	smul.u32 $0xF7A, s1;
	s8 =	simm.s32 @!p0 $0x1BF5;
	p2 =	por !p2, p0  }
0x20: {  	[sflag:s8] =	ssyncset.s32 @!p0 $0xFFFFF086;
	s6 =	sadd.s32 @!p0 s3, s7;
	s7 =	simm.s32 @!p0 $0x108  }
0x21: {  	s3 =	sadd.s32 s3, s9;
	s6 =	sadd.s32 @!p0 $0x88, s6;
	s7 =	simm.s32 @p2 $0x1082  }
0x22: {  	[simem:s7], [sflag:s8] =	dma.local @!p0 [hbm:s6], $0xF7A  }
0x23: {  	s9 =	sor.u32 $0xD0000000, s2;
	s6 =	simm.s32 $0x108;
	_ =	swait.ge @!p0 [sflag:s8], $0x0  }
0x24: {  	s3 =	sadd.s32 $0x88, s3;
	s6 =	simm.s32 @!p1 $0x1082;
	[sflag:s4] =	ssyncset.s32 $0xFFFFF086  }
0x25: {  	[simem:s6], [sflag:s4] =	dma.local [hbm:s3], $0xF7A  }
0x26: {  	[smem:$0x3F96] =	sst s1;
	(tag) =	ssettag s2;
	_ =	strace s9  }
0x27: {  	s1 =	sld [smem:$0x3FA6]  }
0x28: {  	s2 =	sld [smem:$0x3FA7]  }
0x29: {  	s4 =	sld [smem:$0x3FA9]  }
0x2a: {  	p0 =	seq.s32 s5, $0x0;
	s5 =	sld [smem:$0x3FAA]  }
0x2b: {  	s6 =	sld [smem:$0x3FAB]  }
0x2c: {  	s7 =	sld [smem:$0x3FAC]  }
0x2d: {  	s3 =	simm.s32 $0x108;
	s8 =	sld [smem:$0x3FAD]  }
0x2e: {  	s3 =	simm.s32 @!p0 $0x1082;
	s9 =	sld [smem:$0x3FAE]  }
0x2f: {  	lr =	sadd.s32 s0, s3;
	s0 =	sld [smem:$0x3FA5]  }
0x30: {  	s3 =	sld [smem:$0x3FA8]  }
0x31: {  	[smem:$0x3FB1] =	sst s10  }
0x32: {  	s10 =	sld [smem:$0x3FAF];
	_ =	sdelay $0x3  }
0x33: {  	p0 =	seq.s32 s10, $0x1;
	s10 =	sld [smem:$0x3FB1];
	_ =	sdelay $0x3  }
0x34: {  	[smem:$0x3FB1] =	sst s10  }
0x35: {  	s10 =	sld [smem:$0x3FB0];
	_ =	sdelay $0x3  }
0x36: {  	p1 =	seq.s32 s10, $0x1;
	s10 =	sld [smem:$0x3FB1];
	_ =	sdelay $0x3  }
0x37: {  	[smem:$0x3FB1] =	sst s10  }
0x38: {  	s10 =	sld [smem:$0x3FB2]  }
0x39: {  	_ = 	snop;
	(pc) =	sbr.ind lr, $3  }
0x3a: {  	_ = 	snop  }
0x3b: {  	_ = 	snop  }
0x3c: {  	p2 =	seq.s32 s10, $0x1;
	s10 =	sld [smem:$0x3FB1]  }
0x3d: {  	_ =	shalt  }
0x3e: {  	_ =	shalt  }
0x3f: {  	_ =	shalt  }
0x40: {  	_ =	shalt  }
0x41: {  	_ =	shalt  }
0x42: {  	_ =	shalt  }
0x43: {  	_ =	shalt  }
0x44: {  	_ =	shalt  }
0x45: {  	_ =	shalt  }
0x46: {  	_ =	shalt  }
0x47: {  	_ =	shalt  }
0x48: {  	_ =	shalt  }
0x49: {  	_ =	shalt  }
0x4a: {  	_ =	shalt  }
0x4b: {  	_ =	shalt  }
0x4c: {  	_ =	shalt  }
0x4d: {  	_ =	shalt  }
0x4e: {  	_ =	shalt  }
0x4f: {  	_ =	shalt  }
0x50: {  	_ =	shalt  }
0x51: {  	_ =	shalt  }
0x52: {  	_ =	shalt  }
0x53: {  	_ =	shalt  }
0x54: {  	_ =	shalt  }
0x55: {  	_ =	shalt  }
0x56: {  	_ =	shalt  }
0x57: {  	_ =	shalt  }
0x58: {  	_ =	shalt  }
0x59: {  	_ =	shalt  }
0x5a: {  	_ =	shalt  }
0x5b: {  	_ =	shalt  }
0x5c: {  	_ =	shalt  }
0x5d: {  	_ =	shalt  }
0x5e: {  	_ =	shalt  }
0x5f: {  	_ =	shalt  }
0x60: {  	_ =	shalt  }
0x61: {  	_ =	shalt  }
0x62: {  	_ =	shalt  }
0x63: {  	_ =	shalt  }
0x64: {  	_ =	shalt  }
0x65: {  	_ =	shalt  }
0x66: {  	_ =	shalt  }
0x67: {  	_ =	shalt  }
0x68: {  	_ =	shalt  }
0x69: {  	_ =	shalt  }
0x6a: {  	_ =	shalt  }
0x6b: {  	_ =	shalt  }
0x6c: {  	_ =	shalt  }
0x6d: {  	_ =	shalt  }
0x6e: {  	_ =	shalt  }
0x6f: {  	_ =	shalt  }
0x70: {  	_ =	shalt  }
0x71: {  	_ =	shalt  }
0x72: {  	_ =	shalt  }
0x73: {  	_ =	shalt  }
0x74: {  	_ =	shalt  }
0x75: {  	_ =	shalt  }
0x76: {  	_ =	shalt  }
0x77: {  	_ =	shalt  }
0x78: {  	_ =	shalt  }
0x79: {  	_ =	shalt  }
0x7a: {  	_ =	shalt  }
0x7b: {  	_ =	shalt  }
0x7c: {  	_ =	shalt  }
0x7d: {  	_ =	shalt  }
0x7e: {  	_ =	shalt  }
0x7f: {  	_ =	shalt  }
0x80: {  	_ =	shalt  }
0x81: {  	_ =	shalt  }
0x82: {  	_ =	shalt  }
0x83: {  	_ =	shalt  }
0x84: {  	_ =	shalt  }
0x85: {  	_ =	shalt  }
0x86: {  	_ =	shalt  }
0x87: {  	_ =	shalt  }
.Lfunc_end0:
.L_simem_size_0:
called_computation.3_lowered:
.L_overlay_start_0:
0x88: {  	s2 =	sld [smem:$0x3FD9]  }
0x89: {  	s3 =	sld [smem:$0x3FFE];
	_ =	sdelay $0x1  }
0x8a: {  	s1 =	srdreg.scid  }
0x8b: {  	s0 =	sand.u32 $0x1, s1  }
0x8c: {  	s17 =	sshll.u32 s0, $0xA;
	s2 =	sadd.s32 s3, s2  }
0x8d: {  	s2 =	sadd.s32 s2, s17  }
0x8e: {  	[smem:$0x3FBD] =	sst s2  }
0x8f: {  	_ = 	snop  }
0x90: {  	s2 =	sld [smem:$0x3FD0];
	(tm) =	ssettm $0x1  }
0x91: {  	s18 =	sld [smem:$0x3FFB];
	_ =	sdelay $0x3  }
0x92: {  	_ =	strace s18  }
0x93: {  	s3 =	sld [smem:$0x3FFC];
	_ =	sdelay $0x3  }
0x94: {  	_ =	strace s3  }
0x95: {  	s3 =	sld [smem:$0x3FFD];
	_ =	sdelay $0x3  }
0x96: {  	_ =	strace s3  }
0x97: {  	_ =	strace $0x8FFFFFFF  }
0x98: {  	s19 =	sld [smem:$0x3FDB];
	_ =	sdelay $0x1  }
0x99: {  	s4 =	simm.s32 $_scs_section_size  }
0x9a: {  	s5 =	simm.s32 $_size__tile_overlayer_lowered;
	s6 =	simm.s32 $_tile_overlayer_lowered  }
0x9b: {  	s22 =	simm.s32 $0x1BFF;
	s21 =	sshll.u32 s6, $0x1;
	s3 =	sadd.s32 s4, s19  }
0x9c: {  	s7 =	simm.s32 $0x0;
	s20 =	sshll.u32 s5, $0x1;
	s5 =	sadd.s32 s21, s3  }
0x9d: {  	[timem:s7], [sflag:s22] =	dma.local [hbm:s5], s20  }
0x9e: {  	_ =	swait.ge [sflag:s22], s20  }
0x9f: {  	s4 =	ssub.s32 $0x0, s20;
	[sflag:s22] =	ssyncset.done $0x0  }
0xa0: {  	[sflag:s22] =	ssyncadd.s32 s4;
	_ =	sdelay $0x1  }
0xa1: {  	s23 =	simm.s32 $0x1B8B  }
0xa2: {  	_ =	swait.ge [sflag:s23], $0x1  }
0xa3: {  	[sflag:s23] =	ssyncset.done $0x0  }
0xa4: {  	s25 =	simm.s32 $0x1B8E;
	s24 =	sld [smem:$0x3FFE];
	[sflag:s23] =	ssyncadd.s32 $0xFFFFFFFF  }
0xa5: {  	s26 =	simm.s32 $execute0_lowered;
	[smem:$0x3FD2] =	sst s25  }
0xa6: {  	s5 =	sshll.u32 s26, $0x1;
	_ =	strace $0x8000004F;
	[dreg:$0x1] =	wrdreg $0xFFFFFFFF  }
0xa7: {  	s28 =	simm.s32 $_size_execute0_lowered;
	s3 =	sadd.s32 s3, s5;
	[dreg:$0x0] =	wrdreg $0x0  }
0xa8: {  	s5 =	sshll.u32 s28, $0x1;
	[dreg:$0x2] =	wrdreg s3  }
0xa9: {  	[dreg:$0x3] =	wrdreg s5  }
0xaa: {  	[dreg:$0x4] =	wrdreg $0xC0  }
0xab: {  	_ =	task [dreg:s7], $0x5FFFF  }
0xac: {  	[dreg:$0x1] =	wrdreg $0xFFFFFFFF  }
0xad: {  	[dreg:$0x0] =	wrdreg $0x60  }
0xae: {  	[dreg:$0x2] =	wrdreg s2  }
0xaf: {  	[dreg:$0x3] =	wrdreg s24  }
0xb0: {  	[dreg:$0x4] =	wrdreg $0xAA000  }
0xb1: {  	[dreg:$0x5] =	wrdreg $0x9  }
0xb2: {  	_ =	task.clear_ibuf [dreg:s7], $0x6FFFF;
	_ =	strace $0x9000004F  }
0xb3: {  	s29 =	simm.s32 $0x9;
	_ =	strace $0x80000051  }
0xb4: {  	_ =	swait.ge [sflag:s29], $0x1  }
0xb5: {  	[sflag:s29] =	ssyncadd.s32 $0xFFFFFFFF  }
0xb6: {  	_ =	strace $0x90000051  }
0xb7: {  	_ =	sfence  }
0xb8: {  	s30 =	sld [smem:$0x0];
	_ =	sdelay $0x2  }
0xb9: {  	s31 =	sshll.u32 s1, $0xD;
	s1 =	sshrl.u32 s1, $0x2  }
0xba: {  	s3 =	sand.u32 $0x4000, s31;
	s1 =	sadd.s32 s1, s30  }
0xbb: {  	s0 =	sor.u32 s3, s0;
	s1 =	sshll.u32 s1, $0x11  }
0xbc: {  	s0 =	sor.u32 s1, s0  }
0xbd: {  	s0 =	sadd.s32 $0x8F2B, s0  }
0xbe: {  	[sflag:s0] =	ssyncadd.remote.s32 $0x1  }
0xbf: {  	_ =	sfence.sel $0xFFFF  }
0xc0: {  	[dreg:$0x0] =	wrdreg $0xFFFFFFFF;
	(pc) =	sbr.abs _section_cstart, $3  }
0xc1: {  	[dreg:$0x1] =	wrdreg $0xFFFFFFFF  }
0xc2: {  	_ =	task.clear_ibuf [dreg:s7], $0x2FFFF;
	_ =	strace $0x9FFFFFFF  }
0xc3: {  	(tm) =	ssettm $0x7FFFFFFF  }
tec
execute0_lowered:
.L_overlay_start_1:
0x0: {  	(tag) =	ssettag $0x1  }
0x1: {  	s0 =	srdreg.scid;
	s1 =	rddreg [dreg:$0x0]  }
0x2: {  	s12 =	stileid.u32;
	s5 =	rddreg [dreg:$0x1]  }
0x3: {  	s3 =	rddreg [dreg:$0x2];
	s4 =	simm.s32 $0x0;
	s17 =	simm.s32 $0x80  }
0x4: {  	s18 =	simm.s32 $0x100;
	s19 =	simm.s32 $0x180;
	s28 =	simm.s32 $0x5  }
0x5: {  	s29 =	simm.s32 $0x2;
	s30 =	simm.s32 $0x6;
	s6 =	smul.u32 $0x13C00, s12  }
0x6: {  	s31 =	simm.s32 $0x0;
	s0 =	sand.u32 $0x1, s0;
	s21 =	smul.u32 $0x4F000, s12  }
0x7: {  	s2 =	sshll.u32 s12, $0x1;
	[smem:$0x7FF] =	sst s4;
	s12 =	smul.u32 $0xA0, s12  }
0x8: {  	s8 =	sadd.s32 $0x135E00, s5;
	s2 =	sor.u32 s0, s2;
	s7 =	smul.u32 $0x13C000, s0  }
0x9: {  	_ =	strace $0x80000050;
	s11 =	ssub.s32 $0x2, s0;
	s0 =	smul.u32 $0x50, s0  }
0xa: {  	s2 =	smul.u32 $0x500, s2;
	s10 =	sshrl.u32 s6, $0x3;
	s13 =	sshrl.u32 s11, $0x1  }
0xb: {  	s6 =	sadd.s32 s6, s7;
	s20 =	sadd.s32 s10, s5;
	s22 =	ssub.s32 s11, s13  }
0xc: {  	s10 =	sshrl.u32 s21, $0x2;
	s0 =	sadd.s32 s0, s12;
	s21 =	simm.s32 $0x2A00  }
0xd: {  	s9 =	sadd.s32 s2, s5;
	s6 =	sshrl.u32 s6, $0x3;
	s26 =	sadd.s32 s10, s3  }
0xe: {  	s0 =	sshll.u32 s0, $0x4;
	s7 =	sadd.s32 $0x17600, s20;
	s13 =	smax.u32 s22, $0x1  }
0xf: {  	s20 =	simm.s32 $0x3;
	s6 =	sadd.s32 s6, s5;
	[dreg:$0x8] =	wrdreg s26  }
0x10: {  	s5 =	sadd.s32 s8, s2;
	s9 =	sadd.s32 $0xD600, s9;
	[dreg:$0x9] =	wrdreg s7  }
0x11: {  	s22 =	simm.s32 $0x4;
	s23 =	sadd.s32 $0x10, s5;
	[dreg:$0x7] =	wrdreg s9  }
.Ltmp0:
0x12: {  	s24 =	sadd.s32 $0x20, s5;
	[dreg:$0x4] =	wrdreg s23;
	(pc) =	sbr.rel .LBB2_1-.Ltmp0, $4  }
0x13: {  	s0 =	sadd.s32 s0, s8;
	s25 =	sadd.s32 $0x30, s5;
	[dreg:$0x5] =	wrdreg s24  }
0x14: {  	s26 =	simm.s32 $0x1;
	s6 =	sadd.s32 $0x3EE00, s6;
	[dreg:$0x6] =	wrdreg s25  }
0x15: {  	s7 =	sadd.s32 $0x70, s0;
	[dreg:$0xa] =	wrdreg s6;
	s6 =	sadd.s32 $0x60, s0  }
0x16: {  	s24 =	sadd.s32 $0x40, s0;
	s23 =	simm.s32 $0x6A00;
	s25 =	simm.s32 $0x7  }
.LBB2_4:
0x17: {  	_ =	swait.ge [sflag:s29], $0x4000  }
0x18: {  	[sflag:s29] =	ssyncset.done $0x0  }
0x19: {  	[sflag:s29] =	ssyncadd.s32 $0xFFFFC000  }
0x1a: {  	[spmem:s3] =	stream.indirect.scatter.add.f32 [tilespmem:s23], [sflag:$0x7], $0x80, s9, s17, $0xb8;
	[tilespmem:$0x1E600] =	vst v63  }
0x1b: {  	_ =	swait.ge [sflag:s25], $0x4000  }
0x1c: {  	[sflag:s25] =	ssyncset.done $0x0  }
0x1d: {  	s31 =	sadd.s32 $0x1, s31;
	[sflag:s25] =	ssyncadd.s32 $0xFFFFC000  }
0x1e: {  	p0 =	sne.s32 s31, s13;
	[bflag:$0x0] =	sbarrier.arrive $0xFFFF  }
.Ltmp1:
0x1f: {  	s8 =	rddreg [dreg:$0xa];
	(pc) =	sbr.rel @!p0 .LBB2_5-.Ltmp1, $4  }
0x20: {  	[hbm:s8], [sflag:s2] =	dma.local [spmem:s0], $0x2780  }
0x21: {  	_ =	swait.ge [sflag:s25], $0x2780  }
0x22: {  	[sflag:s25] =	ssyncset.done $0x0  }
0x23: {  	[sflag:s25] =	ssyncadd.s32 $0xFFFFD880  }
.LBB2_1:
0x24: {  	[tilespmem:s4], [sflag:$0x3] =	stream.linear.gather [hbm4b:s5+s4], $0x80, $0x38;
	[tilespmem:$0x1E600] =	vst v63  }
0x25: {  	s0 =	rddreg [dreg:$0x4]  }
0x26: {  	[tilespmem:s17], [sflag:$0x4] =	stream.linear.gather [hbm4b:s0+s4], $0x80, $0x38;
	[tilespmem:$0x1E600] =	vst v63  }
0x27: {  	s11 =	rddreg [dreg:$0x5]  }
0x28: {  	[tilespmem:s18], [sflag:$0x5] =	stream.linear.gather [hbm4b:s11+s4], $0x80, $0x38;
	[tilespmem:$0x1E600] =	vst v63  }
0x29: {  	s12 =	rddreg [dreg:$0x6]  }
0x2a: {  	[tilespmem:s19], [sflag:$0x6] =	stream.linear.gather [hbm4b:s12+s4], $0x80, $0x38;
	[tilespmem:$0x1E600] =	vst v63  }
0x2b: {  	_ =	swait.ge [sflag:s20], $0x80  }
0x2c: {  	[sflag:s20] =	ssyncset.done $0x0  }
0x2d: {  	[sflag:s20] =	ssyncadd.s32 $0xFFFFFF80  }
0x2e: {  	[tilespmem:s21], [sflag:$0x1] =	stream.indirect.gather [hbm4b:s1+s17], $0x80, s4, s17, $0xb8;
	[tilespmem:$0x1E600] =	vst v63  }
0x2f: {  	_ =	swait.ge [sflag:s22], $0x80  }
0x30: {  	[sflag:s22] =	ssyncset.done $0x0  }
0x31: {  	[sflag:s22] =	ssyncadd.s32 $0xFFFFFF80  }
0x32: {  	[tilespmem:s23], [sflag:$0x2] =	stream.indirect.gather [hbm4b:s1+s17], $0x80, s17, s17, $0xb8;
	[tilespmem:$0x1E600] =	vst v63  }
0x33: {  	s2 =	simm.s32 $0x200;
	s15 =	stileid.u32;
	s14 =	rddreg [dreg:$0x7]  }
0x34: {  	[tilespmem:s2], [sflag:$0x7] =	stream.linear.gather [hbm4b:s14+s4], $0x2800, $0x38;
	[tilespmem:$0x1E600] =	vst v63  }
0x35: {  	s0 =	sshll.u32 s15, $0x6;
	_ =	swait.ge [sflag:s25], $0x2800  }
0x36: {  	s2 =	sor.u32 $0x1C07, s0;
	[sflag:s25] =	ssyncset.done $0x0;
	s16 =	rddreg [dreg:$0x8]  }
0x37: {  	s8 =	rddreg [dreg:$0x9];
	[sflag:s25] =	ssyncadd.s32 $0xFFFFD800;
	s0 =	sshrl.u32 s16, $0x3  }
0x38: {  	[spmem:s0], [sflag:s2] =	dma.local [hbm:s8], $0x2780  }
0x39: {  	_ =	swait.ge [sflag:s25], $0x2780  }
0x3a: {  	[sflag:s25] =	ssyncset.done $0x0  }
0x3b: {  	s15 =	smov.u32 s6;
	s14 =	smov.u32 s7;
	[sflag:s25] =	ssyncadd.s32 $0xFFFFD880  }
0x3c: {  	s16 =	smov.u32 s24;
	s8 =	simm.s32 $0x0;
	[bflag:$0x0] =	sbarrier.arrive $0xFFFF  }
.LBB2_2:
0x3d: {  	_ =	swait.ge [sflag:s26], $0x4000  }
0x3e: {  	s9 =	sshra.s32 s8, $0x2;
	[sflag:s26] =	ssyncset.done $0x0  }
0x3f: {  	s10 =	sadd.s32 $0x200, s9;
	[sflag:s26] =	ssyncadd.s32 $0xFFFFC000  }
0x40: {  	[spmem:s3] =	stream.indirect.scatter.add.f32 [tilespmem:s21], [sflag:$0x7], $0x80, s10, s17, $0xb8;
	[tilespmem:$0x1E600] =	vst v63  }
0x41: {  	_ =	swait.ge [sflag:s25], $0x4000  }
0x42: {  	p0 =	seq.s32 s8, $0x9800;
	[sflag:s25] =	ssyncset.done $0x0  }
0x43: {  	s10 =	simm.s32 @!p0 $0x0;
	[sflag:s25] =	ssyncadd.s32 $0xFFFFC000  }
0x44: {  	[tilespmem:s10], [sflag:$0x3] =	stream.linear.gather @!p0 [hbm4b:s16+s10], $0x80, $0x38;
	[tilespmem:$0x1E600] =	vst v63  }
0x45: {  	_ =	swait.ge [sflag:s28], $0x80  }
0x46: {  	[sflag:s28] =	ssyncset.done $0x0  }
0x47: {  	[sflag:s28] =	ssyncadd.s32 $0xFFFFFF80  }
0x48: {  	[tilespmem:s21], [sflag:$0x1] =	stream.indirect.gather [hbm4b:s1+s17], $0x80, s18, s17, $0xb8;
	[tilespmem:$0x1E600] =	vst v63  }
0x49: {  	_ =	swait.ge [sflag:s29], $0x4000  }
0x4a: {  	[sflag:s29] =	ssyncset.done $0x0  }
0x4b: {  	s11 =	sadd.s32 $0x280, s9;
	[sflag:s29] =	ssyncadd.s32 $0xFFFFC000  }
0x4c: {  	[spmem:s3] =	stream.indirect.scatter.add.f32 [tilespmem:s23], [sflag:$0x7], $0x80, s11, s17, $0xb8;
	[tilespmem:$0x1E600] =	vst v63  }
0x4d: {  	_ =	swait.ge [sflag:s25], $0x4000  }
0x4e: {  	[sflag:s25] =	ssyncset.done $0x0  }
0x4f: {  	s12 =	simm.s32 @!p0 $0x80;
	s11 =	sadd.s32 @!p0 $0xFFFFFFE0, s14;
	[sflag:s25] =	ssyncadd.s32 $0xFFFFC000  }
0x50: {  	[tilespmem:s12], [sflag:$0x4] =	stream.linear.gather @!p0 [hbm4b:s11+s10], $0x80, $0x38;
	[tilespmem:$0x1E600] =	vst v63  }
0x51: {  	_ =	swait.ge [sflag:s30], $0x80  }
0x52: {  	[sflag:s30] =	ssyncset.done $0x0  }
0x53: {  	[sflag:s30] =	ssyncadd.s32 $0xFFFFFF80  }
0x54: {  	[tilespmem:s23], [sflag:$0x2] =	stream.indirect.gather [hbm4b:s1+s17], $0x80, s19, s17, $0xb8;
	[tilespmem:$0x1E600] =	vst v63  }
0x55: {  	_ =	swait.ge [sflag:s26], $0x4000  }
0x56: {  	[sflag:s26] =	ssyncset.done $0x0  }
.Ltmp2:
0x57: {  	s12 =	sadd.s32 $0x300, s9;
	[sflag:s26] =	ssyncadd.s32 $0xFFFFC000;
	(pc) =	sbr.rel @p0 .LBB2_4-.Ltmp2, $4  }
0x58: {  	[spmem:s3] =	stream.indirect.scatter.add.f32 [tilespmem:s21], [sflag:$0x7], $0x80, s12, s17, $0xb8;
	[tilespmem:$0x1E600] =	vst v63  }
0x59: {  	_ =	swait.ge [sflag:s25], $0x4000  }
0x5a: {  	[sflag:s25] =	ssyncset.done $0x0  }
0x5b: {  	s9 =	sadd.s32 $0x380, s9;
	[sflag:s25] =	ssyncadd.s32 $0xFFFFC000  }
0x5c: {  	[tilespmem:s18], [sflag:$0x5] =	stream.linear.gather [hbm4b:s15+s4], $0x80, $0x38;
	[tilespmem:$0x1E600] =	vst v63  }
0x5d: {  	_ =	swait.ge [sflag:s20], $0x80  }
0x5e: {  	[sflag:s20] =	ssyncset.done $0x0  }
0x5f: {  	[sflag:s20] =	ssyncadd.s32 $0xFFFFFF80  }
0x60: {  	[tilespmem:s21], [sflag:$0x1] =	stream.indirect.gather [hbm4b:s1+s17], $0x80, s4, s17, $0xb8;
	[tilespmem:$0x1E600] =	vst v63  }
0x61: {  	_ =	swait.ge [sflag:s29], $0x4000  }
0x62: {  	[sflag:s29] =	ssyncset.done $0x0  }
0x63: {  	[sflag:s29] =	ssyncadd.s32 $0xFFFFC000  }
0x64: {  	[spmem:s3] =	stream.indirect.scatter.add.f32 [tilespmem:s23], [sflag:$0x7], $0x80, s9, s17, $0xb8;
	[tilespmem:$0x1E600] =	vst v63  }
0x65: {  	_ =	swait.ge [sflag:s25], $0x4000  }
0x66: {  	[sflag:s25] =	ssyncset.done $0x0  }
0x67: {  	[sflag:s25] =	ssyncadd.s32 $0xFFFFC000  }
0x68: {  	[tilespmem:s19], [sflag:$0x6] =	stream.linear.gather [hbm4b:s14+s4], $0x80, $0x38;
	[tilespmem:$0x1E600] =	vst v63  }
.Ltmp3:
0x69: {  	_ = 	snop;
	(pc) =	sbr.rel .LBB2_2-.Ltmp3, $4  }
0x6a: {  	_ =	swait.ge [sflag:s22], $0x80  }
0x6b: {  	s8 =	sadd.s32 $0x800, s8;
	s15 =	sadd.s32 $0x40, s15;
	[sflag:s22] =	ssyncset.done $0x0  }
0x6c: {  	s16 =	sadd.s32 $0x40, s16;
	s14 =	sadd.s32 $0x40, s14;
	[sflag:s22] =	ssyncadd.s32 $0xFFFFFF80  }
0x6d: {  	[tilespmem:s23], [sflag:$0x2] =	stream.indirect.gather [hbm4b:s1+s17], $0x80, s17, s17, $0xb8;
	[tilespmem:$0x1E600] =	vst v63  }
.LBB2_5:
0x6e: {  	_ =	sfence.sel $0x180000  }
0x6f: {  	[bflag:$0x0] =	sbarrier.arrive $0xFFFF  }
0x70: {  	_ =	strace $0x90000050  }
0x71: {  	s0 =	stileid.u32;
	[bflag:$0x2] =	sbarrier.arrive $0xFFFF  }
0x72: {  	p0 =	sne.s32 s0, $0x0;
	s0 =	rddreg [dreg:$0x3]  }
0x73: {  	s0 =	sadd.s32 @!p0 $0x100000, s0  }
0x74: {  	[sflag:s0] =	ssyncadd.tile.s32 @!p0 $0x1;
	_ =	shalt  }
.Lfunc_end2:
_tile_overlayer_lowered:
.L_overlay_start_2:
0x75: {  	(tag) =	ssettag $0x2  }
0x76: {  	s0 =	rddreg [dreg:$0x0];
	s2 =	stileid.u32  }
0x77: {  	s1 =	rddreg [dreg:$0x1];
	p0 =	sne.s32 s2, $0x0  }
0x78: {  	s3 =	rddreg [dreg:$0x2];
	[bflag:$0x3] =	sbarrier.arrive $0xFFFF;
	s2 =	simm.s32 @!p0 $0x1C07  }
0x79: {  	[timem:s3], [sflag:s2] =	dma.local @!p0 [hbm:s0], s1  }
0x7a: {  	s0 =	simm.s32 @!p0 $0x7  }
0x7b: {  	_ =	swait.ge @!p0 [sflag:s0], s1  }
0x7c: {  	s1 =	ssub.s32 @!p0 $0x0, s1;
	[sflag:s0] =	ssyncset.done @!p0 $0x0  }
0x7d: {  	[sflag:s0] =	ssyncadd.s32 @!p0 s1  }
0x7e: {  	[bflag:$0x3] =	sbarrier.arrive $0xFFFF  }
0x7f: {  	_ =	shalt  }

// kernel: kernel.9.cloned.1.call-start
scs
__scs_entry_jumppad:
0x0: {  	(pc) =	sbr.rel $0x88, $3  }
0x1: {  	(tag) =	ssettag $0x0;
	lr =	simm.s32 $0x1  }
0x2: {  	[smem:$0x3F96] =	sst lr;
	_ =	strace $0xD0000000  }
0x3: {  	_ = 	snop  }
0x4: {  	_ = 	snop  }
0x5: {  	_ = 	snop  }
0x6: {  	_ = 	snop  }
0x7: {  	_ = 	snop  }
__scs_overlays_trampoline_lowered:
0x8: {  	[smem:$0x3FA5] =	sst s0  }
0x9: {  	[smem:$0x3FA6] =	sst s1  }
0xa: {  	[smem:$0x3FA7] =	sst s2  }
0xb: {  	[smem:$0x3FA8] =	sst s3  }
0xc: {  	[smem:$0x3FA9] =	sst s4  }
0xd: {  	[smem:$0x3FAA] =	sst s5  }
0xe: {  	[smem:$0x3FAB] =	sst s6  }
0xf: {  	[smem:$0x3FAC] =	sst s7  }
0x10: {  	[smem:$0x3FAD] =	sst s8  }
0x11: {  	[smem:$0x3FAE] =	sst s9;
	s0 =	simm.s32 @!p0 $0x0  }
0x12: {  	s1 =	sld [smem:$0x3F94];
	s0 =	simm.s32 @p0 $0x1  }
0x13: {  	[smem:$0x3FAF] =	sst s0;
	s0 =	simm.s32 @!p1 $0x0  }
0x14: {  	s2 =	sld [smem:$0x3F93];
	s0 =	simm.s32 @p1 $0x1  }
0x15: {  	[smem:$0x3FB0] =	sst s0;
	s0 =	simm.s32 @!p2 $0x0  }
0x16: {  	s3 =	sld [smem:$0x3FDB];
	s0 =	simm.s32 @p2 $0x1  }
0x17: {  	s4 =	simm.s32 $0x1BF5;
	[smem:$0x3FB2] =	sst s0  }
0x18: {  	s0 =	sld [smem:$0x3F95];
	_ =	swait.ge [sflag:s4], $0x0  }
0x19: {  	s7 =	sld [smem:$0x3F96]  }
0x1a: {  	s8 =	sadd.s32 $0xFFFFE003, lr  }
0x1b: {  	s9 =	sadd.s32 $0xFFFFFEF7, lr;
	s5 =	simm.s32 $0xFFFFFFFF;
	p2 =	slt.u32 s8, $0xFFFFF086  }
0x1c: {  	p1 =	slt.u32 s9, $0xF7A;
	s5 =	simm.s32 @!p2 $0x0  }
0x1d: {  	s5 =	simm.s32 @p1 $0x1;
	p0 =	seq.s32 s7, s2  }
0x1e: {  	s7 =	smul.u32 @!p0 $0xF7A, s2;
	p2 =	seq.s32 @!p0 s5, $0x0  }
0x1f: {  	s9 =	smul.u32 $0xF7A, s1;
	s8 =	simm.s32 @!p0 $0x1BF5;
	p2 =	por !p2, p0  }
0x20: {  	[sflag:s8] =	ssyncset.s32 @!p0 $0xFFFFF086;
	s6 =	sadd.s32 @!p0 s3, s7;
	s7 =	simm.s32 @!p0 $0x108  }
0x21: {  	s3 =	sadd.s32 s3, s9;
	s6 =	sadd.s32 @!p0 $0x88, s6;
	s7 =	simm.s32 @p2 $0x1082  }
0x22: {  	[simem:s7], [sflag:s8] =	dma.local @!p0 [hbm:s6], $0xF7A  }
0x23: {  	s9 =	sor.u32 $0xD0000000, s2;
	s6 =	simm.s32 $0x108;
	_ =	swait.ge @!p0 [sflag:s8], $0x0  }
0x24: {  	s3 =	sadd.s32 $0x88, s3;
	s6 =	simm.s32 @!p1 $0x1082;
	[sflag:s4] =	ssyncset.s32 $0xFFFFF086  }
0x25: {  	[simem:s6], [sflag:s4] =	dma.local [hbm:s3], $0xF7A  }
0x26: {  	[smem:$0x3F96] =	sst s1;
	(tag) =	ssettag s2;
	_ =	strace s9  }
0x27: {  	s1 =	sld [smem:$0x3FA6]  }
0x28: {  	s2 =	sld [smem:$0x3FA7]  }
0x29: {  	s4 =	sld [smem:$0x3FA9]  }
0x2a: {  	p0 =	seq.s32 s5, $0x0;
	s5 =	sld [smem:$0x3FAA]  }
0x2b: {  	s6 =	sld [smem:$0x3FAB]  }
0x2c: {  	s7 =	sld [smem:$0x3FAC]  }
0x2d: {  	s3 =	simm.s32 $0x108;
	s8 =	sld [smem:$0x3FAD]  }
0x2e: {  	s3 =	simm.s32 @!p0 $0x1082;
	s9 =	sld [smem:$0x3FAE]  }
0x2f: {  	lr =	sadd.s32 s0, s3;
	s0 =	sld [smem:$0x3FA5]  }
0x30: {  	s3 =	sld [smem:$0x3FA8]  }
0x31: {  	[smem:$0x3FB1] =	sst s10  }
0x32: {  	s10 =	sld [smem:$0x3FAF];
	_ =	sdelay $0x3  }
0x33: {  	p0 =	seq.s32 s10, $0x1;
	s10 =	sld [smem:$0x3FB1];
	_ =	sdelay $0x3  }
0x34: {  	[smem:$0x3FB1] =	sst s10  }
0x35: {  	s10 =	sld [smem:$0x3FB0];
	_ =	sdelay $0x3  }
0x36: {  	p1 =	seq.s32 s10, $0x1;
	s10 =	sld [smem:$0x3FB1];
	_ =	sdelay $0x3  }
0x37: {  	[smem:$0x3FB1] =	sst s10  }
0x38: {  	s10 =	sld [smem:$0x3FB2]  }
0x39: {  	_ = 	snop;
	(pc) =	sbr.ind lr, $3  }
0x3a: {  	_ = 	snop  }
0x3b: {  	_ = 	snop  }
0x3c: {  	p2 =	seq.s32 s10, $0x1;
	s10 =	sld [smem:$0x3FB1]  }
0x3d: {  	_ =	shalt  }
0x3e: {  	_ =	shalt  }
0x3f: {  	_ =	shalt  }
0x40: {  	_ =	shalt  }
0x41: {  	_ =	shalt  }
0x42: {  	_ =	shalt  }
0x43: {  	_ =	shalt  }
0x44: {  	_ =	shalt  }
0x45: {  	_ =	shalt  }
0x46: {  	_ =	shalt  }
0x47: {  	_ =	shalt  }
0x48: {  	_ =	shalt  }
0x49: {  	_ =	shalt  }
0x4a: {  	_ =	shalt  }
0x4b: {  	_ =	shalt  }
0x4c: {  	_ =	shalt  }
0x4d: {  	_ =	shalt  }
0x4e: {  	_ =	shalt  }
0x4f: {  	_ =	shalt  }
0x50: {  	_ =	shalt  }
0x51: {  	_ =	shalt  }
0x52: {  	_ =	shalt  }
0x53: {  	_ =	shalt  }
0x54: {  	_ =	shalt  }
0x55: {  	_ =	shalt  }
0x56: {  	_ =	shalt  }
0x57: {  	_ =	shalt  }
0x58: {  	_ =	shalt  }
0x59: {  	_ =	shalt  }
0x5a: {  	_ =	shalt  }
0x5b: {  	_ =	shalt  }
0x5c: {  	_ =	shalt  }
0x5d: {  	_ =	shalt  }
0x5e: {  	_ =	shalt  }
0x5f: {  	_ =	shalt  }
0x60: {  	_ =	shalt  }
0x61: {  	_ =	shalt  }
0x62: {  	_ =	shalt  }
0x63: {  	_ =	shalt  }
0x64: {  	_ =	shalt  }
0x65: {  	_ =	shalt  }
0x66: {  	_ =	shalt  }
0x67: {  	_ =	shalt  }
0x68: {  	_ =	shalt  }
0x69: {  	_ =	shalt  }
0x6a: {  	_ =	shalt  }
0x6b: {  	_ =	shalt  }
0x6c: {  	_ =	shalt  }
0x6d: {  	_ =	shalt  }
0x6e: {  	_ =	shalt  }
0x6f: {  	_ =	shalt  }
0x70: {  	_ =	shalt  }
0x71: {  	_ =	shalt  }
0x72: {  	_ =	shalt  }
0x73: {  	_ =	shalt  }
0x74: {  	_ =	shalt  }
0x75: {  	_ =	shalt  }
0x76: {  	_ =	shalt  }
0x77: {  	_ =	shalt  }
0x78: {  	_ =	shalt  }
0x79: {  	_ =	shalt  }
0x7a: {  	_ =	shalt  }
0x7b: {  	_ =	shalt  }
0x7c: {  	_ =	shalt  }
0x7d: {  	_ =	shalt  }
0x7e: {  	_ =	shalt  }
0x7f: {  	_ =	shalt  }
0x80: {  	_ =	shalt  }
0x81: {  	_ =	shalt  }
0x82: {  	_ =	shalt  }
0x83: {  	_ =	shalt  }
0x84: {  	_ =	shalt  }
0x85: {  	_ =	shalt  }
0x86: {  	_ =	shalt  }
0x87: {  	_ =	shalt  }
.Lfunc_end0:
.L_simem_size_0:
called_computation_lowered:
.L_overlay_start_0:
0x88: {  	s2 =	sld [smem:$0x3FD9]  }
0x89: {  	s3 =	sld [smem:$0x3FFE];
	_ =	sdelay $0x1  }
0x8a: {  	s1 =	srdreg.scid  }
0x8b: {  	s0 =	sand.u32 $0x1, s1  }
0x8c: {  	s17 =	sshll.u32 s0, $0xA;
	s2 =	sadd.s32 s3, s2  }
0x8d: {  	s2 =	sadd.s32 s2, s17  }
0x8e: {  	[smem:$0x3FBD] =	sst s2  }
0x8f: {  	_ = 	snop  }
0x90: {  	s2 =	sld [smem:$0x3FD0];
	(tm) =	ssettm $0x1  }
0x91: {  	s18 =	sld [smem:$0x3FFB];
	_ =	sdelay $0x3  }
0x92: {  	_ =	strace s18  }
0x93: {  	s3 =	sld [smem:$0x3FFC];
	_ =	sdelay $0x3  }
0x94: {  	_ =	strace s3  }
0x95: {  	s3 =	sld [smem:$0x3FFD];
	_ =	sdelay $0x3  }
0x96: {  	_ =	strace s3  }
0x97: {  	_ =	strace $0x8FFFFFFF  }
0x98: {  	s19 =	sld [smem:$0x3FDB];
	_ =	sdelay $0x1  }
0x99: {  	s4 =	simm.s32 $_scs_section_size  }
0x9a: {  	s5 =	simm.s32 $_size__tile_overlayer_lowered;
	s6 =	simm.s32 $_tile_overlayer_lowered  }
0x9b: {  	s22 =	simm.s32 $0x1BFF;
	s21 =	sshll.u32 s6, $0x1;
	s3 =	sadd.s32 s4, s19  }
0x9c: {  	s7 =	simm.s32 $0x0;
	s20 =	sshll.u32 s5, $0x1;
	s5 =	sadd.s32 s21, s3  }
0x9d: {  	[timem:s7], [sflag:s22] =	dma.local [hbm:s5], s20  }
0x9e: {  	_ =	swait.ge [sflag:s22], s20  }
0x9f: {  	s4 =	ssub.s32 $0x0, s20;
	[sflag:s22] =	ssyncset.done $0x0  }
0xa0: {  	[sflag:s22] =	ssyncadd.s32 s4;
	_ =	sdelay $0x1  }
0xa1: {  	s23 =	simm.s32 $0x1B8B  }
0xa2: {  	_ =	swait.ge [sflag:s23], $0x1  }
0xa3: {  	[sflag:s23] =	ssyncset.done $0x0  }
0xa4: {  	s25 =	simm.s32 $0x1B8E;
	s24 =	sld [smem:$0x3FFE];
	[sflag:s23] =	ssyncadd.s32 $0xFFFFFFFF  }
0xa5: {  	s26 =	simm.s32 $execute0_lowered;
	[smem:$0x3FD2] =	sst s25  }
0xa6: {  	s5 =	sshll.u32 s26, $0x1;
	_ =	strace $0x80000046;
	[dreg:$0x1] =	wrdreg $0xFFFFFFFF  }
0xa7: {  	s28 =	simm.s32 $_size_execute0_lowered;
	s3 =	sadd.s32 s3, s5;
	[dreg:$0x0] =	wrdreg $0x0  }
0xa8: {  	s5 =	sshll.u32 s28, $0x1;
	[dreg:$0x2] =	wrdreg s3  }
0xa9: {  	[dreg:$0x3] =	wrdreg s5  }
0xaa: {  	[dreg:$0x4] =	wrdreg $0xC0  }
0xab: {  	_ =	task [dreg:s7], $0x5FFFF  }
0xac: {  	[dreg:$0x1] =	wrdreg $0xFFFFFFFF  }
0xad: {  	[dreg:$0x0] =	wrdreg $0x60  }
0xae: {  	[dreg:$0x2] =	wrdreg s24  }
0xaf: {  	[dreg:$0x3] =	wrdreg s2  }
0xb0: {  	[dreg:$0x4] =	wrdreg $0x68000  }
0xb1: {  	[dreg:$0x5] =	wrdreg $0x9  }
0xb2: {  	_ =	task.clear_ibuf [dreg:s7], $0x6FFFF;
	_ =	strace $0x90000046  }
0xb3: {  	s29 =	simm.s32 $0x9;
	_ =	strace $0x80000048  }
0xb4: {  	_ =	swait.ge [sflag:s29], $0x1  }
0xb5: {  	[sflag:s29] =	ssyncadd.s32 $0xFFFFFFFF  }
0xb6: {  	_ =	strace $0x90000048  }
0xb7: {  	_ =	sfence  }
0xb8: {  	s30 =	sld [smem:$0x0];
	_ =	sdelay $0x2  }
0xb9: {  	s31 =	sshll.u32 s1, $0xD;
	s1 =	sshrl.u32 s1, $0x2  }
0xba: {  	s3 =	sand.u32 $0x4000, s31;
	s1 =	sadd.s32 s1, s30  }
0xbb: {  	s0 =	sor.u32 s3, s0;
	s1 =	sshll.u32 s1, $0x11  }
0xbc: {  	s0 =	sor.u32 s1, s0  }
0xbd: {  	s0 =	sadd.s32 $0x8F2B, s0  }
0xbe: {  	[sflag:s0] =	ssyncadd.remote.s32 $0x1  }
0xbf: {  	_ =	sfence.sel $0xFFFF  }
0xc0: {  	[dreg:$0x0] =	wrdreg $0xFFFFFFFF;
	(pc) =	sbr.abs _section_cstart, $3  }
0xc1: {  	[dreg:$0x1] =	wrdreg $0xFFFFFFFF  }
0xc2: {  	_ =	task.clear_ibuf [dreg:s7], $0x2FFFF;
	_ =	strace $0x9FFFFFFF  }
0xc3: {  	(tm) =	ssettm $0x7FFFFFFF  }
tec
execute0_lowered:
.L_overlay_start_1:
0x0: {  	(tag) =	ssettag $0x1  }
0x1: {  	s1 =	srdreg.scid;
	s5 =	rddreg [dreg:$0x0]  }
0x2: {  	s0 =	stileid.u32;
	s2 =	rddreg [dreg:$0x1]  }
0x3: {  	s3 =	rddreg [dreg:$0x2];
	s4 =	simm.s32 $0x0;
	s15 =	simm.s32 $0x80  }
0x4: {  	s16 =	simm.s32 $0x0;
	s6 =	sand.u32 $0x1, s1;
	s8 =	smul.u32 $0x13C00, s0  }
0x5: {  	s26 =	sshll.u32 s0, $0x1;
	[smem:$0x7FF] =	sst s4;
	s29 =	smul.u32 $0x4F000, s0  }
0x6: {  	s13 =	sshll.u32 s0, $0x6;
	s1 =	sor.u32 s6, s26;
	s9 =	smul.u32 $0x13C000, s6  }
0x7: {  	s6 =	ssub.s32 $0x2, s6;
	s13 =	sor.u32 $0x1C01, s13;
	s7 =	smul.u32 $0x500, s1  }
0x8: {  	s1 =	rddreg [dreg:$0x3];
	_ =	strace $0x80000047;
	s28 =	sshrl.u32 s8, $0x3  }
0x9: {  	s30 =	sshrl.u32 s6, $0x1;
	s31 =	sshrl.u32 s29, $0x2;
	s8 =	sadd.s32 s8, s9  }
0xa: {  	s12 =	ssub.s32 s6, s30;
	s14 =	sadd.s32 s31, s3;
	s10 =	sadd.s32 s7, s5  }
0xb: {  	s7 =	sadd.s32 s28, s5;
	s8 =	sshrl.u32 s8, $0x3;
	s14 =	sshrl.u32 s14, $0x3  }
0xc: {  	s11 =	sadd.s32 s8, s5;
	s5 =	sadd.s32 $0x3600, s10;
	s6 =	sadd.s32 $0x17600, s7  }
0xd: {  	s8 =	sadd.s32 $0xD600, s10;
	s10 =	smax.u32 s12, $0x1;
	s12 =	simm.s32 $0x1  }
0xe: {  	s7 =	sadd.s32 $0x3EE00, s11;
	s9 =	sadd.s32 $0x8DE00, s11;
	s11 =	simm.s32 $0x2800  }
.LBB2_1:
0xf: {  	[tilespmem:s11], [sflag:$0x1] =	stream.linear.gather [hbm4b:s2+s4], $0x4000, $0x38;
	[tilespmem:$0x1A400] =	vst v63  }
0x10: {  	_ =	swait.ge [sflag:s12], $0x4000  }
0x11: {  	[sflag:s12] =	ssyncset.done $0x0  }
0x12: {  	[sflag:s12] =	ssyncadd.s32 $0xFFFFC000  }
0x13: {  	[tilespmem:s4], [sflag:$0x1] =	stream.linear.gather [hbm4b:s5+s4], $0x2800, $0x38;
	[tilespmem:$0x1A400] =	vst v63  }
0x14: {  	_ =	swait.ge [sflag:s12], $0x2800  }
0x15: {  	[sflag:s12] =	ssyncset.done $0x0  }
0x16: {  	[sflag:s12] =	ssyncadd.s32 $0xFFFFD800  }
0x17: {  	[spmem:s14], [sflag:s13] =	dma.local [hbm:s6], $0x2780  }
0x18: {  	_ =	swait.ge [sflag:s12], $0x2780  }
0x19: {  	[sflag:s12] =	ssyncset.done $0x0  }
0x1a: {  	[sflag:s12] =	ssyncadd.s32 $0xFFFFD880  }
0x1b: {  	s17 =	simm.s32 $0x0;
	[bflag:$0x0] =	sbarrier.arrive $0xFFFF  }
0x1c: {  	[spmem:s3] =	stream.indirect.scatter.add.f32 [tilespmem:s11], [sflag:$0x1], $0x80, s17, s15, $0xb8;
	[tilespmem:$0x1A400] =	vst v63  }
0x1d: {  	_ =	swait.ge [sflag:s12], $0x4000  }
0x1e: {  	s17 =	simm.s32 $0x200;
	[sflag:s12] =	ssyncset.done $0x0  }
.LBB2_2:
0x1f: {  	s18 =	sshra.s32 s17, $0x2;
	[sflag:s12] =	ssyncadd.s32 $0xFFFFC000;
	p0 =	sne.s32 s17, $0x9E00  }
0x20: {  	[spmem:s3] =	stream.indirect.scatter.add.f32 [tilespmem:s11], [sflag:$0x1], $0x80, s18, s15, $0xb8;
	[tilespmem:$0x1A400] =	vst v63  }
.Ltmp0:
0x21: {  	_ = 	snop;
	(pc) =	sbr.rel @p0 .LBB2_2-.Ltmp0, $4  }
0x22: {  	_ = 	snop  }
0x23: {  	s17 =	sadd.s32 $0x200, s17  }
0x24: {  	_ =	swait.ge [sflag:s12], $0x4000  }
0x25: {  	[sflag:s12] =	ssyncset.done $0x0  }
0x26: {  	[sflag:s12] =	ssyncadd.s32 $0xFFFFC000  }
0x27: {  	[bflag:$0x0] =	sbarrier.arrive $0xFFFF  }
0x28: {  	[hbm:s7], [sflag:s13] =	dma.local [spmem:s14], $0x2780  }
0x29: {  	_ =	swait.ge [sflag:s12], $0x2780  }
0x2a: {  	[sflag:s12] =	ssyncset.done $0x0  }
0x2b: {  	s17 =	simm.s32 $0x0;
	[sflag:s12] =	ssyncadd.s32 $0xFFFFD880  }
0x2c: {  	[tilespmem:s17], [sflag:$0x1] =	stream.linear.gather [hbm4b:s8+s17], $0x2800, $0x38;
	[tilespmem:$0x1A400] =	vst v63  }
0x2d: {  	_ =	swait.ge [sflag:s12], $0x2800  }
0x2e: {  	[sflag:s12] =	ssyncset.done $0x0  }
0x2f: {  	[sflag:s12] =	ssyncadd.s32 $0xFFFFD800  }
0x30: {  	[spmem:s14], [sflag:s13] =	dma.local [hbm:s6], $0x2780  }
0x31: {  	_ =	swait.ge [sflag:s12], $0x2780  }
0x32: {  	[sflag:s12] =	ssyncset.done $0x0  }
0x33: {  	[sflag:s12] =	ssyncadd.s32 $0xFFFFD880  }
0x34: {  	s31 =	simm.s32 $0x0;
	[bflag:$0x0] =	sbarrier.arrive $0xFFFF  }
0x35: {  	[spmem:s3] =	stream.indirect.scatter.add.f32 [tilespmem:s11], [sflag:$0x1], $0x80, s31, s15, $0xb8;
	[tilespmem:$0x1A400] =	vst v63  }
0x36: {  	_ =	swait.ge [sflag:s12], $0x4000  }
0x37: {  	s17 =	simm.s32 $0x200;
	[sflag:s12] =	ssyncset.done $0x0  }
.LBB2_4:
0x38: {  	s18 =	sshra.s32 s17, $0x2;
	[sflag:s12] =	ssyncadd.s32 $0xFFFFC000;
	p0 =	sne.s32 s17, $0x9E00  }
0x39: {  	[spmem:s3] =	stream.indirect.scatter.add.f32 [tilespmem:s11], [sflag:$0x1], $0x80, s18, s15, $0xb8;
	[tilespmem:$0x1A400] =	vst v63  }
.Ltmp1:
0x3a: {  	_ = 	snop;
	(pc) =	sbr.rel @p0 .LBB2_4-.Ltmp1, $4  }
0x3b: {  	_ = 	snop  }
0x3c: {  	s17 =	sadd.s32 $0x200, s17  }
0x3d: {  	_ =	swait.ge [sflag:s12], $0x4000  }
0x3e: {  	[sflag:s12] =	ssyncset.done $0x0  }
0x3f: {  	s16 =	sadd.s32 $0x1, s16  }
0x40: {  	[sflag:s12] =	ssyncadd.s32 $0xFFFFC000;
	p0 =	sne.s32 s16, s10  }
.Ltmp2:
0x41: {  	[bflag:$0x0] =	sbarrier.arrive $0xFFFF;
	(pc) =	sbr.rel @p0 .LBB2_1-.Ltmp2, $4  }
0x42: {  	[hbm:s9], [sflag:s13] =	dma.local [spmem:s14], $0x2780  }
0x43: {  	_ =	swait.ge [sflag:s12], $0x2780  }
0x44: {  	[sflag:s12] =	ssyncset.done $0x0  }
0x45: {  	[sflag:s12] =	ssyncadd.s32 $0xFFFFD880  }
0x46: {  	_ =	sfence.sel $0x180000  }
0x47: {  	[bflag:$0x0] =	sbarrier.arrive $0xFFFF  }
0x48: {  	p0 =	sne.s32 s0, $0x0;
	_ =	strace $0x90000047  }
0x49: {  	s0 =	sadd.s32 @!p0 $0x100000, s1;
	[bflag:$0x2] =	sbarrier.arrive $0xFFFF  }
0x4a: {  	[sflag:s0] =	ssyncadd.tile.s32 @!p0 $0x1;
	_ =	shalt  }
.Lfunc_end2:
_tile_overlayer_lowered:
.L_overlay_start_2:
0x4b: {  	(tag) =	ssettag $0x2  }
0x4c: {  	s0 =	rddreg [dreg:$0x0];
	s2 =	stileid.u32  }
0x4d: {  	s1 =	rddreg [dreg:$0x1];
	p0 =	sne.s32 s2, $0x0  }
0x4e: {  	s3 =	rddreg [dreg:$0x2];
	[bflag:$0x3] =	sbarrier.arrive $0xFFFF;
	s2 =	simm.s32 @!p0 $0x1C01  }
0x4f: {  	[timem:s3], [sflag:s2] =	dma.local @!p0 [hbm:s0], s1  }
0x50: {  	s0 =	simm.s32 @!p0 $0x1  }
0x51: {  	_ =	swait.ge @!p0 [sflag:s0], s1  }
0x52: {  	s1 =	ssub.s32 @!p0 $0x0, s1;
	[sflag:s0] =	ssyncset.done @!p0 $0x0  }
0x53: {  	[sflag:s0] =	ssyncadd.s32 @!p0 s1  }
0x54: {  	[bflag:$0x3] =	sbarrier.arrive $0xFFFF  }
0x55: {  	_ =	shalt  }

</sc_bundles>
